<compile_context>
chip_gen: v7x
topology: tpu7x:2x2x1
jax: 0.10.2.dev20260603
libtpu: 0.0.44.dev20260713+nightly
codegen_flags: <defaults>
</compile_context>

<pallas_src>
import functools

import jax
import jax.numpy as jnp
from jax import lax
from jax.experimental import pallas as pl
from jax.experimental.pallas import tpu as pltpu
from jax.experimental.pallas import tpu_sc as plsc

NUM_NUMERICAL = 13
NUM_CATEGORIES = 26
NUM_TOKENS = NUM_NUMERICAL + NUM_CATEGORIES
D_TOKEN = 64
VOCAB = 10000
BATCH = 16384

NC, NS = 2, 16
NW = NC * NS
L = 16

DB = D_TOKEN // 8
CU = NUM_CATEGORIES * DB
NU = NUM_NUMERICAL * DB
CHK = 2048
NCHK = BATCH // CHK


def _sc_body(tab_hbm, idx_hbm, x_hbm, w_hbm, bias_hbm, out_hbm,
             strip, idxv, xv, wv, bv, stg0, stg1, ssem0, ssem1, isem, tsem):
    wid = lax.axis_index("s") * NC + lax.axis_index("c")

    pltpu.sync_copy(w_hbm, wv.at[pl.ds(0, D_TOKEN)])
    pltpu.sync_copy(bias_hbm, bv.at[pl.ds(0, D_TOKEN)])

    stgs = (stg0, stg1)
    ssems = (ssem0, ssem1)

    def out_view(t, i, jb):
        return out_hbm.at[t, pl.ds(i * 8, 8), pl.ds(jb * CHK, CHK)]

    def wait_stage(p):
        pltpu.make_async_copy(stgs[p], out_view(0, 0, 0), ssems[p]).wait()

    def fire_strip(u):
        c = lax.div(u, DB)
        i = lax.rem(u, DB)
        pltpu.async_copy(tab_hbm.at[c, pl.ds(i * 8, 8), :], strip, tsem)

    def wait_strip():
        pltpu.make_async_copy(
            tab_hbm.at[0, pl.ds(0, 8), :], strip, tsem).wait()

    def cat_unit(u):
        c = lax.div(u, DB)
        i = lax.rem(u, DB)
        pltpu.async_copy(
            idx_hbm.at[pl.ds(c * BATCH, CHK)], idxv.at[0], isem)

        def chunk2(jb2, _):
            for p in range(2):
                jb = jb2 * 2 + p
                pltpu.make_async_copy(
                    idx_hbm.at[pl.ds(0, CHK)], idxv.at[p], isem).wait()

                @pl.when(jb + 1 < NCHK)
                def _():
                    pltpu.async_copy(
                        idx_hbm.at[pl.ds(c * BATCH + (jb + 1) * CHK, CHK)],
                        idxv.at[1 - p], isem)

                @pl.when(jb2 >= 1)
                def _():
                    wait_stage(p)

                @plsc.parallel_loop(0, CHK // L, unroll=8)
                def _(k):
                    v = idxv[p, pl.ds(k * L, L)]
                    for d in range(8):
                        dvec = jnp.full((L,), d, dtype=jnp.int32)
                        stgs[p][d, pl.ds(k * L, L)] = plsc.load_gather(
                            strip, [dvec, v])
                pltpu.async_copy(
                    stgs[p], out_view(NUM_NUMERICAL + c, i, jb), ssems[p])
            return 0

        lax.fori_loop(0, NCHK // 2, chunk2, 0)
        wait_stage(0)
        wait_stage(1)

    def num_unit(u):
        t = lax.div(u, DB)
        i = lax.rem(u, DB)
        wvec = wv[pl.ds(i * 8, L)]
        bvec = bv[pl.ds(i * 8, L)]
        pltpu.async_copy(
            x_hbm.at[pl.ds(t * BATCH, CHK)], xv.at[0], isem)

        def chunk2(jb2, _):
            for p in range(2):
                jb = jb2 * 2 + p
                pltpu.make_async_copy(
                    x_hbm.at[pl.ds(0, CHK)], xv.at[p], isem).wait()

                @pl.when(jb + 1 < NCHK)
                def _():
                    pltpu.async_copy(
                        x_hbm.at[pl.ds(t * BATCH + (jb + 1) * CHK, CHK)],
                        xv.at[1 - p], isem)

                @pl.when(jb2 >= 1)
                def _():
                    wait_stage(p)

                @plsc.parallel_loop(0, CHK // L, unroll=8)
                def _(k):
                    xvec = xv[p, pl.ds(k * L, L)]
                    for d in range(8):
                        stgs[p][d, pl.ds(k * L, L)] = xvec * wvec[d] + bvec[d]
                pltpu.async_copy(stgs[p], out_view(t, i, jb), ssems[p])
            return 0

        lax.fori_loop(0, NCHK // 2, chunk2, 0)
        wait_stage(0)
        wait_stage(1)

    @pl.when(wid < CU)
    def _():
        fire_strip(wid)

    def sched_iter(k, _):
        u = wid + k * NW
        u2 = lax.rem(wid + L, NW) + k * NW

        @pl.when(u < CU)
        def _():
            wait_strip()
            cat_unit(u)

        @pl.when(u + NW < CU)
        def _():
            fire_strip(u + NW)

        @pl.when(u2 < NU)
        def _():
            num_unit(u2)
        return 0

    lax.fori_loop(0, (CU + NW - 1) // NW, sched_iter, 0)


@jax.jit
def _tokenizer_sc(tab_t, idx1d, x1d, W_num, b_num):
    call = functools.partial(
        pl.kernel,
        mesh=plsc.VectorSubcoreMesh(core_axis_name="c", subcore_axis_name="s"),
        out_type=jax.ShapeDtypeStruct((NUM_TOKENS, D_TOKEN, BATCH), jnp.float32),
        compiler_params=pltpu.CompilerParams(
            use_tc_tiling_on_sc=True, needs_layout_passes=False),
        scratch_types=[
            pltpu.VMEM((8, VOCAB), jnp.float32),
            pltpu.VMEM((2, CHK), jnp.int32),
            pltpu.VMEM((2, CHK), jnp.float32),
            pltpu.VMEM((D_TOKEN + L, ), jnp.float32),
            pltpu.VMEM((D_TOKEN + L, ), jnp.float32),
            pltpu.VMEM((8, CHK), jnp.float32),
            pltpu.VMEM((8, CHK), jnp.float32),
            pltpu.SemaphoreType.DMA,
            pltpu.SemaphoreType.DMA,
            pltpu.SemaphoreType.DMA,
            pltpu.SemaphoreType.DMA,
        ],
    )
    return call(_sc_body)(tab_t, idx1d, x1d, W_num, b_num)


def kernel(x_numerical, x_categorical, W_num, b_num, tables):
    tab_t = jnp.transpose(tables, (0, 2, 1))
    idx1d = x_categorical.astype(jnp.int32).T.reshape(BATCH * NUM_CATEGORIES)
    x1d = x_numerical.T.reshape(BATCH * NUM_NUMERICAL)
    out = _tokenizer_sc(tab_t, idx1d, x1d, W_num, b_num)
    return out.transpose(2, 0, 1)

# --- scband reference (transcript-rebuilt; emitter-appended) ---
"""Pipeline reference for scband-tokenizer-56925496541832 (READ-ONLY COPY).

The authoritative reference and input builder live on the scoring server;
editing this copy changes nothing except your own understanding.
"""

import jax, jax.numpy as jnp
import numpy as np

NUM_NUMERICAL = 13
NUM_CATEGORIES = 26
D_TOKEN = 64
VOCAB = 10000
BATCH = 16384


def setup_inputs(seed: int = 0) -> dict:
    key = jax.random.key(seed)
    k1, k2, k3, k4, k5 = jax.random.split(key, 5)
    x_numerical = jax.random.normal(k1, (BATCH, NUM_NUMERICAL), dtype=jnp.float32)
    x_categorical = jax.random.randint(k2, (BATCH, NUM_CATEGORIES), 0, VOCAB, dtype=jnp.int64)
    # Linear(1, d_token) params
    W_num = jax.random.normal(k3, (D_TOKEN,), dtype=jnp.float32) * 0.02
    b_num = jax.random.normal(k4, (D_TOKEN,), dtype=jnp.float32) * 0.02
    # 26 embedding tables, each [10000, d_token], stacked
    tables = jax.random.normal(k5, (NUM_CATEGORIES, VOCAB, D_TOKEN), dtype=jnp.float32) * 0.02
    return {
        "x_numerical": x_numerical,
        "x_categorical": x_categorical,
        "W_num": W_num,
        "b_num": b_num,
        "tables": tables,
    }


def reference(x_numerical, x_categorical, W_num, b_num, tables):
    # Numerical tokenizer: Linear(1, d_token) applied per feature
    # (B, num_numerical, 1) -> (B, num_numerical, d_token)
    num_tokens = x_numerical[:, :, None] * W_num[None, None, :] + b_num[None, None, :]
    # Categorical: per-field embedding lookup with clamp
    idx = jnp.clip(x_categorical, 0, VOCAB - 1)
    field_ids = jnp.arange(NUM_CATEGORIES)[None, :]  # (1, C) broadcast with (B, C)
    cat_tokens = tables[field_ids, idx]  # (B, num_categories, d_token)
    tokens = jnp.concatenate([num_tokens, cat_tokens], axis=1)
    return tokens

if __name__ == "__main__":
    import jax
    _d = setup_inputs()
    print(jax.jit(kernel)(*tuple(_d.values())))

</pallas_src>

<mosaic_0001>
#map = affine_map<(d0, d1) -> (0, 0, 0)>
#map1 = affine_map<(d0, d1) -> (0)>
module attributes {stable_mosaic.version = 14 : i64} {
  func.func @_sc_body(%arg0: i32, %arg1: i32, %arg2: memref<26x64x10000xf32, #tpu.memory_space<hbm>>, %arg3: memref<425984xi32, #tpu.memory_space<hbm>>, %arg4: memref<212992xf32, #tpu.memory_space<hbm>>, %arg5: memref<64xf32, #tpu.memory_space<hbm>>, %arg6: memref<64xf32, #tpu.memory_space<hbm>>, %arg7: memref<39x64x16384xf32, #tpu.memory_space<hbm>>, %arg8: memref<8x10000xf32, #tpu.memory_space<vmem>>, %arg9: memref<2x2048xi32, #tpu.memory_space<vmem>>, %arg10: memref<2x2048xf32, #tpu.memory_space<vmem>>, %arg11: memref<80xf32, #tpu.memory_space<vmem>>, %arg12: memref<80xf32, #tpu.memory_space<vmem>>, %arg13: memref<8x2048xf32, #tpu.memory_space<vmem>>, %arg14: memref<8x2048xf32, #tpu.memory_space<vmem>>, %arg15: memref<!tpu.dma_semaphore, #tpu.memory_space<semaphore_mem>>, %arg16: memref<!tpu.dma_semaphore, #tpu.memory_space<semaphore_mem>>, %arg17: memref<!tpu.dma_semaphore, #tpu.memory_space<semaphore_mem>>, %arg18: memref<!tpu.dma_semaphore, #tpu.memory_space<semaphore_mem>>) attributes {dimension_semantics = [#tpu.dimension_semantics<core_parallel>, #tpu.dimension_semantics<subcore_parallel>], iteration_bounds = array<i64: 2, 16>, scalar_prefetch = 0 : i64, scratch_operands = 11 : i64, tpu.core_type = #tpu.core_type<sc_vector_subcore>, window_params = [{transform_indices = #map}, {transform_indices = #map1}, {transform_indices = #map1}, {transform_indices = #map1}, {transform_indices = #map1}, {transform_indices = #map}]} {
    %mul3A = arith.constant 2 : i32
    %mul3A_0 = arith.muli %arg1, %mul3A : i32
    %add3A = arith.addi %mul3A_0, %arg0 : i32
    "tpu.region"() ({
      %run_scoped3A = tpu.sem_alloc : memref<!tpu.dma_semaphore, #tpu.memory_space<semaphore_mem>>
      %dma_start3A = arith.constant 0 : i32
      %dma_start3A_9 = tpu.memref_slice %arg11[%dma_start3A] : memref<80xf32, #tpu.memory_space<vmem>> -> memref<64xf32, #tpu.memory_space<vmem>>
      %dma_start3A_10 = arith.constant 0 : i32
      %dma_start3A_11 = tpu.memref_slice %arg11[%dma_start3A_10] : memref<80xf32, #tpu.memory_space<vmem>> -> memref<64xf32, #tpu.memory_space<vmem>>
      tpu.enqueue_dma source(%arg5 : memref<64xf32, #tpu.memory_space<hbm>>) target(%dma_start3A_11 : memref<64xf32, #tpu.memory_space<vmem>>) target_semaphore(%run_scoped3A : memref<!tpu.dma_semaphore, #tpu.memory_space<semaphore_mem>>)
      %dma_wait3A = arith.constant 0 : i32
      %dma_wait3A_12 = tpu.memref_slice %arg11[%dma_wait3A] : memref<80xf32, #tpu.memory_space<vmem>> -> memref<64xf32, #tpu.memory_space<vmem>>
      %dma_wait3A_13 = arith.constant 0 : i32
      %dma_wait3A_14 = tpu.memref_slice %arg11[%dma_wait3A_13] : memref<80xf32, #tpu.memory_space<vmem>> -> memref<64xf32, #tpu.memory_space<vmem>>
      tpu.wait_dma2 semaphore(%run_scoped3A : memref<!tpu.dma_semaphore, #tpu.memory_space<semaphore_mem>>) src(%arg5 : memref<64xf32, #tpu.memory_space<hbm>>) dst(%dma_wait3A_14 : memref<64xf32, #tpu.memory_space<vmem>>)
      tpu.yield
    }) : () -> ()
    "tpu.region"() ({
      %run_scoped3A = tpu.sem_alloc : memref<!tpu.dma_semaphore, #tpu.memory_space<semaphore_mem>>
      %dma_start3A = arith.constant 0 : i32
      %dma_start3A_9 = tpu.memref_slice %arg12[%dma_start3A] : memref<80xf32, #tpu.memory_space<vmem>> -> memref<64xf32, #tpu.memory_space<vmem>>
      %dma_start3A_10 = arith.constant 0 : i32
      %dma_start3A_11 = tpu.memref_slice %arg12[%dma_start3A_10] : memref<80xf32, #tpu.memory_space<vmem>> -> memref<64xf32, #tpu.memory_space<vmem>>
      tpu.enqueue_dma source(%arg6 : memref<64xf32, #tpu.memory_space<hbm>>) target(%dma_start3A_11 : memref<64xf32, #tpu.memory_space<vmem>>) target_semaphore(%run_scoped3A : memref<!tpu.dma_semaphore, #tpu.memory_space<semaphore_mem>>)
      %dma_wait3A = arith.constant 0 : i32
      %dma_wait3A_12 = tpu.memref_slice %arg12[%dma_wait3A] : memref<80xf32, #tpu.memory_space<vmem>> -> memref<64xf32, #tpu.memory_space<vmem>>
      %dma_wait3A_13 = arith.constant 0 : i32
      %dma_wait3A_14 = tpu.memref_slice %arg12[%dma_wait3A_13] : memref<80xf32, #tpu.memory_space<vmem>> -> memref<64xf32, #tpu.memory_space<vmem>>
      tpu.wait_dma2 semaphore(%run_scoped3A : memref<!tpu.dma_semaphore, #tpu.memory_space<semaphore_mem>>) src(%arg6 : memref<64xf32, #tpu.memory_space<hbm>>) dst(%dma_wait3A_14 : memref<64xf32, #tpu.memory_space<vmem>>)
      tpu.yield
    }) : () -> ()
    %lt3A = arith.constant 208 : i32
    %lt3A_1 = arith.cmpi slt, %add3A, %lt3A : i32
    %convert_element_type3A = arith.extui %lt3A_1 : i1 to i32
    %cond3A = arith.constant 0 : i32
    %cond3A_2 = arith.cmpi ne, %convert_element_type3A, %cond3A : i32
    scf.if %cond3A_2 {
      %div3A = arith.constant 8 : i32
      %div3A_9 = arith.divsi %add3A, %div3A : i32
      %rem3A = arith.constant 8 : i32
      %rem3A_10 = arith.remsi %add3A, %rem3A : i32
      %mul3A_11 = arith.constant 8 : i32
      %mul3A_12 = arith.muli %rem3A_10, %mul3A_11 : i32
      %dma_start3A = arith.constant 0 : i32
      %dma_start3A_13 = tpu.memref_slice %arg2[%div3A_9, %mul3A_12, %dma_start3A] : memref<26x64x10000xf32, #tpu.memory_space<hbm>> -> memref<1x8x10000xf32, #tpu.memory_space<hbm>>
      %dma_start3A_14 = tpu.memref_squeeze %dma_start3A_13 : memref<1x8x10000xf32, #tpu.memory_space<hbm>> -> memref<8x10000xf32, #tpu.memory_space<hbm>>
      %dma_start3A_15 = arith.constant 0 : i32
      %dma_start3A_16 = tpu.memref_slice %arg2[%div3A_9, %mul3A_12, %dma_start3A_15] : memref<26x64x10000xf32, #tpu.memory_space<hbm>> -> memref<1x8x10000xf32, #tpu.memory_space<hbm>>
      %dma_start3A_17 = tpu.memref_squeeze %dma_start3A_16 : memref<1x8x10000xf32, #tpu.memory_space<hbm>> -> memref<8x10000xf32, #tpu.memory_space<hbm>>
      tpu.enqueue_dma source(%dma_start3A_17 : memref<8x10000xf32, #tpu.memory_space<hbm>>) target(%arg8 : memref<8x10000xf32, #tpu.memory_space<vmem>>) target_semaphore(%arg18 : memref<!tpu.dma_semaphore, #tpu.memory_space<semaphore_mem>>)
    } else {
    }
    %scan3A = arith.constant 0 : i32
    %scan3A_3 = arith.constant 0 : i32
    %scan3A_4 = arith.constant 7 : i32
    %scan3A_5 = arith.addi %scan3A_3, %scan3A_4 : i32
    %scan3A_6 = arith.constant 1 : i32
    %scan3A_7 = scf.for %scan3A_9 = %scan3A_3 to %scan3A_5 step %scan3A_6 iter_args(%scan3A_10 = %scan3A) -> (i32)  : i32 {
      %mul3A_11 = arith.constant 32 : i32
      %mul3A_12 = arith.muli %scan3A_9, %mul3A_11 : i32
      %add3A_13 = arith.addi %add3A, %mul3A_12 : i32
      %add3A_14 = arith.constant 16 : i32
      %add3A_15 = arith.addi %add3A, %add3A_14 : i32
      %rem3A = arith.constant 32 : i32
      %rem3A_16 = arith.remsi %add3A_15, %rem3A : i32
      %mul3A_17 = arith.constant 32 : i32
      %mul3A_18 = arith.muli %scan3A_9, %mul3A_17 : i32
      %add3A_19 = arith.addi %rem3A_16, %mul3A_18 : i32
      %lt3A_20 = arith.constant 208 : i32
      %lt3A_21 = arith.cmpi slt, %add3A_13, %lt3A_20 : i32
      %convert_element_type3A_22 = arith.extui %lt3A_21 : i1 to i32
      %cond3A_23 = arith.constant 0 : i32
      %cond3A_24 = arith.cmpi ne, %convert_element_type3A_22, %cond3A_23 : i32
      scf.if %cond3A_24 {
        %dma_wait3A = arith.constant 0 : i32
        %dma_wait3A_38 = arith.constant 0 : i32
        %dma_wait3A_39 = arith.constant 0 : i32
        %dma_wait3A_40 = tpu.memref_slice %arg2[%dma_wait3A, %dma_wait3A_38, %dma_wait3A_39] : memref<26x64x10000xf32, #tpu.memory_space<hbm>> -> memref<1x8x10000xf32, #tpu.memory_space<hbm>>
        %dma_wait3A_41 = tpu.memref_squeeze %dma_wait3A_40 : memref<1x8x10000xf32, #tpu.memory_space<hbm>> -> memref<8x10000xf32, #tpu.memory_space<hbm>>
        %dma_wait3A_42 = arith.constant 0 : i32
        %dma_wait3A_43 = arith.constant 0 : i32
        %dma_wait3A_44 = tpu.memref_slice %arg2[%dma_wait3A, %dma_wait3A_42, %dma_wait3A_43] : memref<26x64x10000xf32, #tpu.memory_space<hbm>> -> memref<1x8x10000xf32, #tpu.memory_space<hbm>>
        %dma_wait3A_45 = tpu.memref_squeeze %dma_wait3A_44 : memref<1x8x10000xf32, #tpu.memory_space<hbm>> -> memref<8x10000xf32, #tpu.memory_space<hbm>>
        tpu.wait_dma2 semaphore(%arg18 : memref<!tpu.dma_semaphore, #tpu.memory_space<semaphore_mem>>) src(%dma_wait3A_45 : memref<8x10000xf32, #tpu.memory_space<hbm>>) dst(%arg8 : memref<8x10000xf32, #tpu.memory_space<vmem>>)
        %div3A = arith.constant 8 : i32
        %div3A_46 = arith.divsi %add3A_13, %div3A : i32
        %rem3A_47 = arith.constant 8 : i32
        %rem3A_48 = arith.remsi %add3A_13, %rem3A_47 : i32
        %mul3A_49 = arith.constant 16384 : i32
        %mul3A_50 = arith.muli %div3A_46, %mul3A_49 : i32
        %dma_start3A = arith.constant 0 : i32
        %dma_start3A_51 = arith.constant 0 : i32
        %dma_start3A_52 = tpu.memref_slice %arg9[%dma_start3A, %dma_start3A_51] : memref<2x2048xi32, #tpu.memory_space<vmem>> -> memref<1x2048xi32, #tpu.memory_space<vmem>>
        %dma_start3A_53 = tpu.memref_squeeze %dma_start3A_52 : memref<1x2048xi32, #tpu.memory_space<vmem>> -> memref<2048xi32, #tpu.memory_space<vmem>>
        %dma_start3A_54 = tpu.memref_slice %arg3[%mul3A_50] : memref<425984xi32, #tpu.memory_space<hbm>> -> memref<2048xi32, #tpu.memory_space<hbm>>
        %dma_start3A_55 = arith.constant 0 : i32
        %dma_start3A_56 = tpu.memref_slice %arg9[%dma_start3A, %dma_start3A_55] : memref<2x2048xi32, #tpu.memory_space<vmem>> -> memref<1x2048xi32, #tpu.memory_space<vmem>>
        %dma_start3A_57 = tpu.memref_squeeze %dma_start3A_56 : memref<1x2048xi32, #tpu.memory_space<vmem>> -> memref<2048xi32, #tpu.memory_space<vmem>>
        %dma_start3A_58 = tpu.memref_slice %arg3[%mul3A_50] : memref<425984xi32, #tpu.memory_space<hbm>> -> memref<2048xi32, #tpu.memory_space<hbm>>
        tpu.enqueue_dma source(%dma_start3A_58 : memref<2048xi32, #tpu.memory_space<hbm>>) target(%dma_start3A_57 : memref<2048xi32, #tpu.memory_space<vmem>>) target_semaphore(%arg17 : memref<!tpu.dma_semaphore, #tpu.memory_space<semaphore_mem>>)
        %scan3A_59 = arith.constant 0 : i32
        %scan3A_60 = arith.constant 0 : i32
        %scan3A_61 = arith.constant 4 : i32
        %scan3A_62 = arith.addi %scan3A_60, %scan3A_61 : i32
        %scan3A_63 = arith.constant 1 : i32
        %scan3A_64 = scf.for %scan3A_84 = %scan3A_60 to %scan3A_62 step %scan3A_63 iter_args(%scan3A_85 = %scan3A_59) -> (i32)  : i32 {
          %mul3A_86 = arith.constant 2 : i32
          %mul3A_87 = arith.muli %scan3A_84, %mul3A_86 : i32
          %add3A_88 = arith.constant 0 : i32
          %add3A_89 = arith.addi %mul3A_87, %add3A_88 : i32
          %dma_wait3A_90 = arith.constant 0 : i32
          %dma_wait3A_91 = arith.constant 0 : i32
          %dma_wait3A_92 = tpu.memref_slice %arg9[%dma_wait3A_90, %dma_wait3A_91] : memref<2x2048xi32, #tpu.memory_space<vmem>> -> memref<1x2048xi32, #tpu.memory_space<vmem>>
          %dma_wait3A_93 = tpu.memref_squeeze %dma_wait3A_92 : memref<1x2048xi32, #tpu.memory_space<vmem>> -> memref<2048xi32, #tpu.memory_space<vmem>>
          %dma_wait3A_94 = arith.constant 0 : i32
          %dma_wait3A_95 = tpu.memref_slice %arg3[%dma_wait3A_94] : memref<425984xi32, #tpu.memory_space<hbm>> -> memref<2048xi32, #tpu.memory_space<hbm>>
          %dma_wait3A_96 = arith.constant 0 : i32
          %dma_wait3A_97 = tpu.memref_slice %arg9[%dma_wait3A_90, %dma_wait3A_96] : memref<2x2048xi32, #tpu.memory_space<vmem>> -> memref<1x2048xi32, #tpu.memory_space<vmem>>
          %dma_wait3A_98 = tpu.memref_squeeze %dma_wait3A_97 : memref<1x2048xi32, #tpu.memory_space<vmem>> -> memref<2048xi32, #tpu.memory_space<vmem>>
          %dma_wait3A_99 = arith.constant 0 : i32
          %dma_wait3A_100 = tpu.memref_slice %arg3[%dma_wait3A_99] : memref<425984xi32, #tpu.memory_space<hbm>> -> memref<2048xi32, #tpu.memory_space<hbm>>
          tpu.wait_dma2 semaphore(%arg17 : memref<!tpu.dma_semaphore, #tpu.memory_space<semaphore_mem>>) src(%dma_wait3A_100 : memref<2048xi32, #tpu.memory_space<hbm>>) dst(%dma_wait3A_98 : memref<2048xi32, #tpu.memory_space<vmem>>)
          %add3A_101 = arith.constant 1 : i32
          %add3A_102 = arith.addi %add3A_89, %add3A_101 : i32
          %lt3A_103 = arith.constant 8 : i32
          %lt3A_104 = arith.cmpi slt, %add3A_102, %lt3A_103 : i32
          %convert_element_type3A_105 = arith.extui %lt3A_104 : i1 to i32
          %cond3A_106 = arith.constant 0 : i32
          %cond3A_107 = arith.cmpi ne, %convert_element_type3A_105, %cond3A_106 : i32
          scf.if %cond3A_107 {
            %mul3A_165 = arith.constant 16384 : i32
            %mul3A_166 = arith.muli %div3A_46, %mul3A_165 : i32
            %add3A_167 = arith.constant 1 : i32
            %add3A_168 = arith.addi %add3A_89, %add3A_167 : i32
            %mul3A_169 = arith.constant 2048 : i32
            %mul3A_170 = arith.muli %add3A_168, %mul3A_169 : i32
            %add3A_171 = arith.addi %mul3A_166, %mul3A_170 : i32
            %dma_start3A_172 = arith.constant 1 : i32
            %dma_start3A_173 = arith.constant 0 : i32
            %dma_start3A_174 = tpu.memref_slice %arg9[%dma_start3A_172, %dma_start3A_173] : memref<2x2048xi32, #tpu.memory_space<vmem>> -> memref<1x2048xi32, #tpu.memory_space<vmem>>
            %dma_start3A_175 = tpu.memref_squeeze %dma_start3A_174 : memref<1x2048xi32, #tpu.memory_space<vmem>> -> memref<2048xi32, #tpu.memory_space<vmem>>
            %dma_start3A_176 = tpu.memref_slice %arg3[%add3A_171] : memref<425984xi32, #tpu.memory_space<hbm>> -> memref<2048xi32, #tpu.memory_space<hbm>>
            %dma_start3A_177 = arith.constant 0 : i32
            %dma_start3A_178 = tpu.memref_slice %arg9[%dma_start3A_172, %dma_start3A_177] : memref<2x2048xi32, #tpu.memory_space<vmem>> -> memref<1x2048xi32, #tpu.memory_space<vmem>>
            %dma_start3A_179 = tpu.memref_squeeze %dma_start3A_178 : memref<1x2048xi32, #tpu.memory_space<vmem>> -> memref<2048xi32, #tpu.memory_space<vmem>>
            %dma_start3A_180 = tpu.memref_slice %arg3[%add3A_171] : memref<425984xi32, #tpu.memory_space<hbm>> -> memref<2048xi32, #tpu.memory_space<hbm>>
            tpu.enqueue_dma source(%dma_start3A_180 : memref<2048xi32, #tpu.memory_space<hbm>>) target(%dma_start3A_179 : memref<2048xi32, #tpu.memory_space<vmem>>) target_semaphore(%arg17 : memref<!tpu.dma_semaphore, #tpu.memory_space<semaphore_mem>>)
          } else {
          }
          %ge3A = arith.constant 1 : i32
          %ge3A_108 = arith.cmpi sge, %scan3A_84, %ge3A : i32
          %convert_element_type3A_109 = arith.extui %ge3A_108 : i1 to i32
          %cond3A_110 = arith.constant 0 : i32
          %cond3A_111 = arith.cmpi ne, %convert_element_type3A_109, %cond3A_110 : i32
          scf.if %cond3A_111 {
            %dma_wait3A_165 = arith.constant 0 : i32
            %dma_wait3A_166 = arith.constant 0 : i32
            %dma_wait3A_167 = arith.constant 0 : i32
            %dma_wait3A_168 = tpu.memref_slice %arg7[%dma_wait3A_165, %dma_wait3A_166, %dma_wait3A_167] : memref<39x64x16384xf32, #tpu.memory_space<hbm>> -> memref<1x8x2048xf32, #tpu.memory_space<hbm>>
            %dma_wait3A_169 = tpu.memref_squeeze %dma_wait3A_168 : memref<1x8x2048xf32, #tpu.memory_space<hbm>> -> memref<8x2048xf32, #tpu.memory_space<hbm>>
            %dma_wait3A_170 = arith.constant 0 : i32
            %dma_wait3A_171 = arith.constant 0 : i32
            %dma_wait3A_172 = tpu.memref_slice %arg7[%dma_wait3A_165, %dma_wait3A_170, %dma_wait3A_171] : memref<39x64x16384xf32, #tpu.memory_space<hbm>> -> memref<1x8x2048xf32, #tpu.memory_space<hbm>>
            %dma_wait3A_173 = tpu.memref_squeeze %dma_wait3A_172 : memref<1x8x2048xf32, #tpu.memory_space<hbm>> -> memref<8x2048xf32, #tpu.memory_space<hbm>>
            tpu.wait_dma2 semaphore(%arg15 : memref<!tpu.dma_semaphore, #tpu.memory_space<semaphore_mem>>) src(%arg13 : memref<8x2048xf32, #tpu.memory_space<vmem>>) dst(%dma_wait3A_173 : memref<8x2048xf32, #tpu.memory_space<hbm>>)
          } else {
          }
          %parallel_loop3A = arith.constant 0 : i32
          %parallel_loop3A_112 = arith.constant 128 : i32
          %parallel_loop3A_113 = arith.constant 1 : i32
          scf.for %parallel_loop3A_165 = %parallel_loop3A to %parallel_loop3A_112 step %parallel_loop3A_113  : i32 {
            %parallel_loop3A_166 = arith.constant 16 : i32
            %parallel_loop3A_167 = arith.muli %parallel_loop3A_165, %parallel_loop3A_166 : i32
            %parallel_loop3A_168 = arith.constant 0 : i32
            %parallel_loop3A_169 = arith.index_cast %parallel_loop3A_168 : i32 to index
            %parallel_loop3A_170 = arith.index_cast %parallel_loop3A_167 : i32 to index
            %parallel_loop3A_171 = tpu.vector_load %arg9[%parallel_loop3A_169, %parallel_loop3A_170] {strides = array<i32>} : memref<2x2048xi32, #tpu.memory_space<vmem>>, vector<16xi32>,
            %parallel_loop3A_172 = arith.constant 0 : i32
            %parallel_loop3A_173 = vector.broadcast %parallel_loop3A_172 : i32 to vector<16xi32>
            %parallel_loop3A_174 = tpu.vector_load_idx %arg8[%parallel_loop3A_173, %parallel_loop3A_171] : memref<8x10000xf32, #tpu.memory_space<vmem>>[vector<16xi32>, vector<16xi32>], vector<16xf32>,
            %parallel_loop3A_175 = arith.constant 16 : i32
            %parallel_loop3A_176 = arith.muli %parallel_loop3A_165, %parallel_loop3A_175 : i32
            %parallel_loop3A_177 = arith.constant 0 : i32
            %parallel_loop3A_178 = arith.index_cast %parallel_loop3A_177 : i32 to index
            %parallel_loop3A_179 = arith.index_cast %parallel_loop3A_176 : i32 to index
            %parallel_loop3A_180 = tpu.vector_load %arg13[%parallel_loop3A_178, %parallel_loop3A_179] {strides = array<i32>} : memref<8x2048xf32, #tpu.memory_space<vmem>>, vector<16xf32>,
            tpu.vector_store %arg13[%parallel_loop3A_178, %parallel_loop3A_179], %parallel_loop3A_174 {strides = array<i32>} : memref<8x2048xf32, #tpu.memory_space<vmem>>, vector<16xf32>,
            %parallel_loop3A_181 = arith.constant 1 : i32
            %parallel_loop3A_182 = vector.broadcast %parallel_loop3A_181 : i32 to vector<16xi32>
            %parallel_loop3A_183 = tpu.vector_load_idx %arg8[%parallel_loop3A_182, %parallel_loop3A_171] : memref<8x10000xf32, #tpu.memory_space<vmem>>[vector<16xi32>, vector<16xi32>], vector<16xf32>,
            %parallel_loop3A_184 = arith.constant 16 : i32
            %parallel_loop3A_185 = arith.muli %parallel_loop3A_165, %parallel_loop3A_184 : i32
            %parallel_loop3A_186 = arith.constant 1 : i32
            %parallel_loop3A_187 = arith.index_cast %parallel_loop3A_186 : i32 to index
            %parallel_loop3A_188 = arith.index_cast %parallel_loop3A_185 : i32 to index
            %parallel_loop3A_189 = tpu.vector_load %arg13[%parallel_loop3A_187, %parallel_loop3A_188] {strides = array<i32>} : memref<8x2048xf32, #tpu.memory_space<vmem>>, vector<16xf32>,
            tpu.vector_store %arg13[%parallel_loop3A_187, %parallel_loop3A_188], %parallel_loop3A_183 {strides = array<i32>} : memref<8x2048xf32, #tpu.memory_space<vmem>>, vector<16xf32>,
            %parallel_loop3A_190 = arith.constant 2 : i32
            %parallel_loop3A_191 = vector.broadcast %parallel_loop3A_190 : i32 to vector<16xi32>
            %parallel_loop3A_192 = tpu.vector_load_idx %arg8[%parallel_loop3A_191, %parallel_loop3A_171] : memref<8x10000xf32, #tpu.memory_space<vmem>>[vector<16xi32>, vector<16xi32>], vector<16xf32>,
            %parallel_loop3A_193 = arith.constant 16 : i32
            %parallel_loop3A_194 = arith.muli %parallel_loop3A_165, %parallel_loop3A_193 : i32
            %parallel_loop3A_195 = arith.constant 2 : i32
            %parallel_loop3A_196 = arith.index_cast %parallel_loop3A_195 : i32 to index
            %parallel_loop3A_197 = arith.index_cast %parallel_loop3A_194 : i32 to index
            %parallel_loop3A_198 = tpu.vector_load %arg13[%parallel_loop3A_196, %parallel_loop3A_197] {strides = array<i32>} : memref<8x2048xf32, #tpu.memory_space<vmem>>, vector<16xf32>,
            tpu.vector_store %arg13[%parallel_loop3A_196, %parallel_loop3A_197], %parallel_loop3A_192 {strides = array<i32>} : memref<8x2048xf32, #tpu.memory_space<vmem>>, vector<16xf32>,
            %parallel_loop3A_199 = arith.constant 3 : i32
            %parallel_loop3A_200 = vector.broadcast %parallel_loop3A_199 : i32 to vector<16xi32>
            %parallel_loop3A_201 = tpu.vector_load_idx %arg8[%parallel_loop3A_200, %parallel_loop3A_171] : memref<8x10000xf32, #tpu.memory_space<vmem>>[vector<16xi32>, vector<16xi32>], vector<16xf32>,
            %parallel_loop3A_202 = arith.constant 16 : i32
            %parallel_loop3A_203 = arith.muli %parallel_loop3A_165, %parallel_loop3A_202 : i32
            %parallel_loop3A_204 = arith.constant 3 : i32
            %parallel_loop3A_205 = arith.index_cast %parallel_loop3A_204 : i32 to index
            %parallel_loop3A_206 = arith.index_cast %parallel_loop3A_203 : i32 to index
            %parallel_loop3A_207 = tpu.vector_load %arg13[%parallel_loop3A_205, %parallel_loop3A_206] {strides = array<i32>} : memref<8x2048xf32, #tpu.memory_space<vmem>>, vector<16xf32>,
            tpu.vector_store %arg13[%parallel_loop3A_205, %parallel_loop3A_206], %parallel_loop3A_201 {strides = array<i32>} : memref<8x2048xf32, #tpu.memory_space<vmem>>, vector<16xf32>,
            %parallel_loop3A_208 = arith.constant 4 : i32
            %parallel_loop3A_209 = vector.broadcast %parallel_loop3A_208 : i32 to vector<16xi32>
            %parallel_loop3A_210 = tpu.vector_load_idx %arg8[%parallel_loop3A_209, %parallel_loop3A_171] : memref<8x10000xf32, #tpu.memory_space<vmem>>[vector<16xi32>, vector<16xi32>], vector<16xf32>,
            %parallel_loop3A_211 = arith.constant 16 : i32
            %parallel_loop3A_212 = arith.muli %parallel_loop3A_165, %parallel_loop3A_211 : i32
            %parallel_loop3A_213 = arith.constant 4 : i32
            %parallel_loop3A_214 = arith.index_cast %parallel_loop3A_213 : i32 to index
            %parallel_loop3A_215 = arith.index_cast %parallel_loop3A_212 : i32 to index
            %parallel_loop3A_216 = tpu.vector_load %arg13[%parallel_loop3A_214, %parallel_loop3A_215] {strides = array<i32>} : memref<8x2048xf32, #tpu.memory_space<vmem>>, vector<16xf32>,
            tpu.vector_store %arg13[%parallel_loop3A_214, %parallel_loop3A_215], %parallel_loop3A_210 {strides = array<i32>} : memref<8x2048xf32, #tpu.memory_space<vmem>>, vector<16xf32>,
            %parallel_loop3A_217 = arith.constant 5 : i32
            %parallel_loop3A_218 = vector.broadcast %parallel_loop3A_217 : i32 to vector<16xi32>
            %parallel_loop3A_219 = tpu.vector_load_idx %arg8[%parallel_loop3A_218, %parallel_loop3A_171] : memref<8x10000xf32, #tpu.memory_space<vmem>>[vector<16xi32>, vector<16xi32>], vector<16xf32>,
            %parallel_loop3A_220 = arith.constant 16 : i32
            %parallel_loop3A_221 = arith.muli %parallel_loop3A_165, %parallel_loop3A_220 : i32
            %parallel_loop3A_222 = arith.constant 5 : i32
            %parallel_loop3A_223 = arith.index_cast %parallel_loop3A_222 : i32 to index
            %parallel_loop3A_224 = arith.index_cast %parallel_loop3A_221 : i32 to index
            %parallel_loop3A_225 = tpu.vector_load %arg13[%parallel_loop3A_223, %parallel_loop3A_224] {strides = array<i32>} : memref<8x2048xf32, #tpu.memory_space<vmem>>, vector<16xf32>,
            tpu.vector_store %arg13[%parallel_loop3A_223, %parallel_loop3A_224], %parallel_loop3A_219 {strides = array<i32>} : memref<8x2048xf32, #tpu.memory_space<vmem>>, vector<16xf32>,
            %parallel_loop3A_226 = arith.constant 6 : i32
            %parallel_loop3A_227 = vector.broadcast %parallel_loop3A_226 : i32 to vector<16xi32>
            %parallel_loop3A_228 = tpu.vector_load_idx %arg8[%parallel_loop3A_227, %parallel_loop3A_171] : memref<8x10000xf32, #tpu.memory_space<vmem>>[vector<16xi32>, vector<16xi32>], vector<16xf32>,
            %parallel_loop3A_229 = arith.constant 16 : i32
            %parallel_loop3A_230 = arith.muli %parallel_loop3A_165, %parallel_loop3A_229 : i32
            %parallel_loop3A_231 = arith.constant 6 : i32
            %parallel_loop3A_232 = arith.index_cast %parallel_loop3A_231 : i32 to index
            %parallel_loop3A_233 = arith.index_cast %parallel_loop3A_230 : i32 to index
            %parallel_loop3A_234 = tpu.vector_load %arg13[%parallel_loop3A_232, %parallel_loop3A_233] {strides = array<i32>} : memref<8x2048xf32, #tpu.memory_space<vmem>>, vector<16xf32>,
            tpu.vector_store %arg13[%parallel_loop3A_232, %parallel_loop3A_233], %parallel_loop3A_228 {strides = array<i32>} : memref<8x2048xf32, #tpu.memory_space<vmem>>, vector<16xf32>,
            %parallel_loop3A_235 = arith.constant 7 : i32
            %parallel_loop3A_236 = vector.broadcast %parallel_loop3A_235 : i32 to vector<16xi32>
            %parallel_loop3A_237 = tpu.vector_load_idx %arg8[%parallel_loop3A_236, %parallel_loop3A_171] : memref<8x10000xf32, #tpu.memory_space<vmem>>[vector<16xi32>, vector<16xi32>], vector<16xf32>,
            %parallel_loop3A_238 = arith.constant 16 : i32
            %parallel_loop3A_239 = arith.muli %parallel_loop3A_165, %parallel_loop3A_238 : i32
            %parallel_loop3A_240 = arith.constant 7 : i32
            %parallel_loop3A_241 = arith.index_cast %parallel_loop3A_240 : i32 to index
            %parallel_loop3A_242 = arith.index_cast %parallel_loop3A_239 : i32 to index
            %parallel_loop3A_243 = tpu.vector_load %arg13[%parallel_loop3A_241, %parallel_loop3A_242] {strides = array<i32>} : memref<8x2048xf32, #tpu.memory_space<vmem>>, vector<16xf32>,
            tpu.vector_store %arg13[%parallel_loop3A_241, %parallel_loop3A_242], %parallel_loop3A_237 {strides = array<i32>} : memref<8x2048xf32, #tpu.memory_space<vmem>>, vector<16xf32>,
          } {sc.loop_unroll_factor = 8 : i64, sc.parallel_access}
          %add3A_114 = arith.constant 13 : i32
          %add3A_115 = arith.addi %add3A_114, %div3A_46 : i32
          %mul3A_116 = arith.constant 8 : i32
          %mul3A_117 = arith.muli %rem3A_48, %mul3A_116 : i32
          %mul3A_118 = arith.constant 2048 : i32
          %mul3A_119 = arith.muli %add3A_89, %mul3A_118 : i32
          %dma_start3A_120 = tpu.memref_slice %arg7[%add3A_115, %mul3A_117, %mul3A_119] : memref<39x64x16384xf32, #tpu.memory_space<hbm>> -> memref<1x8x2048xf32, #tpu.memory_space<hbm>>
          %dma_start3A_121 = tpu.memref_squeeze %dma_start3A_120 : memref<1x8x2048xf32, #tpu.memory_space<hbm>> -> memref<8x2048xf32, #tpu.memory_space<hbm>>
          %dma_start3A_122 = tpu.memref_slice %arg7[%add3A_115, %mul3A_117, %mul3A_119] : memref<39x64x16384xf32, #tpu.memory_space<hbm>> -> memref<1x8x2048xf32, #tpu.memory_space<hbm>>
          %dma_start3A_123 = tpu.memref_squeeze %dma_start3A_122 : memref<1x8x2048xf32, #tpu.memory_space<hbm>> -> memref<8x2048xf32, #tpu.memory_space<hbm>>
          tpu.enqueue_dma source(%arg13 : memref<8x2048xf32, #tpu.memory_space<vmem>>) target(%dma_start3A_123 : memref<8x2048xf32, #tpu.memory_space<hbm>>) target_semaphore(%arg15 : memref<!tpu.dma_semaphore, #tpu.memory_space<semaphore_mem>>)
          %mul3A_124 = arith.constant 2 : i32
          %mul3A_125 = arith.muli %scan3A_84, %mul3A_124 : i32
          %add3A_126 = arith.constant 1 : i32
          %add3A_127 = arith.addi %mul3A_125, %add3A_126 : i32
          %dma_wait3A_128 = arith.constant 1 : i32
          %dma_wait3A_129 = arith.constant 0 : i32
          %dma_wait3A_130 = tpu.memref_slice %arg9[%dma_wait3A_128, %dma_wait3A_129] : memref<2x2048xi32, #tpu.memory_space<vmem>> -> memref<1x2048xi32, #tpu.memory_space<vmem>>
          %dma_wait3A_131 = tpu.memref_squeeze %dma_wait3A_130 : memref<1x2048xi32, #tpu.memory_space<vmem>> -> memref<2048xi32, #tpu.memory_space<vmem>>
          %dma_wait3A_132 = arith.constant 0 : i32
          %dma_wait3A_133 = tpu.memref_slice %arg3[%dma_wait3A_132] : memref<425984xi32, #tpu.memory_space<hbm>> -> memref<2048xi32, #tpu.memory_space<hbm>>
          %dma_wait3A_134 = arith.constant 0 : i32
          %dma_wait3A_135 = tpu.memref_slice %arg9[%dma_wait3A_128, %dma_wait3A_134] : memref<2x2048xi32, #tpu.memory_space<vmem>> -> memref<1x2048xi32, #tpu.memory_space<vmem>>
          %dma_wait3A_136 = tpu.memref_squeeze %dma_wait3A_135 : memref<1x2048xi32, #tpu.memory_space<vmem>> -> memref<2048xi32, #tpu.memory_space<vmem>>
          %dma_wait3A_137 = arith.constant 0 : i32
          %dma_wait3A_138 = tpu.memref_slice %arg3[%dma_wait3A_137] : memref<425984xi32, #tpu.memory_space<hbm>> -> memref<2048xi32, #tpu.memory_space<hbm>>
          tpu.wait_dma2 semaphore(%arg17 : memref<!tpu.dma_semaphore, #tpu.memory_space<semaphore_mem>>) src(%dma_wait3A_138 : memref<2048xi32, #tpu.memory_space<hbm>>) dst(%dma_wait3A_136 : memref<2048xi32, #tpu.memory_space<vmem>>)
          %add3A_139 = arith.constant 1 : i32
          %add3A_140 = arith.addi %add3A_127, %add3A_139 : i32
          %lt3A_141 = arith.constant 8 : i32
          %lt3A_142 = arith.cmpi slt, %add3A_140, %lt3A_141 : i32
          %convert_element_type3A_143 = arith.extui %lt3A_142 : i1 to i32
          %cond3A_144 = arith.constant 0 : i32
          %cond3A_145 = arith.cmpi ne, %convert_element_type3A_143, %cond3A_144 : i32
          scf.if %cond3A_145 {
            %mul3A_165 = arith.constant 16384 : i32
            %mul3A_166 = arith.muli %div3A_46, %mul3A_165 : i32
            %add3A_167 = arith.constant 1 : i32
            %add3A_168 = arith.addi %add3A_127, %add3A_167 : i32
            %mul3A_169 = arith.constant 2048 : i32
            %mul3A_170 = arith.muli %add3A_168, %mul3A_169 : i32
            %add3A_171 = arith.addi %mul3A_166, %mul3A_170 : i32
            %dma_start3A_172 = arith.constant 0 : i32
            %dma_start3A_173 = arith.constant 0 : i32
            %dma_start3A_174 = tpu.memref_slice %arg9[%dma_start3A_172, %dma_start3A_173] : memref<2x2048xi32, #tpu.memory_space<vmem>> -> memref<1x2048xi32, #tpu.memory_space<vmem>>
            %dma_start3A_175 = tpu.memref_squeeze %dma_start3A_174 : memref<1x2048xi32, #tpu.memory_space<vmem>> -> memref<2048xi32, #tpu.memory_space<vmem>>
            %dma_start3A_176 = tpu.memref_slice %arg3[%add3A_171] : memref<425984xi32, #tpu.memory_space<hbm>> -> memref<2048xi32, #tpu.memory_space<hbm>>
            %dma_start3A_177 = arith.constant 0 : i32
            %dma_start3A_178 = tpu.memref_slice %arg9[%dma_start3A_172, %dma_start3A_177] : memref<2x2048xi32, #tpu.memory_space<vmem>> -> memref<1x2048xi32, #tpu.memory_space<vmem>>
            %dma_start3A_179 = tpu.memref_squeeze %dma_start3A_178 : memref<1x2048xi32, #tpu.memory_space<vmem>> -> memref<2048xi32, #tpu.memory_space<vmem>>
            %dma_start3A_180 = tpu.memref_slice %arg3[%add3A_171] : memref<425984xi32, #tpu.memory_space<hbm>> -> memref<2048xi32, #tpu.memory_space<hbm>>
            tpu.enqueue_dma source(%dma_start3A_180 : memref<2048xi32, #tpu.memory_space<hbm>>) target(%dma_start3A_179 : memref<2048xi32, #tpu.memory_space<vmem>>) target_semaphore(%arg17 : memref<!tpu.dma_semaphore, #tpu.memory_space<semaphore_mem>>)
          } else {
          }
          %ge3A_146 = arith.constant 1 : i32
          %ge3A_147 = arith.cmpi sge, %scan3A_84, %ge3A_146 : i32
          %convert_element_type3A_148 = arith.extui %ge3A_147 : i1 to i32
          %cond3A_149 = arith.constant 0 : i32
          %cond3A_150 = arith.cmpi ne, %convert_element_type3A_148, %cond3A_149 : i32
          scf.if %cond3A_150 {
            %dma_wait3A_165 = arith.constant 0 : i32
            %dma_wait3A_166 = arith.constant 0 : i32
            %dma_wait3A_167 = arith.constant 0 : i32
            %dma_wait3A_168 = tpu.memref_slice %arg7[%dma_wait3A_165, %dma_wait3A_166, %dma_wait3A_167] : memref<39x64x16384xf32, #tpu.memory_space<hbm>> -> memref<1x8x2048xf32, #tpu.memory_space<hbm>>
            %dma_wait3A_169 = tpu.memref_squeeze %dma_wait3A_168 : memref<1x8x2048xf32, #tpu.memory_space<hbm>> -> memref<8x2048xf32, #tpu.memory_space<hbm>>
            %dma_wait3A_170 = arith.constant 0 : i32
            %dma_wait3A_171 = arith.constant 0 : i32
            %dma_wait3A_172 = tpu.memref_slice %arg7[%dma_wait3A_165, %dma_wait3A_170, %dma_wait3A_171] : memref<39x64x16384xf32, #tpu.memory_space<hbm>> -> memref<1x8x2048xf32, #tpu.memory_space<hbm>>
            %dma_wait3A_173 = tpu.memref_squeeze %dma_wait3A_172 : memref<1x8x2048xf32, #tpu.memory_space<hbm>> -> memref<8x2048xf32, #tpu.memory_space<hbm>>
            tpu.wait_dma2 semaphore(%arg16 : memref<!tpu.dma_semaphore, #tpu.memory_space<semaphore_mem>>) src(%arg14 : memref<8x2048xf32, #tpu.memory_space<vmem>>) dst(%dma_wait3A_173 : memref<8x2048xf32, #tpu.memory_space<hbm>>)
          } else {
          }
          %parallel_loop3A_151 = arith.constant 0 : i32
          %parallel_loop3A_152 = arith.constant 128 : i32
          %parallel_loop3A_153 = arith.constant 1 : i32
          scf.for %parallel_loop3A_165 = %parallel_loop3A_151 to %parallel_loop3A_152 step %parallel_loop3A_153  : i32 {
            %parallel_loop3A_166 = arith.constant 16 : i32
            %parallel_loop3A_167 = arith.muli %parallel_loop3A_165, %parallel_loop3A_166 : i32
            %parallel_loop3A_168 = arith.constant 1 : i32
            %parallel_loop3A_169 = arith.index_cast %parallel_loop3A_168 : i32 to index
            %parallel_loop3A_170 = arith.index_cast %parallel_loop3A_167 : i32 to index
            %parallel_loop3A_171 = tpu.vector_load %arg9[%parallel_loop3A_169, %parallel_loop3A_170] {strides = array<i32>} : memref<2x2048xi32, #tpu.memory_space<vmem>>, vector<16xi32>,
            %parallel_loop3A_172 = arith.constant 0 : i32
            %parallel_loop3A_173 = vector.broadcast %parallel_loop3A_172 : i32 to vector<16xi32>
            %parallel_loop3A_174 = tpu.vector_load_idx %arg8[%parallel_loop3A_173, %parallel_loop3A_171] : memref<8x10000xf32, #tpu.memory_space<vmem>>[vector<16xi32>, vector<16xi32>], vector<16xf32>,
            %parallel_loop3A_175 = arith.constant 16 : i32
            %parallel_loop3A_176 = arith.muli %parallel_loop3A_165, %parallel_loop3A_175 : i32
            %parallel_loop3A_177 = arith.constant 0 : i32
            %parallel_loop3A_178 = arith.index_cast %parallel_loop3A_177 : i32 to index
            %parallel_loop3A_179 = arith.index_cast %parallel_loop3A_176 : i32 to index
            %parallel_loop3A_180 = tpu.vector_load %arg14[%parallel_loop3A_178, %parallel_loop3A_179] {strides = array<i32>} : memref<8x2048xf32, #tpu.memory_space<vmem>>, vector<16xf32>,
            tpu.vector_store %arg14[%parallel_loop3A_178, %parallel_loop3A_179], %parallel_loop3A_174 {strides = array<i32>} : memref<8x2048xf32, #tpu.memory_space<vmem>>, vector<16xf32>,
            %parallel_loop3A_181 = arith.constant 1 : i32
            %parallel_loop3A_182 = vector.broadcast %parallel_loop3A_181 : i32 to vector<16xi32>
            %parallel_loop3A_183 = tpu.vector_load_idx %arg8[%parallel_loop3A_182, %parallel_loop3A_171] : memref<8x10000xf32, #tpu.memory_space<vmem>>[vector<16xi32>, vector<16xi32>], vector<16xf32>,
            %parallel_loop3A_184 = arith.constant 16 : i32
            %parallel_loop3A_185 = arith.muli %parallel_loop3A_165, %parallel_loop3A_184 : i32
            %parallel_loop3A_186 = arith.constant 1 : i32
            %parallel_loop3A_187 = arith.index_cast %parallel_loop3A_186 : i32 to index
            %parallel_loop3A_188 = arith.index_cast %parallel_loop3A_185 : i32 to index
            %parallel_loop3A_189 = tpu.vector_load %arg14[%parallel_loop3A_187, %parallel_loop3A_188] {strides = array<i32>} : memref<8x2048xf32, #tpu.memory_space<vmem>>, vector<16xf32>,
            tpu.vector_store %arg14[%parallel_loop3A_187, %parallel_loop3A_188], %parallel_loop3A_183 {strides = array<i32>} : memref<8x2048xf32, #tpu.memory_space<vmem>>, vector<16xf32>,
            %parallel_loop3A_190 = arith.constant 2 : i32
            %parallel_loop3A_191 = vector.broadcast %parallel_loop3A_190 : i32 to vector<16xi32>
            %parallel_loop3A_192 = tpu.vector_load_idx %arg8[%parallel_loop3A_191, %parallel_loop3A_171] : memref<8x10000xf32, #tpu.memory_space<vmem>>[vector<16xi32>, vector<16xi32>], vector<16xf32>,
            %parallel_loop3A_193 = arith.constant 16 : i32
            %parallel_loop3A_194 = arith.muli %parallel_loop3A_165, %parallel_loop3A_193 : i32
            %parallel_loop3A_195 = arith.constant 2 : i32
            %parallel_loop3A_196 = arith.index_cast %parallel_loop3A_195 : i32 to index
            %parallel_loop3A_197 = arith.index_cast %parallel_loop3A_194 : i32 to index
            %parallel_loop3A_198 = tpu.vector_load %arg14[%parallel_loop3A_196, %parallel_loop3A_197] {strides = array<i32>} : memref<8x2048xf32, #tpu.memory_space<vmem>>, vector<16xf32>,
            tpu.vector_store %arg14[%parallel_loop3A_196, %parallel_loop3A_197], %parallel_loop3A_192 {strides = array<i32>} : memref<8x2048xf32, #tpu.memory_space<vmem>>, vector<16xf32>,
            %parallel_loop3A_199 = arith.constant 3 : i32
            %parallel_loop3A_200 = vector.broadcast %parallel_loop3A_199 : i32 to vector<16xi32>
            %parallel_loop3A_201 = tpu.vector_load_idx %arg8[%parallel_loop3A_200, %parallel_loop3A_171] : memref<8x10000xf32, #tpu.memory_space<vmem>>[vector<16xi32>, vector<16xi32>], vector<16xf32>,
            %parallel_loop3A_202 = arith.constant 16 : i32
            %parallel_loop3A_203 = arith.muli %parallel_loop3A_165, %parallel_loop3A_202 : i32
            %parallel_loop3A_204 = arith.constant 3 : i32
            %parallel_loop3A_205 = arith.index_cast %parallel_loop3A_204 : i32 to index
            %parallel_loop3A_206 = arith.index_cast %parallel_loop3A_203 : i32 to index
            %parallel_loop3A_207 = tpu.vector_load %arg14[%parallel_loop3A_205, %parallel_loop3A_206] {strides = array<i32>} : memref<8x2048xf32, #tpu.memory_space<vmem>>, vector<16xf32>,
            tpu.vector_store %arg14[%parallel_loop3A_205, %parallel_loop3A_206], %parallel_loop3A_201 {strides = array<i32>} : memref<8x2048xf32, #tpu.memory_space<vmem>>, vector<16xf32>,
            %parallel_loop3A_208 = arith.constant 4 : i32
            %parallel_loop3A_209 = vector.broadcast %parallel_loop3A_208 : i32 to vector<16xi32>
            %parallel_loop3A_210 = tpu.vector_load_idx %arg8[%parallel_loop3A_209, %parallel_loop3A_171] : memref<8x10000xf32, #tpu.memory_space<vmem>>[vector<16xi32>, vector<16xi32>], vector<16xf32>,
            %parallel_loop3A_211 = arith.constant 16 : i32
            %parallel_loop3A_212 = arith.muli %parallel_loop3A_165, %parallel_loop3A_211 : i32
            %parallel_loop3A_213 = arith.constant 4 : i32
            %parallel_loop3A_214 = arith.index_cast %parallel_loop3A_213 : i32 to index
            %parallel_loop3A_215 = arith.index_cast %parallel_loop3A_212 : i32 to index
            %parallel_loop3A_216 = tpu.vector_load %arg14[%parallel_loop3A_214, %parallel_loop3A_215] {strides = array<i32>} : memref<8x2048xf32, #tpu.memory_space<vmem>>, vector<16xf32>,
            tpu.vector_store %arg14[%parallel_loop3A_214, %parallel_loop3A_215], %parallel_loop3A_210 {strides = array<i32>} : memref<8x2048xf32, #tpu.memory_space<vmem>>, vector<16xf32>,
            %parallel_loop3A_217 = arith.constant 5 : i32
            %parallel_loop3A_218 = vector.broadcast %parallel_loop3A_217 : i32 to vector<16xi32>
            %parallel_loop3A_219 = tpu.vector_load_idx %arg8[%parallel_loop3A_218, %parallel_loop3A_171] : memref<8x10000xf32, #tpu.memory_space<vmem>>[vector<16xi32>, vector<16xi32>], vector<16xf32>,
            %parallel_loop3A_220 = arith.constant 16 : i32
            %parallel_loop3A_221 = arith.muli %parallel_loop3A_165, %parallel_loop3A_220 : i32
            %parallel_loop3A_222 = arith.constant 5 : i32
            %parallel_loop3A_223 = arith.index_cast %parallel_loop3A_222 : i32 to index
            %parallel_loop3A_224 = arith.index_cast %parallel_loop3A_221 : i32 to index
            %parallel_loop3A_225 = tpu.vector_load %arg14[%parallel_loop3A_223, %parallel_loop3A_224] {strides = array<i32>} : memref<8x2048xf32, #tpu.memory_space<vmem>>, vector<16xf32>,
            tpu.vector_store %arg14[%parallel_loop3A_223, %parallel_loop3A_224], %parallel_loop3A_219 {strides = array<i32>} : memref<8x2048xf32, #tpu.memory_space<vmem>>, vector<16xf32>,
            %parallel_loop3A_226 = arith.constant 6 : i32
            %parallel_loop3A_227 = vector.broadcast %parallel_loop3A_226 : i32 to vector<16xi32>
            %parallel_loop3A_228 = tpu.vector_load_idx %arg8[%parallel_loop3A_227, %parallel_loop3A_171] : memref<8x10000xf32, #tpu.memory_space<vmem>>[vector<16xi32>, vector<16xi32>], vector<16xf32>,
            %parallel_loop3A_229 = arith.constant 16 : i32
            %parallel_loop3A_230 = arith.muli %parallel_loop3A_165, %parallel_loop3A_229 : i32
            %parallel_loop3A_231 = arith.constant 6 : i32
            %parallel_loop3A_232 = arith.index_cast %parallel_loop3A_231 : i32 to index
            %parallel_loop3A_233 = arith.index_cast %parallel_loop3A_230 : i32 to index
            %parallel_loop3A_234 = tpu.vector_load %arg14[%parallel_loop3A_232, %parallel_loop3A_233] {strides = array<i32>} : memref<8x2048xf32, #tpu.memory_space<vmem>>, vector<16xf32>,
            tpu.vector_store %arg14[%parallel_loop3A_232, %parallel_loop3A_233], %parallel_loop3A_228 {strides = array<i32>} : memref<8x2048xf32, #tpu.memory_space<vmem>>, vector<16xf32>,
            %parallel_loop3A_235 = arith.constant 7 : i32
            %parallel_loop3A_236 = vector.broadcast %parallel_loop3A_235 : i32 to vector<16xi32>
            %parallel_loop3A_237 = tpu.vector_load_idx %arg8[%parallel_loop3A_236, %parallel_loop3A_171] : memref<8x10000xf32, #tpu.memory_space<vmem>>[vector<16xi32>, vector<16xi32>], vector<16xf32>,
            %parallel_loop3A_238 = arith.constant 16 : i32
            %parallel_loop3A_239 = arith.muli %parallel_loop3A_165, %parallel_loop3A_238 : i32
            %parallel_loop3A_240 = arith.constant 7 : i32
            %parallel_loop3A_241 = arith.index_cast %parallel_loop3A_240 : i32 to index
            %parallel_loop3A_242 = arith.index_cast %parallel_loop3A_239 : i32 to index
            %parallel_loop3A_243 = tpu.vector_load %arg14[%parallel_loop3A_241, %parallel_loop3A_242] {strides = array<i32>} : memref<8x2048xf32, #tpu.memory_space<vmem>>, vector<16xf32>,
            tpu.vector_store %arg14[%parallel_loop3A_241, %parallel_loop3A_242], %parallel_loop3A_237 {strides = array<i32>} : memref<8x2048xf32, #tpu.memory_space<vmem>>, vector<16xf32>,
          } {sc.loop_unroll_factor = 8 : i64, sc.parallel_access}
          %add3A_154 = arith.constant 13 : i32
          %add3A_155 = arith.addi %add3A_154, %div3A_46 : i32
          %mul3A_156 = arith.constant 8 : i32
          %mul3A_157 = arith.muli %rem3A_48, %mul3A_156 : i32
          %mul3A_158 = arith.constant 2048 : i32
          %mul3A_159 = arith.muli %add3A_127, %mul3A_158 : i32
          %dma_start3A_160 = tpu.memref_slice %arg7[%add3A_155, %mul3A_157, %mul3A_159] : memref<39x64x16384xf32, #tpu.memory_space<hbm>> -> memref<1x8x2048xf32, #tpu.memory_space<hbm>>
          %dma_start3A_161 = tpu.memref_squeeze %dma_start3A_160 : memref<1x8x2048xf32, #tpu.memory_space<hbm>> -> memref<8x2048xf32, #tpu.memory_space<hbm>>
          %dma_start3A_162 = tpu.memref_slice %arg7[%add3A_155, %mul3A_157, %mul3A_159] : memref<39x64x16384xf32, #tpu.memory_space<hbm>> -> memref<1x8x2048xf32, #tpu.memory_space<hbm>>
          %dma_start3A_163 = tpu.memref_squeeze %dma_start3A_162 : memref<1x8x2048xf32, #tpu.memory_space<hbm>> -> memref<8x2048xf32, #tpu.memory_space<hbm>>
          tpu.enqueue_dma source(%arg14 : memref<8x2048xf32, #tpu.memory_space<vmem>>) target(%dma_start3A_163 : memref<8x2048xf32, #tpu.memory_space<hbm>>) target_semaphore(%arg16 : memref<!tpu.dma_semaphore, #tpu.memory_space<semaphore_mem>>)
          %scan3A_164 = arith.constant 0 : i32
          scf.yield %scan3A_164 : i32
        }
        %scan3A_65 = arith.constant 4 : i32
        %dma_wait3A_66 = arith.constant 0 : i32
        %dma_wait3A_67 = arith.constant 0 : i32
        %dma_wait3A_68 = arith.constant 0 : i32
        %dma_wait3A_69 = tpu.memref_slice %arg7[%dma_wait3A_66, %dma_wait3A_67, %dma_wait3A_68] : memref<39x64x16384xf32, #tpu.memory_space<hbm>> -> memref<1x8x2048xf32, #tpu.memory_space<hbm>>
        %dma_wait3A_70 = tpu.memref_squeeze %dma_wait3A_69 : memref<1x8x2048xf32, #tpu.memory_space<hbm>> -> memref<8x2048xf32, #tpu.memory_space<hbm>>
        %dma_wait3A_71 = arith.constant 0 : i32
        %dma_wait3A_72 = arith.constant 0 : i32
        %dma_wait3A_73 = tpu.memref_slice %arg7[%dma_wait3A_66, %dma_wait3A_71, %dma_wait3A_72] : memref<39x64x16384xf32, #tpu.memory_space<hbm>> -> memref<1x8x2048xf32, #tpu.memory_space<hbm>>
        %dma_wait3A_74 = tpu.memref_squeeze %dma_wait3A_73 : memref<1x8x2048xf32, #tpu.memory_space<hbm>> -> memref<8x2048xf32, #tpu.memory_space<hbm>>
        tpu.wait_dma2 semaphore(%arg15 : memref<!tpu.dma_semaphore, #tpu.memory_space<semaphore_mem>>) src(%arg13 : memref<8x2048xf32, #tpu.memory_space<vmem>>) dst(%dma_wait3A_74 : memref<8x2048xf32, #tpu.memory_space<hbm>>)
        %dma_wait3A_75 = arith.constant 0 : i32
        %dma_wait3A_76 = arith.constant 0 : i32
        %dma_wait3A_77 = arith.constant 0 : i32
        %dma_wait3A_78 = tpu.memref_slice %arg7[%dma_wait3A_75, %dma_wait3A_76, %dma_wait3A_77] : memref<39x64x16384xf32, #tpu.memory_space<hbm>> -> memref<1x8x2048xf32, #tpu.memory_space<hbm>>
        %dma_wait3A_79 = tpu.memref_squeeze %dma_wait3A_78 : memref<1x8x2048xf32, #tpu.memory_space<hbm>> -> memref<8x2048xf32, #tpu.memory_space<hbm>>
        %dma_wait3A_80 = arith.constant 0 : i32
        %dma_wait3A_81 = arith.constant 0 : i32
        %dma_wait3A_82 = tpu.memref_slice %arg7[%dma_wait3A_75, %dma_wait3A_80, %dma_wait3A_81] : memref<39x64x16384xf32, #tpu.memory_space<hbm>> -> memref<1x8x2048xf32, #tpu.memory_space<hbm>>
        %dma_wait3A_83 = tpu.memref_squeeze %dma_wait3A_82 : memref<1x8x2048xf32, #tpu.memory_space<hbm>> -> memref<8x2048xf32, #tpu.memory_space<hbm>>
        tpu.wait_dma2 semaphore(%arg16 : memref<!tpu.dma_semaphore, #tpu.memory_space<semaphore_mem>>) src(%arg14 : memref<8x2048xf32, #tpu.memory_space<vmem>>) dst(%dma_wait3A_83 : memref<8x2048xf32, #tpu.memory_space<hbm>>)
      } else {
      }
      %add3A_25 = arith.constant 32 : i32
      %add3A_26 = arith.addi %add3A_13, %add3A_25 : i32
      %lt3A_27 = arith.constant 208 : i32
      %lt3A_28 = arith.cmpi slt, %add3A_26, %lt3A_27 : i32
      %convert_element_type3A_29 = arith.extui %lt3A_28 : i1 to i32
      %cond3A_30 = arith.constant 0 : i32
      %cond3A_31 = arith.cmpi ne, %convert_element_type3A_29, %cond3A_30 : i32
      scf.if %cond3A_31 {
        %add3A_38 = arith.constant 32 : i32
        %add3A_39 = arith.addi %add3A_13, %add3A_38 : i32
        %div3A = arith.constant 8 : i32
        %div3A_40 = arith.divsi %add3A_39, %div3A : i32
        %rem3A_41 = arith.constant 8 : i32
        %rem3A_42 = arith.remsi %add3A_39, %rem3A_41 : i32
        %mul3A_43 = arith.constant 8 : i32
        %mul3A_44 = arith.muli %rem3A_42, %mul3A_43 : i32
        %dma_start3A = arith.constant 0 : i32
        %dma_start3A_45 = tpu.memref_slice %arg2[%div3A_40, %mul3A_44, %dma_start3A] : memref<26x64x10000xf32, #tpu.memory_space<hbm>> -> memref<1x8x10000xf32, #tpu.memory_space<hbm>>
        %dma_start3A_46 = tpu.memref_squeeze %dma_start3A_45 : memref<1x8x10000xf32, #tpu.memory_space<hbm>> -> memref<8x10000xf32, #tpu.memory_space<hbm>>
        %dma_start3A_47 = arith.constant 0 : i32
        %dma_start3A_48 = tpu.memref_slice %arg2[%div3A_40, %mul3A_44, %dma_start3A_47] : memref<26x64x10000xf32, #tpu.memory_space<hbm>> -> memref<1x8x10000xf32, #tpu.memory_space<hbm>>
        %dma_start3A_49 = tpu.memref_squeeze %dma_start3A_48 : memref<1x8x10000xf32, #tpu.memory_space<hbm>> -> memref<8x10000xf32, #tpu.memory_space<hbm>>
        tpu.enqueue_dma source(%dma_start3A_49 : memref<8x10000xf32, #tpu.memory_space<hbm>>) target(%arg8 : memref<8x10000xf32, #tpu.memory_space<vmem>>) target_semaphore(%arg18 : memref<!tpu.dma_semaphore, #tpu.memory_space<semaphore_mem>>)
      } else {
      }
      %lt3A_32 = arith.constant 104 : i32
      %lt3A_33 = arith.cmpi slt, %add3A_19, %lt3A_32 : i32
      %convert_element_type3A_34 = arith.extui %lt3A_33 : i1 to i32
      %cond3A_35 = arith.constant 0 : i32
      %cond3A_36 = arith.cmpi ne, %convert_element_type3A_34, %cond3A_35 : i32
      scf.if %cond3A_36 {
        %div3A = arith.constant 8 : i32
        %div3A_38 = arith.divsi %add3A_19, %div3A : i32
        %rem3A_39 = arith.constant 8 : i32
        %rem3A_40 = arith.remsi %add3A_19, %rem3A_39 : i32
        %mul3A_41 = arith.constant 8 : i32
        %mul3A_42 = arith.muli %rem3A_40, %mul3A_41 : i32
        %get3A = arith.index_cast %mul3A_42 : i32 to index
        %get3A_43 = tpu.vector_load %arg11[%get3A] {strides = array<i32>} : memref<80xf32, #tpu.memory_space<vmem>>, vector<16xf32>,
        %mul3A_44 = arith.constant 8 : i32
        %mul3A_45 = arith.muli %rem3A_40, %mul3A_44 : i32
        %get3A_46 = arith.index_cast %mul3A_45 : i32 to index
        %get3A_47 = tpu.vector_load %arg12[%get3A_46] {strides = array<i32>} : memref<80xf32, #tpu.memory_space<vmem>>, vector<16xf32>,
        %mul3A_48 = arith.constant 16384 : i32
        %mul3A_49 = arith.muli %div3A_38, %mul3A_48 : i32
        %dma_start3A = arith.constant 0 : i32
        %dma_start3A_50 = arith.constant 0 : i32
        %dma_start3A_51 = tpu.memref_slice %arg10[%dma_start3A, %dma_start3A_50] : memref<2x2048xf32, #tpu.memory_space<vmem>> -> memref<1x2048xf32, #tpu.memory_space<vmem>>
        %dma_start3A_52 = tpu.memref_squeeze %dma_start3A_51 : memref<1x2048xf32, #tpu.memory_space<vmem>> -> memref<2048xf32, #tpu.memory_space<vmem>>
        %dma_start3A_53 = tpu.memref_slice %arg4[%mul3A_49] : memref<212992xf32, #tpu.memory_space<hbm>> -> memref<2048xf32, #tpu.memory_space<hbm>>
        %dma_start3A_54 = arith.constant 0 : i32
        %dma_start3A_55 = tpu.memref_slice %arg10[%dma_start3A, %dma_start3A_54] : memref<2x2048xf32, #tpu.memory_space<vmem>> -> memref<1x2048xf32, #tpu.memory_space<vmem>>
        %dma_start3A_56 = tpu.memref_squeeze %dma_start3A_55 : memref<1x2048xf32, #tpu.memory_space<vmem>> -> memref<2048xf32, #tpu.memory_space<vmem>>
        %dma_start3A_57 = tpu.memref_slice %arg4[%mul3A_49] : memref<212992xf32, #tpu.memory_space<hbm>> -> memref<2048xf32, #tpu.memory_space<hbm>>
        tpu.enqueue_dma source(%dma_start3A_57 : memref<2048xf32, #tpu.memory_space<hbm>>) target(%dma_start3A_56 : memref<2048xf32, #tpu.memory_space<vmem>>) target_semaphore(%arg17 : memref<!tpu.dma_semaphore, #tpu.memory_space<semaphore_mem>>)
        %scan3A_58 = arith.constant 0 : i32
        %scan3A_59 = arith.constant 0 : i32
        %scan3A_60 = arith.constant 4 : i32
        %scan3A_61 = arith.addi %scan3A_59, %scan3A_60 : i32
        %scan3A_62 = arith.constant 1 : i32
        %scan3A_63 = scf.for %scan3A_82 = %scan3A_59 to %scan3A_61 step %scan3A_62 iter_args(%scan3A_83 = %scan3A_58) -> (i32)  : i32 {
          %mul3A_84 = arith.constant 2 : i32
          %mul3A_85 = arith.muli %scan3A_82, %mul3A_84 : i32
          %add3A_86 = arith.constant 0 : i32
          %add3A_87 = arith.addi %mul3A_85, %add3A_86 : i32
          %dma_wait3A_88 = arith.constant 0 : i32
          %dma_wait3A_89 = arith.constant 0 : i32
          %dma_wait3A_90 = tpu.memref_slice %arg10[%dma_wait3A_88, %dma_wait3A_89] : memref<2x2048xf32, #tpu.memory_space<vmem>> -> memref<1x2048xf32, #tpu.memory_space<vmem>>
          %dma_wait3A_91 = tpu.memref_squeeze %dma_wait3A_90 : memref<1x2048xf32, #tpu.memory_space<vmem>> -> memref<2048xf32, #tpu.memory_space<vmem>>
          %dma_wait3A_92 = arith.constant 0 : i32
          %dma_wait3A_93 = tpu.memref_slice %arg4[%dma_wait3A_92] : memref<212992xf32, #tpu.memory_space<hbm>> -> memref<2048xf32, #tpu.memory_space<hbm>>
          %dma_wait3A_94 = arith.constant 0 : i32
          %dma_wait3A_95 = tpu.memref_slice %arg10[%dma_wait3A_88, %dma_wait3A_94] : memref<2x2048xf32, #tpu.memory_space<vmem>> -> memref<1x2048xf32, #tpu.memory_space<vmem>>
          %dma_wait3A_96 = tpu.memref_squeeze %dma_wait3A_95 : memref<1x2048xf32, #tpu.memory_space<vmem>> -> memref<2048xf32, #tpu.memory_space<vmem>>
          %dma_wait3A_97 = arith.constant 0 : i32
          %dma_wait3A_98 = tpu.memref_slice %arg4[%dma_wait3A_97] : memref<212992xf32, #tpu.memory_space<hbm>> -> memref<2048xf32, #tpu.memory_space<hbm>>
          tpu.wait_dma2 semaphore(%arg17 : memref<!tpu.dma_semaphore, #tpu.memory_space<semaphore_mem>>) src(%dma_wait3A_98 : memref<2048xf32, #tpu.memory_space<hbm>>) dst(%dma_wait3A_96 : memref<2048xf32, #tpu.memory_space<vmem>>)
          %add3A_99 = arith.constant 1 : i32
          %add3A_100 = arith.addi %add3A_87, %add3A_99 : i32
          %lt3A_101 = arith.constant 8 : i32
          %lt3A_102 = arith.cmpi slt, %add3A_100, %lt3A_101 : i32
          %convert_element_type3A_103 = arith.extui %lt3A_102 : i1 to i32
          %cond3A_104 = arith.constant 0 : i32
          %cond3A_105 = arith.cmpi ne, %convert_element_type3A_103, %cond3A_104 : i32
          scf.if %cond3A_105 {
            %mul3A_159 = arith.constant 16384 : i32
            %mul3A_160 = arith.muli %div3A_38, %mul3A_159 : i32
            %add3A_161 = arith.constant 1 : i32
            %add3A_162 = arith.addi %add3A_87, %add3A_161 : i32
            %mul3A_163 = arith.constant 2048 : i32
            %mul3A_164 = arith.muli %add3A_162, %mul3A_163 : i32
            %add3A_165 = arith.addi %mul3A_160, %mul3A_164 : i32
            %dma_start3A_166 = arith.constant 1 : i32
            %dma_start3A_167 = arith.constant 0 : i32
            %dma_start3A_168 = tpu.memref_slice %arg10[%dma_start3A_166, %dma_start3A_167] : memref<2x2048xf32, #tpu.memory_space<vmem>> -> memref<1x2048xf32, #tpu.memory_space<vmem>>
            %dma_start3A_169 = tpu.memref_squeeze %dma_start3A_168 : memref<1x2048xf32, #tpu.memory_space<vmem>> -> memref<2048xf32, #tpu.memory_space<vmem>>
            %dma_start3A_170 = tpu.memref_slice %arg4[%add3A_165] : memref<212992xf32, #tpu.memory_space<hbm>> -> memref<2048xf32, #tpu.memory_space<hbm>>
            %dma_start3A_171 = arith.constant 0 : i32
            %dma_start3A_172 = tpu.memref_slice %arg10[%dma_start3A_166, %dma_start3A_171] : memref<2x2048xf32, #tpu.memory_space<vmem>> -> memref<1x2048xf32, #tpu.memory_space<vmem>>
            %dma_start3A_173 = tpu.memref_squeeze %dma_start3A_172 : memref<1x2048xf32, #tpu.memory_space<vmem>> -> memref<2048xf32, #tpu.memory_space<vmem>>
            %dma_start3A_174 = tpu.memref_slice %arg4[%add3A_165] : memref<212992xf32, #tpu.memory_space<hbm>> -> memref<2048xf32, #tpu.memory_space<hbm>>
            tpu.enqueue_dma source(%dma_start3A_174 : memref<2048xf32, #tpu.memory_space<hbm>>) target(%dma_start3A_173 : memref<2048xf32, #tpu.memory_space<vmem>>) target_semaphore(%arg17 : memref<!tpu.dma_semaphore, #tpu.memory_space<semaphore_mem>>)
          } else {
          }
          %ge3A = arith.constant 1 : i32
          %ge3A_106 = arith.cmpi sge, %scan3A_82, %ge3A : i32
          %convert_element_type3A_107 = arith.extui %ge3A_106 : i1 to i32
          %cond3A_108 = arith.constant 0 : i32
          %cond3A_109 = arith.cmpi ne, %convert_element_type3A_107, %cond3A_108 : i32
          scf.if %cond3A_109 {
            %dma_wait3A_159 = arith.constant 0 : i32
            %dma_wait3A_160 = arith.constant 0 : i32
            %dma_wait3A_161 = arith.constant 0 : i32
            %dma_wait3A_162 = tpu.memref_slice %arg7[%dma_wait3A_159, %dma_wait3A_160, %dma_wait3A_161] : memref<39x64x16384xf32, #tpu.memory_space<hbm>> -> memref<1x8x2048xf32, #tpu.memory_space<hbm>>
            %dma_wait3A_163 = tpu.memref_squeeze %dma_wait3A_162 : memref<1x8x2048xf32, #tpu.memory_space<hbm>> -> memref<8x2048xf32, #tpu.memory_space<hbm>>
            %dma_wait3A_164 = arith.constant 0 : i32
            %dma_wait3A_165 = arith.constant 0 : i32
            %dma_wait3A_166 = tpu.memref_slice %arg7[%dma_wait3A_159, %dma_wait3A_164, %dma_wait3A_165] : memref<39x64x16384xf32, #tpu.memory_space<hbm>> -> memref<1x8x2048xf32, #tpu.memory_space<hbm>>
            %dma_wait3A_167 = tpu.memref_squeeze %dma_wait3A_166 : memref<1x8x2048xf32, #tpu.memory_space<hbm>> -> memref<8x2048xf32, #tpu.memory_space<hbm>>
            tpu.wait_dma2 semaphore(%arg15 : memref<!tpu.dma_semaphore, #tpu.memory_space<semaphore_mem>>) src(%arg13 : memref<8x2048xf32, #tpu.memory_space<vmem>>) dst(%dma_wait3A_167 : memref<8x2048xf32, #tpu.memory_space<hbm>>)
          } else {
          }
          %parallel_loop3A = arith.constant 0 : i32
          %parallel_loop3A_110 = arith.constant 128 : i32
          %parallel_loop3A_111 = arith.constant 1 : i32
          scf.for %parallel_loop3A_159 = %parallel_loop3A to %parallel_loop3A_110 step %parallel_loop3A_111  : i32 {
            %parallel_loop3A_160 = arith.constant 16 : i32
            %parallel_loop3A_161 = arith.muli %parallel_loop3A_159, %parallel_loop3A_160 : i32
            %parallel_loop3A_162 = arith.constant 0 : i32
            %parallel_loop3A_163 = arith.index_cast %parallel_loop3A_162 : i32 to index
            %parallel_loop3A_164 = arith.index_cast %parallel_loop3A_161 : i32 to index
            %parallel_loop3A_165 = tpu.vector_load %arg10[%parallel_loop3A_163, %parallel_loop3A_164] {strides = array<i32>} : memref<2x2048xf32, #tpu.memory_space<vmem>>, vector<16xf32>,
            %parallel_loop3A_166 = vector.extract_strided_slice %get3A_43 {offsets = [0], sizes = [1], strides = [1]} : vector<16xf32> to vector<1xf32>
            %parallel_loop3A_167 = vector.extract %parallel_loop3A_166[0] : f32 from vector<1xf32>
            %parallel_loop3A_168 = vector.broadcast %parallel_loop3A_167 : f32 to vector<16xf32>
            %parallel_loop3A_169 = arith.mulf %parallel_loop3A_165, %parallel_loop3A_168 : vector<16xf32>
            %parallel_loop3A_170 = vector.extract_strided_slice %get3A_47 {offsets = [0], sizes = [1], strides = [1]} : vector<16xf32> to vector<1xf32>
            %parallel_loop3A_171 = vector.extract %parallel_loop3A_170[0] : f32 from vector<1xf32>
            %parallel_loop3A_172 = vector.broadcast %parallel_loop3A_171 : f32 to vector<16xf32>
            %parallel_loop3A_173 = arith.addf %parallel_loop3A_169, %parallel_loop3A_172 : vector<16xf32>
            %parallel_loop3A_174 = arith.constant 16 : i32
            %parallel_loop3A_175 = arith.muli %parallel_loop3A_159, %parallel_loop3A_174 : i32
            %parallel_loop3A_176 = arith.constant 0 : i32
            %parallel_loop3A_177 = arith.index_cast %parallel_loop3A_176 : i32 to index
            %parallel_loop3A_178 = arith.index_cast %parallel_loop3A_175 : i32 to index
            %parallel_loop3A_179 = tpu.vector_load %arg13[%parallel_loop3A_177, %parallel_loop3A_178] {strides = array<i32>} : memref<8x2048xf32, #tpu.memory_space<vmem>>, vector<16xf32>,
            tpu.vector_store %arg13[%parallel_loop3A_177, %parallel_loop3A_178], %parallel_loop3A_173 {strides = array<i32>} : memref<8x2048xf32, #tpu.memory_space<vmem>>, vector<16xf32>,
            %parallel_loop3A_180 = vector.extract_strided_slice %get3A_43 {offsets = [1], sizes = [1], strides = [1]} : vector<16xf32> to vector<1xf32>
            %parallel_loop3A_181 = vector.extract %parallel_loop3A_180[0] : f32 from vector<1xf32>
            %parallel_loop3A_182 = vector.broadcast %parallel_loop3A_181 : f32 to vector<16xf32>
            %parallel_loop3A_183 = arith.mulf %parallel_loop3A_165, %parallel_loop3A_182 : vector<16xf32>
            %parallel_loop3A_184 = vector.extract_strided_slice %get3A_47 {offsets = [1], sizes = [1], strides = [1]} : vector<16xf32> to vector<1xf32>
            %parallel_loop3A_185 = vector.extract %parallel_loop3A_184[0] : f32 from vector<1xf32>
            %parallel_loop3A_186 = vector.broadcast %parallel_loop3A_185 : f32 to vector<16xf32>
            %parallel_loop3A_187 = arith.addf %parallel_loop3A_183, %parallel_loop3A_186 : vector<16xf32>
            %parallel_loop3A_188 = arith.constant 16 : i32
            %parallel_loop3A_189 = arith.muli %parallel_loop3A_159, %parallel_loop3A_188 : i32
            %parallel_loop3A_190 = arith.constant 1 : i32
            %parallel_loop3A_191 = arith.index_cast %parallel_loop3A_190 : i32 to index
            %parallel_loop3A_192 = arith.index_cast %parallel_loop3A_189 : i32 to index
            %parallel_loop3A_193 = tpu.vector_load %arg13[%parallel_loop3A_191, %parallel_loop3A_192] {strides = array<i32>} : memref<8x2048xf32, #tpu.memory_space<vmem>>, vector<16xf32>,
            tpu.vector_store %arg13[%parallel_loop3A_191, %parallel_loop3A_192], %parallel_loop3A_187 {strides = array<i32>} : memref<8x2048xf32, #tpu.memory_space<vmem>>, vector<16xf32>,
            %parallel_loop3A_194 = vector.extract_strided_slice %get3A_43 {offsets = [2], sizes = [1], strides = [1]} : vector<16xf32> to vector<1xf32>
            %parallel_loop3A_195 = vector.extract %parallel_loop3A_194[0] : f32 from vector<1xf32>
            %parallel_loop3A_196 = vector.broadcast %parallel_loop3A_195 : f32 to vector<16xf32>
            %parallel_loop3A_197 = arith.mulf %parallel_loop3A_165, %parallel_loop3A_196 : vector<16xf32>
            %parallel_loop3A_198 = vector.extract_strided_slice %get3A_47 {offsets = [2], sizes = [1], strides = [1]} : vector<16xf32> to vector<1xf32>
            %parallel_loop3A_199 = vector.extract %parallel_loop3A_198[0] : f32 from vector<1xf32>
            %parallel_loop3A_200 = vector.broadcast %parallel_loop3A_199 : f32 to vector<16xf32>
            %parallel_loop3A_201 = arith.addf %parallel_loop3A_197, %parallel_loop3A_200 : vector<16xf32>
            %parallel_loop3A_202 = arith.constant 16 : i32
            %parallel_loop3A_203 = arith.muli %parallel_loop3A_159, %parallel_loop3A_202 : i32
            %parallel_loop3A_204 = arith.constant 2 : i32
            %parallel_loop3A_205 = arith.index_cast %parallel_loop3A_204 : i32 to index
            %parallel_loop3A_206 = arith.index_cast %parallel_loop3A_203 : i32 to index
            %parallel_loop3A_207 = tpu.vector_load %arg13[%parallel_loop3A_205, %parallel_loop3A_206] {strides = array<i32>} : memref<8x2048xf32, #tpu.memory_space<vmem>>, vector<16xf32>,
            tpu.vector_store %arg13[%parallel_loop3A_205, %parallel_loop3A_206], %parallel_loop3A_201 {strides = array<i32>} : memref<8x2048xf32, #tpu.memory_space<vmem>>, vector<16xf32>,
            %parallel_loop3A_208 = vector.extract_strided_slice %get3A_43 {offsets = [3], sizes = [1], strides = [1]} : vector<16xf32> to vector<1xf32>
            %parallel_loop3A_209 = vector.extract %parallel_loop3A_208[0] : f32 from vector<1xf32>
            %parallel_loop3A_210 = vector.broadcast %parallel_loop3A_209 : f32 to vector<16xf32>
            %parallel_loop3A_211 = arith.mulf %parallel_loop3A_165, %parallel_loop3A_210 : vector<16xf32>
            %parallel_loop3A_212 = vector.extract_strided_slice %get3A_47 {offsets = [3], sizes = [1], strides = [1]} : vector<16xf32> to vector<1xf32>
            %parallel_loop3A_213 = vector.extract %parallel_loop3A_212[0] : f32 from vector<1xf32>
            %parallel_loop3A_214 = vector.broadcast %parallel_loop3A_213 : f32 to vector<16xf32>
            %parallel_loop3A_215 = arith.addf %parallel_loop3A_211, %parallel_loop3A_214 : vector<16xf32>
            %parallel_loop3A_216 = arith.constant 16 : i32
            %parallel_loop3A_217 = arith.muli %parallel_loop3A_159, %parallel_loop3A_216 : i32
            %parallel_loop3A_218 = arith.constant 3 : i32
            %parallel_loop3A_219 = arith.index_cast %parallel_loop3A_218 : i32 to index
            %parallel_loop3A_220 = arith.index_cast %parallel_loop3A_217 : i32 to index
            %parallel_loop3A_221 = tpu.vector_load %arg13[%parallel_loop3A_219, %parallel_loop3A_220] {strides = array<i32>} : memref<8x2048xf32, #tpu.memory_space<vmem>>, vector<16xf32>,
            tpu.vector_store %arg13[%parallel_loop3A_219, %parallel_loop3A_220], %parallel_loop3A_215 {strides = array<i32>} : memref<8x2048xf32, #tpu.memory_space<vmem>>, vector<16xf32>,
            %parallel_loop3A_222 = vector.extract_strided_slice %get3A_43 {offsets = [4], sizes = [1], strides = [1]} : vector<16xf32> to vector<1xf32>
            %parallel_loop3A_223 = vector.extract %parallel_loop3A_222[0] : f32 from vector<1xf32>
            %parallel_loop3A_224 = vector.broadcast %parallel_loop3A_223 : f32 to vector<16xf32>
            %parallel_loop3A_225 = arith.mulf %parallel_loop3A_165, %parallel_loop3A_224 : vector<16xf32>
            %parallel_loop3A_226 = vector.extract_strided_slice %get3A_47 {offsets = [4], sizes = [1], strides = [1]} : vector<16xf32> to vector<1xf32>
            %parallel_loop3A_227 = vector.extract %parallel_loop3A_226[0] : f32 from vector<1xf32>
            %parallel_loop3A_228 = vector.broadcast %parallel_loop3A_227 : f32 to vector<16xf32>
            %parallel_loop3A_229 = arith.addf %parallel_loop3A_225, %parallel_loop3A_228 : vector<16xf32>
            %parallel_loop3A_230 = arith.constant 16 : i32
            %parallel_loop3A_231 = arith.muli %parallel_loop3A_159, %parallel_loop3A_230 : i32
            %parallel_loop3A_232 = arith.constant 4 : i32
            %parallel_loop3A_233 = arith.index_cast %parallel_loop3A_232 : i32 to index
            %parallel_loop3A_234 = arith.index_cast %parallel_loop3A_231 : i32 to index
            %parallel_loop3A_235 = tpu.vector_load %arg13[%parallel_loop3A_233, %parallel_loop3A_234] {strides = array<i32>} : memref<8x2048xf32, #tpu.memory_space<vmem>>, vector<16xf32>,
            tpu.vector_store %arg13[%parallel_loop3A_233, %parallel_loop3A_234], %parallel_loop3A_229 {strides = array<i32>} : memref<8x2048xf32, #tpu.memory_space<vmem>>, vector<16xf32>,
            %parallel_loop3A_236 = vector.extract_strided_slice %get3A_43 {offsets = [5], sizes = [1], strides = [1]} : vector<16xf32> to vector<1xf32>
            %parallel_loop3A_237 = vector.extract %parallel_loop3A_236[0] : f32 from vector<1xf32>
            %parallel_loop3A_238 = vector.broadcast %parallel_loop3A_237 : f32 to vector<16xf32>
            %parallel_loop3A_239 = arith.mulf %parallel_loop3A_165, %parallel_loop3A_238 : vector<16xf32>
            %parallel_loop3A_240 = vector.extract_strided_slice %get3A_47 {offsets = [5], sizes = [1], strides = [1]} : vector<16xf32> to vector<1xf32>
            %parallel_loop3A_241 = vector.extract %parallel_loop3A_240[0] : f32 from vector<1xf32>
            %parallel_loop3A_242 = vector.broadcast %parallel_loop3A_241 : f32 to vector<16xf32>
            %parallel_loop3A_243 = arith.addf %parallel_loop3A_239, %parallel_loop3A_242 : vector<16xf32>
            %parallel_loop3A_244 = arith.constant 16 : i32
            %parallel_loop3A_245 = arith.muli %parallel_loop3A_159, %parallel_loop3A_244 : i32
            %parallel_loop3A_246 = arith.constant 5 : i32
            %parallel_loop3A_247 = arith.index_cast %parallel_loop3A_246 : i32 to index
            %parallel_loop3A_248 = arith.index_cast %parallel_loop3A_245 : i32 to index
            %parallel_loop3A_249 = tpu.vector_load %arg13[%parallel_loop3A_247, %parallel_loop3A_248] {strides = array<i32>} : memref<8x2048xf32, #tpu.memory_space<vmem>>, vector<16xf32>,
            tpu.vector_store %arg13[%parallel_loop3A_247, %parallel_loop3A_248], %parallel_loop3A_243 {strides = array<i32>} : memref<8x2048xf32, #tpu.memory_space<vmem>>, vector<16xf32>,
            %parallel_loop3A_250 = vector.extract_strided_slice %get3A_43 {offsets = [6], sizes = [1], strides = [1]} : vector<16xf32> to vector<1xf32>
            %parallel_loop3A_251 = vector.extract %parallel_loop3A_250[0] : f32 from vector<1xf32>
            %parallel_loop3A_252 = vector.broadcast %parallel_loop3A_251 : f32 to vector<16xf32>
            %parallel_loop3A_253 = arith.mulf %parallel_loop3A_165, %parallel_loop3A_252 : vector<16xf32>
            %parallel_loop3A_254 = vector.extract_strided_slice %get3A_47 {offsets = [6], sizes = [1], strides = [1]} : vector<16xf32> to vector<1xf32>
            %parallel_loop3A_255 = vector.extract %parallel_loop3A_254[0] : f32 from vector<1xf32>
            %parallel_loop3A_256 = vector.broadcast %parallel_loop3A_255 : f32 to vector<16xf32>
            %parallel_loop3A_257 = arith.addf %parallel_loop3A_253, %parallel_loop3A_256 : vector<16xf32>
            %parallel_loop3A_258 = arith.constant 16 : i32
            %parallel_loop3A_259 = arith.muli %parallel_loop3A_159, %parallel_loop3A_258 : i32
            %parallel_loop3A_260 = arith.constant 6 : i32
            %parallel_loop3A_261 = arith.index_cast %parallel_loop3A_260 : i32 to index
            %parallel_loop3A_262 = arith.index_cast %parallel_loop3A_259 : i32 to index
            %parallel_loop3A_263 = tpu.vector_load %arg13[%parallel_loop3A_261, %parallel_loop3A_262] {strides = array<i32>} : memref<8x2048xf32, #tpu.memory_space<vmem>>, vector<16xf32>,
            tpu.vector_store %arg13[%parallel_loop3A_261, %parallel_loop3A_262], %parallel_loop3A_257 {strides = array<i32>} : memref<8x2048xf32, #tpu.memory_space<vmem>>, vector<16xf32>,
            %parallel_loop3A_264 = vector.extract_strided_slice %get3A_43 {offsets = [7], sizes = [1], strides = [1]} : vector<16xf32> to vector<1xf32>
            %parallel_loop3A_265 = vector.extract %parallel_loop3A_264[0] : f32 from vector<1xf32>
            %parallel_loop3A_266 = vector.broadcast %parallel_loop3A_265 : f32 to vector<16xf32>
            %parallel_loop3A_267 = arith.mulf %parallel_loop3A_165, %parallel_loop3A_266 : vector<16xf32>
            %parallel_loop3A_268 = vector.extract_strided_slice %get3A_47 {offsets = [7], sizes = [1], strides = [1]} : vector<16xf32> to vector<1xf32>
            %parallel_loop3A_269 = vector.extract %parallel_loop3A_268[0] : f32 from vector<1xf32>
            %parallel_loop3A_270 = vector.broadcast %parallel_loop3A_269 : f32 to vector<16xf32>
            %parallel_loop3A_271 = arith.addf %parallel_loop3A_267, %parallel_loop3A_270 : vector<16xf32>
            %parallel_loop3A_272 = arith.constant 16 : i32
            %parallel_loop3A_273 = arith.muli %parallel_loop3A_159, %parallel_loop3A_272 : i32
            %parallel_loop3A_274 = arith.constant 7 : i32
            %parallel_loop3A_275 = arith.index_cast %parallel_loop3A_274 : i32 to index
            %parallel_loop3A_276 = arith.index_cast %parallel_loop3A_273 : i32 to index
            %parallel_loop3A_277 = tpu.vector_load %arg13[%parallel_loop3A_275, %parallel_loop3A_276] {strides = array<i32>} : memref<8x2048xf32, #tpu.memory_space<vmem>>, vector<16xf32>,
            tpu.vector_store %arg13[%parallel_loop3A_275, %parallel_loop3A_276], %parallel_loop3A_271 {strides = array<i32>} : memref<8x2048xf32, #tpu.memory_space<vmem>>, vector<16xf32>,
          } {sc.loop_unroll_factor = 8 : i64, sc.parallel_access}
          %mul3A_112 = arith.constant 8 : i32
          %mul3A_113 = arith.muli %rem3A_40, %mul3A_112 : i32
          %mul3A_114 = arith.constant 2048 : i32
          %mul3A_115 = arith.muli %add3A_87, %mul3A_114 : i32
          %dma_start3A_116 = tpu.memref_slice %arg7[%div3A_38, %mul3A_113, %mul3A_115] : memref<39x64x16384xf32, #tpu.memory_space<hbm>> -> memref<1x8x2048xf32, #tpu.memory_space<hbm>>
          %dma_start3A_117 = tpu.memref_squeeze %dma_start3A_116 : memref<1x8x2048xf32, #tpu.memory_space<hbm>> -> memref<8x2048xf32, #tpu.memory_space<hbm>>
          %dma_start3A_118 = tpu.memref_slice %arg7[%div3A_38, %mul3A_113, %mul3A_115] : memref<39x64x16384xf32, #tpu.memory_space<hbm>> -> memref<1x8x2048xf32, #tpu.memory_space<hbm>>
          %dma_start3A_119 = tpu.memref_squeeze %dma_start3A_118 : memref<1x8x2048xf32, #tpu.memory_space<hbm>> -> memref<8x2048xf32, #tpu.memory_space<hbm>>
          tpu.enqueue_dma source(%arg13 : memref<8x2048xf32, #tpu.memory_space<vmem>>) target(%dma_start3A_119 : memref<8x2048xf32, #tpu.memory_space<hbm>>) target_semaphore(%arg15 : memref<!tpu.dma_semaphore, #tpu.memory_space<semaphore_mem>>)
          %mul3A_120 = arith.constant 2 : i32
          %mul3A_121 = arith.muli %scan3A_82, %mul3A_120 : i32
          %add3A_122 = arith.constant 1 : i32
          %add3A_123 = arith.addi %mul3A_121, %add3A_122 : i32
          %dma_wait3A_124 = arith.constant 1 : i32
          %dma_wait3A_125 = arith.constant 0 : i32
          %dma_wait3A_126 = tpu.memref_slice %arg10[%dma_wait3A_124, %dma_wait3A_125] : memref<2x2048xf32, #tpu.memory_space<vmem>> -> memref<1x2048xf32, #tpu.memory_space<vmem>>
          %dma_wait3A_127 = tpu.memref_squeeze %dma_wait3A_126 : memref<1x2048xf32, #tpu.memory_space<vmem>> -> memref<2048xf32, #tpu.memory_space<vmem>>
          %dma_wait3A_128 = arith.constant 0 : i32
          %dma_wait3A_129 = tpu.memref_slice %arg4[%dma_wait3A_128] : memref<212992xf32, #tpu.memory_space<hbm>> -> memref<2048xf32, #tpu.memory_space<hbm>>
          %dma_wait3A_130 = arith.constant 0 : i32
          %dma_wait3A_131 = tpu.memref_slice %arg10[%dma_wait3A_124, %dma_wait3A_130] : memref<2x2048xf32, #tpu.memory_space<vmem>> -> memref<1x2048xf32, #tpu.memory_space<vmem>>
          %dma_wait3A_132 = tpu.memref_squeeze %dma_wait3A_131 : memref<1x2048xf32, #tpu.memory_space<vmem>> -> memref<2048xf32, #tpu.memory_space<vmem>>
          %dma_wait3A_133 = arith.constant 0 : i32
          %dma_wait3A_134 = tpu.memref_slice %arg4[%dma_wait3A_133] : memref<212992xf32, #tpu.memory_space<hbm>> -> memref<2048xf32, #tpu.memory_space<hbm>>
          tpu.wait_dma2 semaphore(%arg17 : memref<!tpu.dma_semaphore, #tpu.memory_space<semaphore_mem>>) src(%dma_wait3A_134 : memref<2048xf32, #tpu.memory_space<hbm>>) dst(%dma_wait3A_132 : memref<2048xf32, #tpu.memory_space<vmem>>)
          %add3A_135 = arith.constant 1 : i32
          %add3A_136 = arith.addi %add3A_123, %add3A_135 : i32
          %lt3A_137 = arith.constant 8 : i32
          %lt3A_138 = arith.cmpi slt, %add3A_136, %lt3A_137 : i32
          %convert_element_type3A_139 = arith.extui %lt3A_138 : i1 to i32
          %cond3A_140 = arith.constant 0 : i32
          %cond3A_141 = arith.cmpi ne, %convert_element_type3A_139, %cond3A_140 : i32
          scf.if %cond3A_141 {
            %mul3A_159 = arith.constant 16384 : i32
            %mul3A_160 = arith.muli %div3A_38, %mul3A_159 : i32
            %add3A_161 = arith.constant 1 : i32
            %add3A_162 = arith.addi %add3A_123, %add3A_161 : i32
            %mul3A_163 = arith.constant 2048 : i32
            %mul3A_164 = arith.muli %add3A_162, %mul3A_163 : i32
            %add3A_165 = arith.addi %mul3A_160, %mul3A_164 : i32
            %dma_start3A_166 = arith.constant 0 : i32
            %dma_start3A_167 = arith.constant 0 : i32
            %dma_start3A_168 = tpu.memref_slice %arg10[%dma_start3A_166, %dma_start3A_167] : memref<2x2048xf32, #tpu.memory_space<vmem>> -> memref<1x2048xf32, #tpu.memory_space<vmem>>
            %dma_start3A_169 = tpu.memref_squeeze %dma_start3A_168 : memref<1x2048xf32, #tpu.memory_space<vmem>> -> memref<2048xf32, #tpu.memory_space<vmem>>
            %dma_start3A_170 = tpu.memref_slice %arg4[%add3A_165] : memref<212992xf32, #tpu.memory_space<hbm>> -> memref<2048xf32, #tpu.memory_space<hbm>>
            %dma_start3A_171 = arith.constant 0 : i32
            %dma_start3A_172 = tpu.memref_slice %arg10[%dma_start3A_166, %dma_start3A_171] : memref<2x2048xf32, #tpu.memory_space<vmem>> -> memref<1x2048xf32, #tpu.memory_space<vmem>>
            %dma_start3A_173 = tpu.memref_squeeze %dma_start3A_172 : memref<1x2048xf32, #tpu.memory_space<vmem>> -> memref<2048xf32, #tpu.memory_space<vmem>>
            %dma_start3A_174 = tpu.memref_slice %arg4[%add3A_165] : memref<212992xf32, #tpu.memory_space<hbm>> -> memref<2048xf32, #tpu.memory_space<hbm>>
            tpu.enqueue_dma source(%dma_start3A_174 : memref<2048xf32, #tpu.memory_space<hbm>>) target(%dma_start3A_173 : memref<2048xf32, #tpu.memory_space<vmem>>) target_semaphore(%arg17 : memref<!tpu.dma_semaphore, #tpu.memory_space<semaphore_mem>>)
          } else {
          }
          %ge3A_142 = arith.constant 1 : i32
          %ge3A_143 = arith.cmpi sge, %scan3A_82, %ge3A_142 : i32
          %convert_element_type3A_144 = arith.extui %ge3A_143 : i1 to i32
          %cond3A_145 = arith.constant 0 : i32
          %cond3A_146 = arith.cmpi ne, %convert_element_type3A_144, %cond3A_145 : i32
          scf.if %cond3A_146 {
            %dma_wait3A_159 = arith.constant 0 : i32
            %dma_wait3A_160 = arith.constant 0 : i32
            %dma_wait3A_161 = arith.constant 0 : i32
            %dma_wait3A_162 = tpu.memref_slice %arg7[%dma_wait3A_159, %dma_wait3A_160, %dma_wait3A_161] : memref<39x64x16384xf32, #tpu.memory_space<hbm>> -> memref<1x8x2048xf32, #tpu.memory_space<hbm>>
            %dma_wait3A_163 = tpu.memref_squeeze %dma_wait3A_162 : memref<1x8x2048xf32, #tpu.memory_space<hbm>> -> memref<8x2048xf32, #tpu.memory_space<hbm>>
            %dma_wait3A_164 = arith.constant 0 : i32
            %dma_wait3A_165 = arith.constant 0 : i32
            %dma_wait3A_166 = tpu.memref_slice %arg7[%dma_wait3A_159, %dma_wait3A_164, %dma_wait3A_165] : memref<39x64x16384xf32, #tpu.memory_space<hbm>> -> memref<1x8x2048xf32, #tpu.memory_space<hbm>>
            %dma_wait3A_167 = tpu.memref_squeeze %dma_wait3A_166 : memref<1x8x2048xf32, #tpu.memory_space<hbm>> -> memref<8x2048xf32, #tpu.memory_space<hbm>>
            tpu.wait_dma2 semaphore(%arg16 : memref<!tpu.dma_semaphore, #tpu.memory_space<semaphore_mem>>) src(%arg14 : memref<8x2048xf32, #tpu.memory_space<vmem>>) dst(%dma_wait3A_167 : memref<8x2048xf32, #tpu.memory_space<hbm>>)
          } else {
          }
          %parallel_loop3A_147 = arith.constant 0 : i32
          %parallel_loop3A_148 = arith.constant 128 : i32
          %parallel_loop3A_149 = arith.constant 1 : i32
          scf.for %parallel_loop3A_159 = %parallel_loop3A_147 to %parallel_loop3A_148 step %parallel_loop3A_149  : i32 {
            %parallel_loop3A_160 = arith.constant 16 : i32
            %parallel_loop3A_161 = arith.muli %parallel_loop3A_159, %parallel_loop3A_160 : i32
            %parallel_loop3A_162 = arith.constant 1 : i32
            %parallel_loop3A_163 = arith.index_cast %parallel_loop3A_162 : i32 to index
            %parallel_loop3A_164 = arith.index_cast %parallel_loop3A_161 : i32 to index
            %parallel_loop3A_165 = tpu.vector_load %arg10[%parallel_loop3A_163, %parallel_loop3A_164] {strides = array<i32>} : memref<2x2048xf32, #tpu.memory_space<vmem>>, vector<16xf32>,
            %parallel_loop3A_166 = vector.extract_strided_slice %get3A_43 {offsets = [0], sizes = [1], strides = [1]} : vector<16xf32> to vector<1xf32>
            %parallel_loop3A_167 = vector.extract %parallel_loop3A_166[0] : f32 from vector<1xf32>
            %parallel_loop3A_168 = vector.broadcast %parallel_loop3A_167 : f32 to vector<16xf32>
            %parallel_loop3A_169 = arith.mulf %parallel_loop3A_165, %parallel_loop3A_168 : vector<16xf32>
            %parallel_loop3A_170 = vector.extract_strided_slice %get3A_47 {offsets = [0], sizes = [1], strides = [1]} : vector<16xf32> to vector<1xf32>
            %parallel_loop3A_171 = vector.extract %parallel_loop3A_170[0] : f32 from vector<1xf32>
            %parallel_loop3A_172 = vector.broadcast %parallel_loop3A_171 : f32 to vector<16xf32>
            %parallel_loop3A_173 = arith.addf %parallel_loop3A_169, %parallel_loop3A_172 : vector<16xf32>
            %parallel_loop3A_174 = arith.constant 16 : i32
            %parallel_loop3A_175 = arith.muli %parallel_loop3A_159, %parallel_loop3A_174 : i32
            %parallel_loop3A_176 = arith.constant 0 : i32
            %parallel_loop3A_177 = arith.index_cast %parallel_loop3A_176 : i32 to index
            %parallel_loop3A_178 = arith.index_cast %parallel_loop3A_175 : i32 to index
            %parallel_loop3A_179 = tpu.vector_load %arg14[%parallel_loop3A_177, %parallel_loop3A_178] {strides = array<i32>} : memref<8x2048xf32, #tpu.memory_space<vmem>>, vector<16xf32>,
            tpu.vector_store %arg14[%parallel_loop3A_177, %parallel_loop3A_178], %parallel_loop3A_173 {strides = array<i32>} : memref<8x2048xf32, #tpu.memory_space<vmem>>, vector<16xf32>,
            %parallel_loop3A_180 = vector.extract_strided_slice %get3A_43 {offsets = [1], sizes = [1], strides = [1]} : vector<16xf32> to vector<1xf32>
            %parallel_loop3A_181 = vector.extract %parallel_loop3A_180[0] : f32 from vector<1xf32>
            %parallel_loop3A_182 = vector.broadcast %parallel_loop3A_181 : f32 to vector<16xf32>
            %parallel_loop3A_183 = arith.mulf %parallel_loop3A_165, %parallel_loop3A_182 : vector<16xf32>
            %parallel_loop3A_184 = vector.extract_strided_slice %get3A_47 {offsets = [1], sizes = [1], strides = [1]} : vector<16xf32> to vector<1xf32>
            %parallel_loop3A_185 = vector.extract %parallel_loop3A_184[0] : f32 from vector<1xf32>
            %parallel_loop3A_186 = vector.broadcast %parallel_loop3A_185 : f32 to vector<16xf32>
            %parallel_loop3A_187 = arith.addf %parallel_loop3A_183, %parallel_loop3A_186 : vector<16xf32>
            %parallel_loop3A_188 = arith.constant 16 : i32
            %parallel_loop3A_189 = arith.muli %parallel_loop3A_159, %parallel_loop3A_188 : i32
            %parallel_loop3A_190 = arith.constant 1 : i32
            %parallel_loop3A_191 = arith.index_cast %parallel_loop3A_190 : i32 to index
            %parallel_loop3A_192 = arith.index_cast %parallel_loop3A_189 : i32 to index
            %parallel_loop3A_193 = tpu.vector_load %arg14[%parallel_loop3A_191, %parallel_loop3A_192] {strides = array<i32>} : memref<8x2048xf32, #tpu.memory_space<vmem>>, vector<16xf32>,
            tpu.vector_store %arg14[%parallel_loop3A_191, %parallel_loop3A_192], %parallel_loop3A_187 {strides = array<i32>} : memref<8x2048xf32, #tpu.memory_space<vmem>>, vector<16xf32>,
            %parallel_loop3A_194 = vector.extract_strided_slice %get3A_43 {offsets = [2], sizes = [1], strides = [1]} : vector<16xf32> to vector<1xf32>
            %parallel_loop3A_195 = vector.extract %parallel_loop3A_194[0] : f32 from vector<1xf32>
            %parallel_loop3A_196 = vector.broadcast %parallel_loop3A_195 : f32 to vector<16xf32>
            %parallel_loop3A_197 = arith.mulf %parallel_loop3A_165, %parallel_loop3A_196 : vector<16xf32>
            %parallel_loop3A_198 = vector.extract_strided_slice %get3A_47 {offsets = [2], sizes = [1], strides = [1]} : vector<16xf32> to vector<1xf32>
            %parallel_loop3A_199 = vector.extract %parallel_loop3A_198[0] : f32 from vector<1xf32>
            %parallel_loop3A_200 = vector.broadcast %parallel_loop3A_199 : f32 to vector<16xf32>
            %parallel_loop3A_201 = arith.addf %parallel_loop3A_197, %parallel_loop3A_200 : vector<16xf32>
            %parallel_loop3A_202 = arith.constant 16 : i32
            %parallel_loop3A_203 = arith.muli %parallel_loop3A_159, %parallel_loop3A_202 : i32
            %parallel_loop3A_204 = arith.constant 2 : i32
            %parallel_loop3A_205 = arith.index_cast %parallel_loop3A_204 : i32 to index
            %parallel_loop3A_206 = arith.index_cast %parallel_loop3A_203 : i32 to index
            %parallel_loop3A_207 = tpu.vector_load %arg14[%parallel_loop3A_205, %parallel_loop3A_206] {strides = array<i32>} : memref<8x2048xf32, #tpu.memory_space<vmem>>, vector<16xf32>,
            tpu.vector_store %arg14[%parallel_loop3A_205, %parallel_loop3A_206], %parallel_loop3A_201 {strides = array<i32>} : memref<8x2048xf32, #tpu.memory_space<vmem>>, vector<16xf32>,
            %parallel_loop3A_208 = vector.extract_strided_slice %get3A_43 {offsets = [3], sizes = [1], strides = [1]} : vector<16xf32> to vector<1xf32>
            %parallel_loop3A_209 = vector.extract %parallel_loop3A_208[0] : f32 from vector<1xf32>
            %parallel_loop3A_210 = vector.broadcast %parallel_loop3A_209 : f32 to vector<16xf32>
            %parallel_loop3A_211 = arith.mulf %parallel_loop3A_165, %parallel_loop3A_210 : vector<16xf32>
            %parallel_loop3A_212 = vector.extract_strided_slice %get3A_47 {offsets = [3], sizes = [1], strides = [1]} : vector<16xf32> to vector<1xf32>
            %parallel_loop3A_213 = vector.extract %parallel_loop3A_212[0] : f32 from vector<1xf32>
            %parallel_loop3A_214 = vector.broadcast %parallel_loop3A_213 : f32 to vector<16xf32>
            %parallel_loop3A_215 = arith.addf %parallel_loop3A_211, %parallel_loop3A_214 : vector<16xf32>
            %parallel_loop3A_216 = arith.constant 16 : i32
            %parallel_loop3A_217 = arith.muli %parallel_loop3A_159, %parallel_loop3A_216 : i32
            %parallel_loop3A_218 = arith.constant 3 : i32
            %parallel_loop3A_219 = arith.index_cast %parallel_loop3A_218 : i32 to index
            %parallel_loop3A_220 = arith.index_cast %parallel_loop3A_217 : i32 to index
            %parallel_loop3A_221 = tpu.vector_load %arg14[%parallel_loop3A_219, %parallel_loop3A_220] {strides = array<i32>} : memref<8x2048xf32, #tpu.memory_space<vmem>>, vector<16xf32>,
            tpu.vector_store %arg14[%parallel_loop3A_219, %parallel_loop3A_220], %parallel_loop3A_215 {strides = array<i32>} : memref<8x2048xf32, #tpu.memory_space<vmem>>, vector<16xf32>,
            %parallel_loop3A_222 = vector.extract_strided_slice %get3A_43 {offsets = [4], sizes = [1], strides = [1]} : vector<16xf32> to vector<1xf32>
            %parallel_loop3A_223 = vector.extract %parallel_loop3A_222[0] : f32 from vector<1xf32>
            %parallel_loop3A_224 = vector.broadcast %parallel_loop3A_223 : f32 to vector<16xf32>
            %parallel_loop3A_225 = arith.mulf %parallel_loop3A_165, %parallel_loop3A_224 : vector<16xf32>
            %parallel_loop3A_226 = vector.extract_strided_slice %get3A_47 {offsets = [4], sizes = [1], strides = [1]} : vector<16xf32> to vector<1xf32>
            %parallel_loop3A_227 = vector.extract %parallel_loop3A_226[0] : f32 from vector<1xf32>
            %parallel_loop3A_228 = vector.broadcast %parallel_loop3A_227 : f32 to vector<16xf32>
            %parallel_loop3A_229 = arith.addf %parallel_loop3A_225, %parallel_loop3A_228 : vector<16xf32>
            %parallel_loop3A_230 = arith.constant 16 : i32
            %parallel_loop3A_231 = arith.muli %parallel_loop3A_159, %parallel_loop3A_230 : i32
            %parallel_loop3A_232 = arith.constant 4 : i32
            %parallel_loop3A_233 = arith.index_cast %parallel_loop3A_232 : i32 to index
            %parallel_loop3A_234 = arith.index_cast %parallel_loop3A_231 : i32 to index
            %parallel_loop3A_235 = tpu.vector_load %arg14[%parallel_loop3A_233, %parallel_loop3A_234] {strides = array<i32>} : memref<8x2048xf32, #tpu.memory_space<vmem>>, vector<16xf32>,
            tpu.vector_store %arg14[%parallel_loop3A_233, %parallel_loop3A_234], %parallel_loop3A_229 {strides = array<i32>} : memref<8x2048xf32, #tpu.memory_space<vmem>>, vector<16xf32>,
            %parallel_loop3A_236 = vector.extract_strided_slice %get3A_43 {offsets = [5], sizes = [1], strides = [1]} : vector<16xf32> to vector<1xf32>
            %parallel_loop3A_237 = vector.extract %parallel_loop3A_236[0] : f32 from vector<1xf32>
            %parallel_loop3A_238 = vector.broadcast %parallel_loop3A_237 : f32 to vector<16xf32>
            %parallel_loop3A_239 = arith.mulf %parallel_loop3A_165, %parallel_loop3A_238 : vector<16xf32>
            %parallel_loop3A_240 = vector.extract_strided_slice %get3A_47 {offsets = [5], sizes = [1], strides = [1]} : vector<16xf32> to vector<1xf32>
            %parallel_loop3A_241 = vector.extract %parallel_loop3A_240[0] : f32 from vector<1xf32>
            %parallel_loop3A_242 = vector.broadcast %parallel_loop3A_241 : f32 to vector<16xf32>
            %parallel_loop3A_243 = arith.addf %parallel_loop3A_239, %parallel_loop3A_242 : vector<16xf32>
            %parallel_loop3A_244 = arith.constant 16 : i32
            %parallel_loop3A_245 = arith.muli %parallel_loop3A_159, %parallel_loop3A_244 : i32
            %parallel_loop3A_246 = arith.constant 5 : i32
            %parallel_loop3A_247 = arith.index_cast %parallel_loop3A_246 : i32 to index
            %parallel_loop3A_248 = arith.index_cast %parallel_loop3A_245 : i32 to index
            %parallel_loop3A_249 = tpu.vector_load %arg14[%parallel_loop3A_247, %parallel_loop3A_248] {strides = array<i32>} : memref<8x2048xf32, #tpu.memory_space<vmem>>, vector<16xf32>,
            tpu.vector_store %arg14[%parallel_loop3A_247, %parallel_loop3A_248], %parallel_loop3A_243 {strides = array<i32>} : memref<8x2048xf32, #tpu.memory_space<vmem>>, vector<16xf32>,
            %parallel_loop3A_250 = vector.extract_strided_slice %get3A_43 {offsets = [6], sizes = [1], strides = [1]} : vector<16xf32> to vector<1xf32>
            %parallel_loop3A_251 = vector.extract %parallel_loop3A_250[0] : f32 from vector<1xf32>
            %parallel_loop3A_252 = vector.broadcast %parallel_loop3A_251 : f32 to vector<16xf32>
            %parallel_loop3A_253 = arith.mulf %parallel_loop3A_165, %parallel_loop3A_252 : vector<16xf32>
            %parallel_loop3A_254 = vector.extract_strided_slice %get3A_47 {offsets = [6], sizes = [1], strides = [1]} : vector<16xf32> to vector<1xf32>
            %parallel_loop3A_255 = vector.extract %parallel_loop3A_254[0] : f32 from vector<1xf32>
            %parallel_loop3A_256 = vector.broadcast %parallel_loop3A_255 : f32 to vector<16xf32>
            %parallel_loop3A_257 = arith.addf %parallel_loop3A_253, %parallel_loop3A_256 : vector<16xf32>
            %parallel_loop3A_258 = arith.constant 16 : i32
            %parallel_loop3A_259 = arith.muli %parallel_loop3A_159, %parallel_loop3A_258 : i32
            %parallel_loop3A_260 = arith.constant 6 : i32
            %parallel_loop3A_261 = arith.index_cast %parallel_loop3A_260 : i32 to index
            %parallel_loop3A_262 = arith.index_cast %parallel_loop3A_259 : i32 to index
            %parallel_loop3A_263 = tpu.vector_load %arg14[%parallel_loop3A_261, %parallel_loop3A_262] {strides = array<i32>} : memref<8x2048xf32, #tpu.memory_space<vmem>>, vector<16xf32>,
            tpu.vector_store %arg14[%parallel_loop3A_261, %parallel_loop3A_262], %parallel_loop3A_257 {strides = array<i32>} : memref<8x2048xf32, #tpu.memory_space<vmem>>, vector<16xf32>,
            %parallel_loop3A_264 = vector.extract_strided_slice %get3A_43 {offsets = [7], sizes = [1], strides = [1]} : vector<16xf32> to vector<1xf32>
            %parallel_loop3A_265 = vector.extract %parallel_loop3A_264[0] : f32 from vector<1xf32>
            %parallel_loop3A_266 = vector.broadcast %parallel_loop3A_265 : f32 to vector<16xf32>
            %parallel_loop3A_267 = arith.mulf %parallel_loop3A_165, %parallel_loop3A_266 : vector<16xf32>
            %parallel_loop3A_268 = vector.extract_strided_slice %get3A_47 {offsets = [7], sizes = [1], strides = [1]} : vector<16xf32> to vector<1xf32>
            %parallel_loop3A_269 = vector.extract %parallel_loop3A_268[0] : f32 from vector<1xf32>
            %parallel_loop3A_270 = vector.broadcast %parallel_loop3A_269 : f32 to vector<16xf32>
            %parallel_loop3A_271 = arith.addf %parallel_loop3A_267, %parallel_loop3A_270 : vector<16xf32>
            %parallel_loop3A_272 = arith.constant 16 : i32
            %parallel_loop3A_273 = arith.muli %parallel_loop3A_159, %parallel_loop3A_272 : i32
            %parallel_loop3A_274 = arith.constant 7 : i32
            %parallel_loop3A_275 = arith.index_cast %parallel_loop3A_274 : i32 to index
            %parallel_loop3A_276 = arith.index_cast %parallel_loop3A_273 : i32 to index
            %parallel_loop3A_277 = tpu.vector_load %arg14[%parallel_loop3A_275, %parallel_loop3A_276] {strides = array<i32>} : memref<8x2048xf32, #tpu.memory_space<vmem>>, vector<16xf32>,
            tpu.vector_store %arg14[%parallel_loop3A_275, %parallel_loop3A_276], %parallel_loop3A_271 {strides = array<i32>} : memref<8x2048xf32, #tpu.memory_space<vmem>>, vector<16xf32>,
          } {sc.loop_unroll_factor = 8 : i64, sc.parallel_access}
          %mul3A_150 = arith.constant 8 : i32
          %mul3A_151 = arith.muli %rem3A_40, %mul3A_150 : i32
          %mul3A_152 = arith.constant 2048 : i32
          %mul3A_153 = arith.muli %add3A_123, %mul3A_152 : i32
          %dma_start3A_154 = tpu.memref_slice %arg7[%div3A_38, %mul3A_151, %mul3A_153] : memref<39x64x16384xf32, #tpu.memory_space<hbm>> -> memref<1x8x2048xf32, #tpu.memory_space<hbm>>
          %dma_start3A_155 = tpu.memref_squeeze %dma_start3A_154 : memref<1x8x2048xf32, #tpu.memory_space<hbm>> -> memref<8x2048xf32, #tpu.memory_space<hbm>>
          %dma_start3A_156 = tpu.memref_slice %arg7[%div3A_38, %mul3A_151, %mul3A_153] : memref<39x64x16384xf32, #tpu.memory_space<hbm>> -> memref<1x8x2048xf32, #tpu.memory_space<hbm>>
          %dma_start3A_157 = tpu.memref_squeeze %dma_start3A_156 : memref<1x8x2048xf32, #tpu.memory_space<hbm>> -> memref<8x2048xf32, #tpu.memory_space<hbm>>
          tpu.enqueue_dma source(%arg14 : memref<8x2048xf32, #tpu.memory_space<vmem>>) target(%dma_start3A_157 : memref<8x2048xf32, #tpu.memory_space<hbm>>) target_semaphore(%arg16 : memref<!tpu.dma_semaphore, #tpu.memory_space<semaphore_mem>>)
          %scan3A_158 = arith.constant 0 : i32
          scf.yield %scan3A_158 : i32
        }
        %scan3A_64 = arith.constant 4 : i32
        %dma_wait3A = arith.constant 0 : i32
        %dma_wait3A_65 = arith.constant 0 : i32
        %dma_wait3A_66 = arith.constant 0 : i32
        %dma_wait3A_67 = tpu.memref_slice %arg7[%dma_wait3A, %dma_wait3A_65, %dma_wait3A_66] : memref<39x64x16384xf32, #tpu.memory_space<hbm>> -> memref<1x8x2048xf32, #tpu.memory_space<hbm>>
        %dma_wait3A_68 = tpu.memref_squeeze %dma_wait3A_67 : memref<1x8x2048xf32, #tpu.memory_space<hbm>> -> memref<8x2048xf32, #tpu.memory_space<hbm>>
        %dma_wait3A_69 = arith.constant 0 : i32
        %dma_wait3A_70 = arith.constant 0 : i32
        %dma_wait3A_71 = tpu.memref_slice %arg7[%dma_wait3A, %dma_wait3A_69, %dma_wait3A_70] : memref<39x64x16384xf32, #tpu.memory_space<hbm>> -> memref<1x8x2048xf32, #tpu.memory_space<hbm>>
        %dma_wait3A_72 = tpu.memref_squeeze %dma_wait3A_71 : memref<1x8x2048xf32, #tpu.memory_space<hbm>> -> memref<8x2048xf32, #tpu.memory_space<hbm>>
        tpu.wait_dma2 semaphore(%arg15 : memref<!tpu.dma_semaphore, #tpu.memory_space<semaphore_mem>>) src(%arg13 : memref<8x2048xf32, #tpu.memory_space<vmem>>) dst(%dma_wait3A_72 : memref<8x2048xf32, #tpu.memory_space<hbm>>)
        %dma_wait3A_73 = arith.constant 0 : i32
        %dma_wait3A_74 = arith.constant 0 : i32
        %dma_wait3A_75 = arith.constant 0 : i32
        %dma_wait3A_76 = tpu.memref_slice %arg7[%dma_wait3A_73, %dma_wait3A_74, %dma_wait3A_75] : memref<39x64x16384xf32, #tpu.memory_space<hbm>> -> memref<1x8x2048xf32, #tpu.memory_space<hbm>>
        %dma_wait3A_77 = tpu.memref_squeeze %dma_wait3A_76 : memref<1x8x2048xf32, #tpu.memory_space<hbm>> -> memref<8x2048xf32, #tpu.memory_space<hbm>>
        %dma_wait3A_78 = arith.constant 0 : i32
        %dma_wait3A_79 = arith.constant 0 : i32
        %dma_wait3A_80 = tpu.memref_slice %arg7[%dma_wait3A_73, %dma_wait3A_78, %dma_wait3A_79] : memref<39x64x16384xf32, #tpu.memory_space<hbm>> -> memref<1x8x2048xf32, #tpu.memory_space<hbm>>
        %dma_wait3A_81 = tpu.memref_squeeze %dma_wait3A_80 : memref<1x8x2048xf32, #tpu.memory_space<hbm>> -> memref<8x2048xf32, #tpu.memory_space<hbm>>
        tpu.wait_dma2 semaphore(%arg16 : memref<!tpu.dma_semaphore, #tpu.memory_space<semaphore_mem>>) src(%arg14 : memref<8x2048xf32, #tpu.memory_space<vmem>>) dst(%dma_wait3A_81 : memref<8x2048xf32, #tpu.memory_space<hbm>>)
      } else {
      }
      %scan3A_37 = arith.constant 0 : i32
      scf.yield %scan3A_37 : i32
    }
    %scan3A_8 = arith.constant 7 : i32
    return
  }
}

</mosaic_0001>

<sc_bundles>
// kernel: _tokenizer_sc.3.cloned.1.call-start
scs
__scs_entry_jumppad:
0x0: {  	(pc) =	sbr.rel $0x88, $3  }
0x1: {  	(tag) =	ssettag $0x0;
	lr =	simm.s32 $0x1  }
0x2: {  	[smem:$0x3F9C] =	sst lr;
	_ =	strace $0xD0000000  }
0x3: {  	_ = 	snop  }
0x4: {  	_ = 	snop  }
0x5: {  	_ = 	snop  }
0x6: {  	_ = 	snop  }
0x7: {  	_ = 	snop  }
__scs_overlays_trampoline_lowered:
0x8: {  	[smem:$0x3FAB] =	sst s0  }
0x9: {  	[smem:$0x3FAC] =	sst s1  }
0xa: {  	[smem:$0x3FAD] =	sst s2  }
0xb: {  	[smem:$0x3FAE] =	sst s3  }
0xc: {  	[smem:$0x3FAF] =	sst s4  }
0xd: {  	[smem:$0x3FB0] =	sst s5  }
0xe: {  	[smem:$0x3FB1] =	sst s6  }
0xf: {  	[smem:$0x3FB2] =	sst s7  }
0x10: {  	[smem:$0x3FB3] =	sst s8  }
0x11: {  	[smem:$0x3FB4] =	sst s9;
	s0 =	simm.s32 @!p0 $0x0  }
0x12: {  	s1 =	sld [smem:$0x3F9A];
	s0 =	simm.s32 @p0 $0x1  }
0x13: {  	[smem:$0x3FB5] =	sst s0;
	s0 =	simm.s32 @!p1 $0x0  }
0x14: {  	s2 =	sld [smem:$0x3F99];
	s0 =	simm.s32 @p1 $0x1  }
0x15: {  	[smem:$0x3FB6] =	sst s0;
	s0 =	simm.s32 @!p2 $0x0  }
0x16: {  	s3 =	sld [smem:$0x3FDB];
	s0 =	simm.s32 @p2 $0x1  }
0x17: {  	s4 =	simm.s32 $0x1BF5;
	[smem:$0x3FB8] =	sst s0  }
0x18: {  	s0 =	sld [smem:$0x3F9B];
	_ =	swait.ge [sflag:s4], $0x0  }
0x19: {  	s7 =	sld [smem:$0x3F9C]  }
0x1a: {  	s8 =	sadd.s32 $0xFFFFE003, lr  }
0x1b: {  	s9 =	sadd.s32 $0xFFFFFEF7, lr;
	s5 =	simm.s32 $0xFFFFFFFF;
	p2 =	slt.u32 s8, $0xFFFFF086  }
0x1c: {  	p1 =	slt.u32 s9, $0xF7A;
	s5 =	simm.s32 @!p2 $0x0  }
0x1d: {  	s5 =	simm.s32 @p1 $0x1;
	p0 =	seq.s32 s7, s2  }
0x1e: {  	s7 =	smul.u32 @!p0 $0xF7A, s2;
	p2 =	seq.s32 @!p0 s5, $0x0  }
0x1f: {  	s9 =	smul.u32 $0xF7A, s1;
	s8 =	simm.s32 @!p0 $0x1BF5;
	p2 =	por !p2, p0  }
0x20: {  	[sflag:s8] =	ssyncset.s32 @!p0 $0xFFFFF086;
	s6 =	sadd.s32 @!p0 s3, s7;
	s7 =	simm.s32 @!p0 $0x108  }
0x21: {  	s3 =	sadd.s32 s3, s9;
	s6 =	sadd.s32 @!p0 $0x88, s6;
	s7 =	simm.s32 @p2 $0x1082  }
0x22: {  	[simem:s7], [sflag:s8] =	dma.local @!p0 [hbm:s6], $0xF7A  }
0x23: {  	s9 =	sor.u32 $0xD0000000, s2;
	s6 =	simm.s32 $0x108;
	_ =	swait.ge @!p0 [sflag:s8], $0x0  }
0x24: {  	s3 =	sadd.s32 $0x88, s3;
	s6 =	simm.s32 @!p1 $0x1082;
	[sflag:s4] =	ssyncset.s32 $0xFFFFF086  }
0x25: {  	[simem:s6], [sflag:s4] =	dma.local [hbm:s3], $0xF7A  }
0x26: {  	[smem:$0x3F9C] =	sst s1;
	(tag) =	ssettag s2;
	_ =	strace s9  }
0x27: {  	s1 =	sld [smem:$0x3FAC]  }
0x28: {  	s2 =	sld [smem:$0x3FAD]  }
0x29: {  	s4 =	sld [smem:$0x3FAF]  }
0x2a: {  	p0 =	seq.s32 s5, $0x0;
	s5 =	sld [smem:$0x3FB0]  }
0x2b: {  	s6 =	sld [smem:$0x3FB1]  }
0x2c: {  	s7 =	sld [smem:$0x3FB2]  }
0x2d: {  	s3 =	simm.s32 $0x108;
	s8 =	sld [smem:$0x3FB3]  }
0x2e: {  	s3 =	simm.s32 @!p0 $0x1082;
	s9 =	sld [smem:$0x3FB4]  }
0x2f: {  	lr =	sadd.s32 s0, s3;
	s0 =	sld [smem:$0x3FAB]  }
0x30: {  	s3 =	sld [smem:$0x3FAE]  }
0x31: {  	[smem:$0x3FB7] =	sst s10  }
0x32: {  	s10 =	sld [smem:$0x3FB5];
	_ =	sdelay $0x3  }
0x33: {  	p0 =	seq.s32 s10, $0x1;
	s10 =	sld [smem:$0x3FB7];
	_ =	sdelay $0x3  }
0x34: {  	[smem:$0x3FB7] =	sst s10  }
0x35: {  	s10 =	sld [smem:$0x3FB6];
	_ =	sdelay $0x3  }
0x36: {  	p1 =	seq.s32 s10, $0x1;
	s10 =	sld [smem:$0x3FB7];
	_ =	sdelay $0x3  }
0x37: {  	[smem:$0x3FB7] =	sst s10  }
0x38: {  	s10 =	sld [smem:$0x3FB8]  }
0x39: {  	_ = 	snop;
	(pc) =	sbr.ind lr, $3  }
0x3a: {  	_ = 	snop  }
0x3b: {  	_ = 	snop  }
0x3c: {  	p2 =	seq.s32 s10, $0x1;
	s10 =	sld [smem:$0x3FB7]  }
0x3d: {  	_ =	shalt  }
0x3e: {  	_ =	shalt  }
0x3f: {  	_ =	shalt  }
0x40: {  	_ =	shalt  }
0x41: {  	_ =	shalt  }
0x42: {  	_ =	shalt  }
0x43: {  	_ =	shalt  }
0x44: {  	_ =	shalt  }
0x45: {  	_ =	shalt  }
0x46: {  	_ =	shalt  }
0x47: {  	_ =	shalt  }
0x48: {  	_ =	shalt  }
0x49: {  	_ =	shalt  }
0x4a: {  	_ =	shalt  }
0x4b: {  	_ =	shalt  }
0x4c: {  	_ =	shalt  }
0x4d: {  	_ =	shalt  }
0x4e: {  	_ =	shalt  }
0x4f: {  	_ =	shalt  }
0x50: {  	_ =	shalt  }
0x51: {  	_ =	shalt  }
0x52: {  	_ =	shalt  }
0x53: {  	_ =	shalt  }
0x54: {  	_ =	shalt  }
0x55: {  	_ =	shalt  }
0x56: {  	_ =	shalt  }
0x57: {  	_ =	shalt  }
0x58: {  	_ =	shalt  }
0x59: {  	_ =	shalt  }
0x5a: {  	_ =	shalt  }
0x5b: {  	_ =	shalt  }
0x5c: {  	_ =	shalt  }
0x5d: {  	_ =	shalt  }
0x5e: {  	_ =	shalt  }
0x5f: {  	_ =	shalt  }
0x60: {  	_ =	shalt  }
0x61: {  	_ =	shalt  }
0x62: {  	_ =	shalt  }
0x63: {  	_ =	shalt  }
0x64: {  	_ =	shalt  }
0x65: {  	_ =	shalt  }
0x66: {  	_ =	shalt  }
0x67: {  	_ =	shalt  }
0x68: {  	_ =	shalt  }
0x69: {  	_ =	shalt  }
0x6a: {  	_ =	shalt  }
0x6b: {  	_ =	shalt  }
0x6c: {  	_ =	shalt  }
0x6d: {  	_ =	shalt  }
0x6e: {  	_ =	shalt  }
0x6f: {  	_ =	shalt  }
0x70: {  	_ =	shalt  }
0x71: {  	_ =	shalt  }
0x72: {  	_ =	shalt  }
0x73: {  	_ =	shalt  }
0x74: {  	_ =	shalt  }
0x75: {  	_ =	shalt  }
0x76: {  	_ =	shalt  }
0x77: {  	_ =	shalt  }
0x78: {  	_ =	shalt  }
0x79: {  	_ =	shalt  }
0x7a: {  	_ =	shalt  }
0x7b: {  	_ =	shalt  }
0x7c: {  	_ =	shalt  }
0x7d: {  	_ =	shalt  }
0x7e: {  	_ =	shalt  }
0x7f: {  	_ =	shalt  }
0x80: {  	_ =	shalt  }
0x81: {  	_ =	shalt  }
0x82: {  	_ =	shalt  }
0x83: {  	_ =	shalt  }
0x84: {  	_ =	shalt  }
0x85: {  	_ =	shalt  }
0x86: {  	_ =	shalt  }
0x87: {  	_ =	shalt  }
.Lfunc_end0:
.L_simem_size_0:
called_computation_lowered:
.L_overlay_start_0:
0x88: {  	s2 =	sld [smem:$0x3FD9]  }
0x89: {  	s3 =	sld [smem:$0x3FFE];
	_ =	sdelay $0x1  }
0x8a: {  	s1 =	srdreg.scid  }
0x8b: {  	s0 =	sand.u32 $0x1, s1  }
0x8c: {  	s18 =	sshll.u32 s0, $0xA;
	s2 =	sadd.s32 s3, s2  }
0x8d: {  	s2 =	sadd.s32 s2, s18  }
0x8e: {  	[smem:$0x3FC3] =	sst s2  }
0x8f: {  	_ = 	snop  }
0x90: {  	s2 =	sld [smem:$0x3FC9]  }
0x91: {  	s19 =	sld [smem:$0x3FC8]  }
0x92: {  	s4 =	sld [smem:$0x3FC7]  }
0x93: {  	s5 =	sld [smem:$0x3FC6]  }
0x94: {  	s6 =	sld [smem:$0x3FC5]  }
0x95: {  	s7 =	sld [smem:$0x3FD0];
	(tm) =	ssettm $0x1  }
0x96: {  	s8 =	sld [smem:$0x3FFB];
	_ =	sdelay $0x3  }
0x97: {  	_ =	strace s8  }
0x98: {  	s8 =	sld [smem:$0x3FFC];
	_ =	sdelay $0x3  }
0x99: {  	_ =	strace s8  }
0x9a: {  	s8 =	sld [smem:$0x3FFD];
	_ =	sdelay $0x3  }
0x9b: {  	_ =	strace s8  }
0x9c: {  	_ =	strace $0x8FFFFFFF  }
0x9d: {  	s20 =	sld [smem:$0x3FDB];
	_ =	sdelay $0x1  }
0x9e: {  	s9 =	simm.s32 $_scs_section_size  }
0x9f: {  	s10 =	simm.s32 $_size__tile_overlayer_lowered;
	s11 =	simm.s32 $_tile_overlayer_lowered  }
0xa0: {  	s23 =	simm.s32 $0x1BFF;
	s22 =	sshll.u32 s11, $0x1;
	s8 =	sadd.s32 s9, s20  }
0xa1: {  	s12 =	simm.s32 $0x0;
	s21 =	sshll.u32 s10, $0x1;
	s10 =	sadd.s32 s22, s8  }
0xa2: {  	[timem:s12], [sflag:s23] =	dma.local [hbm:s10], s21  }
0xa3: {  	_ =	swait.ge [sflag:s23], s21  }
0xa4: {  	s9 =	ssub.s32 $0x0, s21;
	[sflag:s23] =	ssyncset.done $0x0  }
0xa5: {  	[sflag:s23] =	ssyncadd.s32 s9;
	_ =	sdelay $0x1  }
0xa6: {  	s24 =	simm.s32 $0x1B8B  }
0xa7: {  	_ =	swait.ge [sflag:s24], $0x1  }
0xa8: {  	[sflag:s24] =	ssyncset.done $0x0  }
0xa9: {  	s25 =	simm.s32 $0x1B8E;
	[sflag:s24] =	ssyncadd.s32 $0xFFFFFFFF  }
0xaa: {  	s26 =	simm.s32 $execute0_lowered;
	[smem:$0x3FD2] =	sst s25  }
0xab: {  	s9 =	sshll.u32 s26, $0x1;
	_ =	strace $0x80000046;
	[dreg:$0x1] =	wrdreg $0xFFFFFFFF  }
0xac: {  	s28 =	simm.s32 $_size_execute0_lowered;
	s8 =	sadd.s32 s8, s9;
	[dreg:$0x0] =	wrdreg $0x0  }
0xad: {  	s9 =	sshll.u32 s28, $0x1;
	[dreg:$0x2] =	wrdreg s8  }
0xae: {  	[dreg:$0x3] =	wrdreg s9  }
0xaf: {  	[dreg:$0x4] =	wrdreg $0xC0  }
0xb0: {  	_ =	task [dreg:s12], $0x5FFFF  }
0xb1: {  	[dreg:$0x1] =	wrdreg $0xFFFFFFFF  }
0xb2: {  	[dreg:$0x0] =	wrdreg $0x60  }
0xb3: {  	[dreg:$0x2] =	wrdreg s2  }
0xb4: {  	[dreg:$0x3] =	wrdreg s19  }
0xb5: {  	[dreg:$0x4] =	wrdreg s4  }
0xb6: {  	[dreg:$0x5] =	wrdreg s5  }
0xb7: {  	[dreg:$0x6] =	wrdreg s6  }
0xb8: {  	[dreg:$0x7] =	wrdreg s7  }
0xb9: {  	[dreg:$0x8] =	wrdreg $0x9  }
0xba: {  	_ =	task.clear_ibuf [dreg:s12], $0x9FFFF;
	_ =	strace $0x90000046  }
0xbb: {  	s29 =	simm.s32 $0x9;
	_ =	strace $0x80000048  }
0xbc: {  	_ =	swait.ge [sflag:s29], $0x1  }
0xbd: {  	[sflag:s29] =	ssyncadd.s32 $0xFFFFFFFF  }
0xbe: {  	_ =	strace $0x90000048  }
0xbf: {  	_ =	sfence  }
0xc0: {  	s30 =	sld [smem:$0x0];
	_ =	sdelay $0x2  }
0xc1: {  	s31 =	sshll.u32 s1, $0xD;
	s1 =	sshrl.u32 s1, $0x2  }
0xc2: {  	s3 =	sand.u32 $0x4000, s31;
	s1 =	sadd.s32 s1, s30  }
0xc3: {  	s0 =	sor.u32 s3, s0;
	s1 =	sshll.u32 s1, $0x11  }
0xc4: {  	s0 =	sor.u32 s1, s0  }
0xc5: {  	s0 =	sadd.s32 $0x8F2B, s0  }
0xc6: {  	[sflag:s0] =	ssyncadd.remote.s32 $0x1  }
0xc7: {  	_ =	sfence.sel $0xFFFF  }
0xc8: {  	[dreg:$0x0] =	wrdreg $0xFFFFFFFF;
	(pc) =	sbr.abs _section_cstart, $3  }
0xc9: {  	[dreg:$0x1] =	wrdreg $0xFFFFFFFF  }
0xca: {  	_ =	task.clear_ibuf [dreg:s12], $0x2FFFF;
	_ =	strace $0x9FFFFFFF  }
0xcb: {  	(tm) =	ssettm $0x7FFFFFFF  }
tec
execute0_lowered:
.L_overlay_start_1:
0x0: {  	(tag) =	ssettag $0x1  }
0x1: {  	s7 =	rddreg [dreg:$0x0]  }
0x2: {  	s2 =	rddreg [dreg:$0x1]  }
0x3: {  	s3 =	rddreg [dreg:$0x2]  }
0x4: {  	s0 =	srdreg.scid;
	s4 =	stileid.u32  }
0x5: {  	s8 =	rddreg [dreg:$0x5];
	s9 =	simm.s32 $0x0;
	s18 =	simm.s32 $0x3  }
0x6: {  	s16 =	simm.s32 $0x2;
	s13 =	simm.s32 $0x15180;
	s11 =	simm.s32 $0x15380  }
0x7: {  	s15 =	simm.s32 $0x15480;
	s17 =	simm.s32 $0x15580;
	s20 =	simm.s32 $0x15780  }
0x8: {  	s21 =	simm.s32 $0x15880;
	s22 =	simm.s32 $0x15980;
	s23 =	simm.s32 $0x15A80  }
0x9: {  	s10 =	simm.s32 $0x0;
	s0 =	sand.u32 $0x1, s0;
	s1 =	sshll.u32 s4, $0x1  }
0xa: {  	s24 =	sshrl.u32 s4, $0x2;
	[smem:$0x7FF] =	sst s9;
	s4 =	simm.s32 $0x19D00  }
0xb: {  	s31 =	sor.u32 s0, s1;
	s1 =	smul.u32 $0x9E000, s24;
	_ =	strace $0x80000047  }
0xc: {  	s0 =	ssub.s32 $0x2, s0;
	s24 =	simm.s32 $0x15B80;
	s25 =	sand.u32 $0x7, s31  }
0xd: {  	s26 =	sshrl.u32 s0, $0x1;
	s6 =	sshll.u32 s31, $0x11;
	[dreg:$0x7] =	wrdreg s31  }
0xe: {  	s5 =	smul.u32 $0x13C00, s25;
	s0 =	ssub.s32 s0, s26;
	s29 =	sshll.u32 s25, $0x3  }
0xf: {  	s28 =	sand.u32 $0xE0000, s6;
	s30 =	sshll.u32 s25, $0x11;
	[dreg:$0xb] =	wrdreg s29  }
.Ltmp0:
0x10: {  	[dreg:$0xc] =	wrdreg s30;
	s1 =	sadd.s32 s1, s5;
	(pc) =	sbr.rel .LBB2_1-.Ltmp0, $4  }
0x11: {  	s0 =	smax.u32 s0, $0x1;
	[dreg:$0x8] =	wrdreg s5;
	s1 =	sshrl.u32 s1, $0x3  }
0x12: {  	s6 =	simm.s32 $0x15280;
	[dreg:$0xd] =	wrdreg s0;
	s1 =	sadd.s32 s7, s1  }
0x13: {  	s0 =	simm.s32 $0x15D00;
	[dreg:$0x9] =	wrdreg s1;
	s1 =	sor.u32 $0xD00000, s28  }
0x14: {  	s7 =	simm.s32 $0x15080;
	[dreg:$0xa] =	wrdreg s1;
	s1 =	simm.s32 $0x15680  }
.LBB2_19:
0x15: {  	s10 =	rddreg [dreg:$0xe]  }
0x16: {  	s5 =	rddreg [dreg:$0xd];
	s10 =	sadd.s32 $0x1, s10  }
0x17: {  	p0 =	sne.s32 s10, s5  }
.Ltmp1:
0x18: {  	_ = 	snop;
	(pc) =	sbr.rel @!p0 .LBB2_20-.Ltmp1, $1  }
0x19: {  	_ =	sdelay $0x3  }
.LBB2_1:
0x1a: {  	[dreg:$0xe] =	wrdreg s10  }
0x1b: {  	s5 =	rddreg [dreg:$0x3];
	s26 =	simm.s32 $0x15C00;
	s28 =	simm.s32 $0x5  }
0x1c: {  	[tilespmem:s26], [sflag:$0x5] =	stream.linear.gather [hbm4b:s5+s9], $0x40, $0x38;
	[tilespmem:$0x1DD00] =	vst v63  }
0x1d: {  	_ =	swait.ge [sflag:s28], $0x40  }
0x1e: {  	[sflag:s28] =	ssyncset.done $0x0  }
0x1f: {  	[sflag:s28] =	ssyncadd.s32 $0xFFFFFFC0  }
0x20: {  	s12 =	simm.s32 $0x15C80;
	s29 =	rddreg [dreg:$0x4]  }
0x21: {  	[tilespmem:s12], [sflag:$0x5] =	stream.linear.gather [hbm4b:s29+s9], $0x40, $0x38;
	[tilespmem:$0x1DD00] =	vst v63  }
.Ltmp2:
0x22: {  	_ = 	snop;
	(pc) =	sbr.rel .LBB2_2-.Ltmp2, $4  }
0x23: {  	_ =	swait.ge [sflag:s28], $0x40  }
0x24: {  	[sflag:s28] =	ssyncset.done $0x0  }
0x25: {  	s25 =	simm.s32 $0x0;
	s30 =	rddreg [dreg:$0x9];
	[sflag:s28] =	ssyncadd.s32 $0xFFFFFFC0  }
0x26: {  	[tilespmem:s9], [sflag:$0x4] =	stream.linear.gather [hbm4b:s30+s9], $0x13C00, $0x38;
	[tilespmem:$0x1DD00] =	vst v63  }
.LBB2_18:
0x27: {  	s25 =	sadd.s32 $0x1, s25  }
0x28: {  	p0 =	sne.s32 s25, $0x7  }
.Ltmp3:
0x29: {  	_ = 	snop;
	(pc) =	sbr.rel @!p0 .LBB2_19-.Ltmp3, $1  }
0x2a: {  	_ =	sdelay $0x3  }
.LBB2_2:
0x2b: {  	s5 =	sshll.u32 s25, $0x5  }
0x2c: {  	s26 =	sor.u32 s31, s5  }
0x2d: {  	p0 =	sgt.u32 s26, $0xCF  }
.Ltmp4:
0x2e: {  	_ = 	snop;
	(pc) =	sbr.rel @p0 .LBB2_10-.Ltmp4, $1  }
0x2f: {  	_ =	sdelay $0x3  }
0x30: {  	s12 =	simm.s32 $0x4  }
0x31: {  	s5 =	sshrl.u32 s26, $0x3;
	_ =	swait.ge [sflag:s12], $0x13C00  }
0x32: {  	s28 =	simm.s32 $0x0;
	s10 =	sshll.u32 s5, $0xB;
	[sflag:s12] =	ssyncset.done $0x0  }
0x33: {  	s14 =	simm.s32 $0x13C00;
	s10 =	sadd.s32 s2, s10;
	[sflag:s12] =	ssyncadd.s32 $0xFFFEC400  }
0x34: {  	[tilespmem:s14], [sflag:$0x3] =	stream.linear.gather [hbm4b:s10+s28], $0x80, $0x38;
	[tilespmem:$0x1DD00] =	vst v63  }
0x35: {  	s19 =	sadd.s32 $0x10, s10;
	s14 =	simm.s32 $0x13D00  }
0x36: {  	[tilespmem:s14], [sflag:$0x3] =	stream.linear.gather [hbm4b:s19+s28], $0x80, $0x38;
	[tilespmem:$0x1DD00] =	vst v63  }
0x37: {  	s14 =	sadd.s32 $0x20, s10;
	s19 =	simm.s32 $0x13E00  }
0x38: {  	[tilespmem:s19], [sflag:$0x3] =	stream.linear.gather [hbm4b:s14+s28], $0x80, $0x38;
	[tilespmem:$0x1DD00] =	vst v63  }
0x39: {  	s14 =	sadd.s32 $0x30, s10;
	s19 =	simm.s32 $0x13F00  }
0x3a: {  	[tilespmem:s19], [sflag:$0x3] =	stream.linear.gather [hbm4b:s14+s28], $0x80, $0x38;
	[tilespmem:$0x1DD00] =	vst v63  }
0x3b: {  	s14 =	sadd.s32 $0x40, s10;
	s19 =	simm.s32 $0x14000  }
0x3c: {  	[tilespmem:s19], [sflag:$0x3] =	stream.linear.gather [hbm4b:s14+s28], $0x80, $0x38;
	[tilespmem:$0x1DD00] =	vst v63  }
0x3d: {  	s14 =	sadd.s32 $0x50, s10;
	s19 =	simm.s32 $0x14100  }
0x3e: {  	[tilespmem:s19], [sflag:$0x3] =	stream.linear.gather [hbm4b:s14+s28], $0x80, $0x38;
	[tilespmem:$0x1DD00] =	vst v63  }
0x3f: {  	s14 =	sadd.s32 $0x60, s10;
	s19 =	simm.s32 $0x14200  }
0x40: {  	[tilespmem:s19], [sflag:$0x3] =	stream.linear.gather [hbm4b:s14+s28], $0x80, $0x38;
	[tilespmem:$0x1DD00] =	vst v63  }
0x41: {  	s14 =	sadd.s32 $0x70, s10;
	s19 =	simm.s32 $0x14300  }
0x42: {  	[tilespmem:s19], [sflag:$0x3] =	stream.linear.gather [hbm4b:s14+s28], $0x80, $0x38;
	[tilespmem:$0x1DD00] =	vst v63  }
0x43: {  	s14 =	sadd.s32 $0x80, s10;
	s19 =	simm.s32 $0x14400  }
0x44: {  	[tilespmem:s19], [sflag:$0x3] =	stream.linear.gather [hbm4b:s14+s28], $0x80, $0x38;
	[tilespmem:$0x1DD00] =	vst v63  }
0x45: {  	s14 =	sadd.s32 $0x90, s10;
	s19 =	simm.s32 $0x14500  }
0x46: {  	[tilespmem:s19], [sflag:$0x3] =	stream.linear.gather [hbm4b:s14+s28], $0x80, $0x38;
	[tilespmem:$0x1DD00] =	vst v63  }
0x47: {  	s14 =	sadd.s32 $0xA0, s10;
	s19 =	simm.s32 $0x14600  }
0x48: {  	[tilespmem:s19], [sflag:$0x3] =	stream.linear.gather [hbm4b:s14+s28], $0x80, $0x38;
	[tilespmem:$0x1DD00] =	vst v63  }
0x49: {  	s14 =	sadd.s32 $0xB0, s10;
	s19 =	simm.s32 $0x14700  }
0x4a: {  	[tilespmem:s19], [sflag:$0x3] =	stream.linear.gather [hbm4b:s14+s28], $0x80, $0x38;
	[tilespmem:$0x1DD00] =	vst v63  }
0x4b: {  	s14 =	sadd.s32 $0xC0, s10;
	s19 =	simm.s32 $0x14800  }
0x4c: {  	[tilespmem:s19], [sflag:$0x3] =	stream.linear.gather [hbm4b:s14+s28], $0x80, $0x38;
	[tilespmem:$0x1DD00] =	vst v63  }
0x4d: {  	s14 =	sadd.s32 $0xD0, s10;
	s19 =	simm.s32 $0x14900  }
0x4e: {  	[tilespmem:s19], [sflag:$0x3] =	stream.linear.gather [hbm4b:s14+s28], $0x80, $0x38;
	[tilespmem:$0x1DD00] =	vst v63  }
0x4f: {  	s29 =	sshll.u32 s5, $0xE;
	s14 =	sadd.s32 $0xE0, s10;
	s19 =	simm.s32 $0x14A00  }
0x50: {  	[tilespmem:s19], [sflag:$0x3] =	stream.linear.gather [hbm4b:s14+s28], $0x80, $0x38;
	[tilespmem:$0x1DD00] =	vst v63  }
0x51: {  	s5 =	sshll.u32 s5, $0x14;
	s31 =	sor.u32 $0x1000, s29;
	s19 =	rddreg [dreg:$0xa]  }
0x52: {  	s10 =	sadd.s32 $0xF0, s10;
	s14 =	simm.s32 $0x14B00;
	s30 =	sadd.s32 s19, s5  }
0x53: {  	[tilespmem:s14], [sflag:$0x3] =	stream.linear.gather [hbm4b:s10+s28], $0x80, $0x38;
	[tilespmem:$0x1DD00] =	vst v63  }
.LBB2_4:
0x54: {  	s5 =	sshllo.u32 s28, $0x1  }
0x55: {  	s10 =	sshll.u32 s5, $0xB  }
0x56: {  	_ =	swait.ge [sflag:s18], $0x800;
	s10 =	sadd.s32 s29, s10  }
0x57: {  	[sflag:s18] =	ssyncset.done $0x0;
	s10 =	sshrl.u32 s10, $0x3  }
0x58: {  	s12 =	simm.s32 $0x13C80;
	[sflag:s18] =	ssyncadd.s32 $0xFFFFF800;
	s10 =	sadd.s32 s2, s10  }
0x59: {  	[tilespmem:s12], [sflag:$0x3] =	stream.linear.gather [hbm4b:s10+s9], $0x80, $0x38;
	[tilespmem:$0x1DD00] =	vst v63  }
0x5a: {  	s14 =	simm.s32 $0x13D80;
	s19 =	sadd.s32 $0x10, s10  }
0x5b: {  	[tilespmem:s14], [sflag:$0x3] =	stream.linear.gather [hbm4b:s19+s9], $0x80, $0x38;
	[tilespmem:$0x1DD00] =	vst v63  }
0x5c: {  	s14 =	sadd.s32 $0x20, s10;
	s19 =	simm.s32 $0x13E80  }
0x5d: {  	[tilespmem:s19], [sflag:$0x3] =	stream.linear.gather [hbm4b:s14+s9], $0x80, $0x38;
	[tilespmem:$0x1DD00] =	vst v63  }
0x5e: {  	s14 =	sadd.s32 $0x30, s10;
	s19 =	simm.s32 $0x13F80  }
0x5f: {  	[tilespmem:s19], [sflag:$0x3] =	stream.linear.gather [hbm4b:s14+s9], $0x80, $0x38;
	[tilespmem:$0x1DD00] =	vst v63  }
0x60: {  	s14 =	sadd.s32 $0x40, s10;
	s19 =	simm.s32 $0x14080  }
0x61: {  	[tilespmem:s19], [sflag:$0x3] =	stream.linear.gather [hbm4b:s14+s9], $0x80, $0x38;
	[tilespmem:$0x1DD00] =	vst v63  }
0x62: {  	s14 =	sadd.s32 $0x50, s10;
	s19 =	simm.s32 $0x14180  }
0x63: {  	[tilespmem:s19], [sflag:$0x3] =	stream.linear.gather [hbm4b:s14+s9], $0x80, $0x38;
	[tilespmem:$0x1DD00] =	vst v63  }
0x64: {  	s14 =	sadd.s32 $0x60, s10;
	s19 =	simm.s32 $0x14280  }
0x65: {  	[tilespmem:s19], [sflag:$0x3] =	stream.linear.gather [hbm4b:s14+s9], $0x80, $0x38;
	[tilespmem:$0x1DD00] =	vst v63  }
0x66: {  	s14 =	sadd.s32 $0x70, s10;
	s19 =	simm.s32 $0x14380  }
0x67: {  	[tilespmem:s19], [sflag:$0x3] =	stream.linear.gather [hbm4b:s14+s9], $0x80, $0x38;
	[tilespmem:$0x1DD00] =	vst v63  }
0x68: {  	s14 =	sadd.s32 $0x80, s10;
	s19 =	simm.s32 $0x14480  }
0x69: {  	[tilespmem:s19], [sflag:$0x3] =	stream.linear.gather [hbm4b:s14+s9], $0x80, $0x38;
	[tilespmem:$0x1DD00] =	vst v63  }
0x6a: {  	s14 =	sadd.s32 $0x90, s10;
	s19 =	simm.s32 $0x14580  }
0x6b: {  	[tilespmem:s19], [sflag:$0x3] =	stream.linear.gather [hbm4b:s14+s9], $0x80, $0x38;
	[tilespmem:$0x1DD00] =	vst v63  }
0x6c: {  	s14 =	sadd.s32 $0xA0, s10;
	s19 =	simm.s32 $0x14680  }
0x6d: {  	[tilespmem:s19], [sflag:$0x3] =	stream.linear.gather [hbm4b:s14+s9], $0x80, $0x38;
	[tilespmem:$0x1DD00] =	vst v63  }
0x6e: {  	s14 =	sadd.s32 $0xB0, s10;
	s19 =	simm.s32 $0x14780  }
0x6f: {  	[tilespmem:s19], [sflag:$0x3] =	stream.linear.gather [hbm4b:s14+s9], $0x80, $0x38;
	[tilespmem:$0x1DD00] =	vst v63  }
0x70: {  	s14 =	sadd.s32 $0xC0, s10;
	s19 =	simm.s32 $0x14880  }
0x71: {  	[tilespmem:s19], [sflag:$0x3] =	stream.linear.gather [hbm4b:s14+s9], $0x80, $0x38;
	[tilespmem:$0x1DD00] =	vst v63  }
0x72: {  	s14 =	sadd.s32 $0xD0, s10;
	s19 =	simm.s32 $0x14980  }
0x73: {  	[tilespmem:s19], [sflag:$0x3] =	stream.linear.gather [hbm4b:s14+s9], $0x80, $0x38;
	[tilespmem:$0x1DD00] =	vst v63  }
0x74: {  	s14 =	sadd.s32 $0xE0, s10;
	s19 =	simm.s32 $0x14A80  }
0x75: {  	[tilespmem:s19], [sflag:$0x3] =	stream.linear.gather [hbm4b:s14+s9], $0x80, $0x38;
	[tilespmem:$0x1DD00] =	vst v63  }
0x76: {  	p0 =	seq.s32 s28, $0x0;
	s10 =	sadd.s32 $0xF0, s10;
	s14 =	simm.s32 $0x14B80  }
0x77: {  	[tilespmem:s14], [sflag:$0x3] =	stream.linear.gather [hbm4b:s10+s9], $0x80, $0x38;
	[tilespmem:$0x1DD00] =	vst v63  }
0x78: {  	s10 =	simm.s32 @!p0 $0x1  }
0x79: {  	_ =	swait.ge @!p0 [sflag:s10], $0x4000  }
0x7a: {  	[sflag:s10] =	ssyncset.done @!p0 $0x0  }
0x7b: {  	s19 =	simm.s32 $0x13C40;
	[sflag:s10] =	ssyncadd.s32 @!p0 $0xFFFFC000  }
0x7c: {  	v0 =	vld [tilespmem:s19+$0x30];
	_ =	sdelay $0x3  }
0x7d: {  	v1 =	vld [tilespmem:s19+$0xFFFFFFD0]  }
0x7e: {  	v2 =	vshll.u32 v0, $0x3  }
0x7f: {  	v3 =	vld [tilespmem:s19+$0xFFFFFFE0];
	v0 =	vand.u32 $0x7F, v0;
	v2 =	vand.u32 $0xFFFFFC00, v2  }
0x80: {  	v5 =	vld [tilespmem:s19+$0xFFFFFFC0];
	v4 =	vor.u32 v0, v2;
	_ =	sdelay $0x1  }
0x81: {  	v2 =	vld [tilespmem:s19+$0xFFFFFFF0];
	v0 =	vshll.u32 v1, $0x3  }
0x82: {  	v7 =	vld [tilespmem:s19+$0x10];
	v1 =	vand.u32 $0x7F, v1;
	v8 =	vand.u32 $0xFFFFFC00, v0  }
0x83: {  	v6 =	vld [tilespmem:s19+$0x0];
	v0 =	vshll.u32 v3, $0x3;
	v1 =	vor.u32 v1, v8  }
0x84: {  	v11 =	vor.u32 $0x80, v4;
	v9 =	vand.u32 $0xFFFFFC00, v0;
	v0 =	vshll.u32 v5, $0x3;
	v10 =	vld.idx.msk [tilespmem:v4+s9+$0x0], $0xffff  }
0x85: {  	v12 =	vld [tilespmem:s19+$0x20];
	v3 =	vand.u32 $0x7F, v3;
	v5 =	vand.u32 $0x7F, v5;
	v0 =	vand.u32 $0xFFFFFC00, v0  }
0x86: {  	v0 =	vor.u32 v5, v0;
	v13 =	vshll.u32 v2, $0x3;
	v8 =	vand.u32 $0x7F, v2  }
0x87: {  	v2 =	vor.u32 v3, v9;
	v9 =	vshll.u32 v7, $0x3;
	v5 =	vand.u32 $0xFFFFFC00, v13  }
0x88: {  	s10 =	simm.s32 $0x15F00;
	v13 =	vshll.u32 v6, $0x3;
	v3 =	vor.u32 v8, v5;
	v5 =	vand.u32 $0xFFFFFC00, v9;
	v9 =	vld.idx.msk [tilespmem:v1+s9+$0x0], $0xffff  }
0x89: {  	v15 =	vor.u32 $0x80, v1;
	v6 =	vand.u32 $0x7F, v6;
	v13 =	vand.u32 $0xFFFFFC00, v13;
	[tilespmem:s10+$0xFFFFFE70] =	vst v10  }
0x8a: {  	v7 =	vand.u32 $0x7F, v7;
	v8 =	vshll.u32 v12, $0x3;
	v10 =	vor.u32 v6, v13;
	v6 =	vld.idx.msk [tilespmem:v11+s9+$0x0], $0xffff  }
0x8b: {  	v11 =	vor.u32 v7, v5;
	v5 =	vld.idx.msk [tilespmem:v0+s9+$0x0], $0xffff;
	v7 =	vand.u32 $0xFFFFFC00, v8;
	v8 =	vand.u32 $0x7F, v12  }
0x8c: {  	v13 =	vor.u32 $0x100, v4;
	v12 =	vor.u32 v8, v7;
	v7 =	vld.idx.msk [tilespmem:v2+s9+$0x0], $0xffff  }
0x8d: {  	v8 =	vor.u32 $0x80, v0;
	v14 =	vld.idx.msk [tilespmem:v3+s9+$0x0], $0xffff;
	[tilespmem:s10+$0xFFFFFE10] =	vst v9  }
0x8e: {  	v15 =	vld.idx.msk [tilespmem:v15+s9+$0x0], $0xffff  }
0x8f: {  	v17 =	vor.u32 $0x80, v2;
	v16 =	vld.idx.msk [tilespmem:v10+s9+$0x0], $0xffff  }
0x90: {  	v18 =	vld.idx.msk [tilespmem:v11+s9+$0x0], $0xffff;
	[tilespmem:s10+$0xFFFFFEF0] =	vst v6;
	v6 =	vor.u32 $0x80, v3  }
0x91: {  	[tilespmem:s10+$0xFFFFFE00] =	vst v5;
	v5 =	vld.idx.msk [tilespmem:v13+s9+$0x0], $0xffff;
	v13 =	vor.u32 $0x80, v10  }
0x92: {  	v19 =	vor.u32 $0x80, v11;
	v8 =	vld.idx.msk [tilespmem:v8+s9+$0x0], $0xffff;
	[tilespmem:s10+$0xFFFFFE20] =	vst v7  }
0x93: {  	v9 =	vld.idx.msk [tilespmem:v12+s9+$0x0], $0xffff;
	v7 =	vor.u32 $0x180, v4;
	[tilespmem:s10+$0xFFFFFE30] =	vst v14  }
0x94: {  	v14 =	vor.u32 $0x80, v12;
	v17 =	vld.idx.msk [tilespmem:v17+s9+$0x0], $0xffff;
	[tilespmem:s10+$0xFFFFFE40] =	vst v16  }
0x95: {  	v16 =	vor.u32 $0x100, v0;
	v6 =	vld.idx.msk [tilespmem:v6+s9+$0x0], $0xffff;
	[tilespmem:s10+$0xFFFFFE50] =	vst v18  }
0x96: {  	v18 =	vor.u32 $0x100, v1;
	v13 =	vld.idx.msk [tilespmem:v13+s9+$0x0], $0xffff;
	[tilespmem:s10+$0xFFFFFF70] =	vst v5  }
0x97: {  	v5 =	vor.u32 $0x100, v2;
	[tilespmem:s10+$0xFFFFFE80] =	vst v8;
	v8 =	vld.idx.msk [tilespmem:v19+s9+$0x0], $0xffff  }
0x98: {  	[tilespmem:s10+$0xFFFFFE60] =	vst v9;
	v9 =	vor.u32 $0x100, v3;
	v7 =	vld.idx.msk [tilespmem:v7+s9+$0x0], $0xffff  }
0x99: {  	[tilespmem:s10+$0xFFFFFE90] =	vst v15;
	v19 =	vor.u32 $0x100, v10;
	v14 =	vld.idx.msk [tilespmem:v14+s9+$0x0], $0xffff  }
0x9a: {  	[tilespmem:s10+$0xFFFFFEA0] =	vst v17;
	v17 =	vor.u32 $0x100, v11;
	v16 =	vld.idx.msk [tilespmem:v16+s9+$0x0], $0xffff  }
0x9b: {  	v15 =	vor.u32 $0x200, v4;
	v18 =	vld.idx.msk [tilespmem:v18+s9+$0x0], $0xffff;
	[tilespmem:s10+$0xFFFFFEB0] =	vst v6  }
0x9c: {  	v6 =	vor.u32 $0x100, v12;
	v5 =	vld.idx.msk [tilespmem:v5+s9+$0x0], $0xffff;
	[tilespmem:s10+$0xFFFFFEC0] =	vst v13  }
0x9d: {  	v13 =	vor.u32 $0x180, v0;
	v9 =	vld.idx.msk [tilespmem:v9+s9+$0x0], $0xffff;
	[tilespmem:s10+$0xFFFFFED0] =	vst v8  }
0x9e: {  	[tilespmem:s10+$0xFFFFFFF0] =	vst v7;
	v7 =	vor.u32 $0x180, v1;
	v19 =	vld.idx.msk [tilespmem:v19+s9+$0x0], $0xffff  }
0x9f: {  	[tilespmem:s10+$0xFFFFFEE0] =	vst v14;
	v14 =	vld.idx.msk [tilespmem:v17+s9+$0x0], $0xffff;
	v17 =	vor.u32 $0x180, v3  }
0xa0: {  	v8 =	vld.idx.msk [tilespmem:v15+s9+$0x0], $0xffff;
	v15 =	vor.u32 $0x180, v2;
	[tilespmem:s10+$0xFFFFFF00] =	vst v16  }
0xa1: {  	v16 =	vor.u32 $0x280, v4;
	[tilespmem:s10+$0xFFFFFF10] =	vst v18;
	v6 =	vld.idx.msk [tilespmem:v6+s9+$0x0], $0xffff  }
0xa2: {  	v18 =	vor.u32 $0x180, v10;
	v13 =	vld.idx.msk [tilespmem:v13+s9+$0x0], $0xffff;
	[tilespmem:s10+$0xFFFFFF20] =	vst v5  }
0xa3: {  	v5 =	vor.u32 $0x180, v11;
	[tilespmem:s10+$0xFFFFFF30] =	vst v9;
	v7 =	vld.idx.msk [tilespmem:v7+s9+$0x0], $0xffff  }
0xa4: {  	v9 =	vor.u32 $0x180, v12;
	[tilespmem:s10+$0xFFFFFF40] =	vst v19;
	v17 =	vld.idx.msk [tilespmem:v17+s9+$0x0], $0xffff  }
0xa5: {  	v15 =	vld.idx.msk [tilespmem:v15+s9+$0x0], $0xffff;
	[tilespmem:s10+$0x70] =	vst v8;
	v8 =	vor.u32 $0x200, v0  }
0xa6: {  	v19 =	vor.u32 $0x200, v1;
	[tilespmem:s10+$0xFFFFFF50] =	vst v14;
	v16 =	vld.idx.msk [tilespmem:v16+s9+$0x0], $0xffff  }
0xa7: {  	v14 =	vld.idx.msk [tilespmem:v18+s9+$0x0], $0xffff;
	[tilespmem:s10+$0xFFFFFF60] =	vst v6;
	v6 =	vor.u32 $0x300, v4  }
0xa8: {  	v18 =	vor.u32 $0x200, v2;
	[tilespmem:s10+$0xFFFFFF80] =	vst v13;
	v5 =	vld.idx.msk [tilespmem:v5+s9+$0x0], $0xffff  }
0xa9: {  	v13 =	vor.u32 $0x200, v3;
	[tilespmem:s10+$0xFFFFFF90] =	vst v7;
	v7 =	vld.idx.msk [tilespmem:v9+s9+$0x0], $0xffff  }
0xaa: {  	v9 =	vor.u32 $0x200, v10;
	v8 =	vld.idx.msk [tilespmem:v8+s9+$0x0], $0xffff;
	[tilespmem:s10+$0xFFFFFFA0] =	vst v15  }
0xab: {  	v15 =	vor.u32 $0x200, v11;
	v19 =	vld.idx.msk [tilespmem:v19+s9+$0x0], $0xffff;
	[tilespmem:s10+$0xF0] =	vst v16  }
0xac: {  	[tilespmem:s10+$0xFFFFFFB0] =	vst v17;
	v16 =	vor.u32 $0x200, v12;
	v6 =	vld.idx.msk [tilespmem:v6+s9+$0x0], $0xffff  }
0xad: {  	v17 =	vor.u32 $0x280, v0;
	v18 =	vld.idx.msk [tilespmem:v18+s9+$0x0], $0xffff;
	[tilespmem:s10+$0xFFFFFFC0] =	vst v14  }
0xae: {  	v4 =	vor.u32 $0x380, v4;
	v13 =	vld.idx.msk [tilespmem:v13+s9+$0x0], $0xffff;
	[tilespmem:s10+$0xFFFFFFD0] =	vst v5  }
0xaf: {  	v5 =	vor.u32 $0x280, v1;
	v9 =	vld.idx.msk [tilespmem:v9+s9+$0x0], $0xffff;
	[tilespmem:s10+$0xFFFFFFE0] =	vst v7  }
0xb0: {  	v7 =	vor.u32 $0x280, v2;
	[tilespmem:s10+$0x0] =	vst v8;
	v8 =	vld.idx.msk [tilespmem:v15+s9+$0x0], $0xffff  }
0xb1: {  	v14 =	vor.u32 $0x280, v3;
	[tilespmem:s10+$0x10] =	vst v19;
	v15 =	vld.idx.msk [tilespmem:v16+s9+$0x0], $0xffff  }
0xb2: {  	v16 =	vor.u32 $0x280, v10;
	v17 =	vld.idx.msk [tilespmem:v17+s9+$0x0], $0xffff;
	[tilespmem:s10+$0x170] =	vst v6  }
0xb3: {  	v6 =	vor.u32 $0x280, v11;
	[tilespmem:s10+$0x20] =	vst v18;
	v4 =	vld.idx.msk [tilespmem:v4+s9+$0x0], $0xffff  }
0xb4: {  	v18 =	vor.u32 $0x280, v12;
	v5 =	vld.idx.msk [tilespmem:v5+s9+$0x0], $0xffff;
	[tilespmem:s10+$0x30] =	vst v13  }
0xb5: {  	v13 =	vor.u32 $0x300, v0;
	v7 =	vld.idx.msk [tilespmem:v7+s9+$0x0], $0xffff;
	[tilespmem:s10+$0x40] =	vst v9  }
0xb6: {  	v9 =	vor.u32 $0x300, v1;
	v19 =	vld.idx.msk [tilespmem:v14+s9+$0x0], $0xffff;
	[tilespmem:s10+$0x50] =	vst v8  }
0xb7: {  	v20 =	vor.u32 $0x300, v2;
	v21 =	vld.idx.msk [tilespmem:v16+s9+$0x0], $0xffff;
	[tilespmem:s10+$0x60] =	vst v15  }
0xb8: {  	v22 =	vor.u32 $0x300, v3;
	[tilespmem:s10+$0x80] =	vst v17;
	v17 =	vld.idx.msk [tilespmem:v6+s9+$0x0], $0xffff  }
0xb9: {  	v23 =	vor.u32 $0x300, v10;
	v15 =	vld.idx.msk [tilespmem:v18+s9+$0x0], $0xffff;
	[tilespmem:s10+$0x1F0] =	vst v4  }
0xba: {  	v14 =	vld.idx.msk [tilespmem:v13+s9+$0x0], $0xffff;
	[tilespmem:s10+$0x90] =	vst v5  }
0xbb: {  	v13 =	vld.idx.msk [tilespmem:v9+s9+$0x0], $0xffff;
	[tilespmem:s10+$0xA0] =	vst v7  }
0xbc: {  	v8 =	vor.u32 $0x300, v11;
	v6 =	vor.u32 $0x380, v1;
	v1 =	vor.u32 $0x380, v11;
	[tilespmem:s10+$0xB0] =	vst v19;
	v16 =	vld.idx.msk [tilespmem:v20+s9+$0x0], $0xffff  }
0xbd: {  	v5 =	vor.u32 $0x380, v2;
	v4 =	vor.u32 $0x380, v3;
	v2 =	vor.u32 $0x380, v10;
	v3 =	vld.idx.msk [tilespmem:v22+s9+$0x0], $0xffff;
	[tilespmem:s10+$0xC0] =	vst v21  }
0xbe: {  	s12 =	simm.s32 $0x15F00;
	s14 =	simm.s32 $0x0;
	s19 =	simm.s32 $0x13D40;
	v7 =	vor.u32 $0x380, v0;
	v9 =	vor.u32 $0x300, v12;
	v0 =	vor.u32 $0x380, v12;
	v10 =	vld.idx.msk [tilespmem:v23+s9+$0x0], $0xffff;
	[tilespmem:s10+$0xD0] =	vst v17  }
.LBB2_5:
0xbf: {  	v11 =	vld [tilespmem:s19+$0x30];
	s14 =	sadd.s32 $0x8, s14;
	[tilespmem:s10+$0xE0] =	vst v15  }
0xc0: {  	v12 =	vld [tilespmem:s19+$0xFFFFFFD0];
	p0 =	slt.u32 s14, $0x78;
	[tilespmem:s10+$0x100] =	vst v14  }
0xc1: {  	v14 =	vld [tilespmem:s19+$0xFFFFFFE0];
	[tilespmem:s10+$0x110] =	vst v13  }
0xc2: {  	v13 =	vld [tilespmem:s19+$0xFFFFFFF0];
	[tilespmem:s10+$0x120] =	vst v16  }
0xc3: {  	v15 =	vld [tilespmem:s19+$0x0];
	[tilespmem:s10+$0x130] =	vst v3  }
0xc4: {  	v16 =	vld [tilespmem:s19+$0x10];
	v3 =	vshll.u32 v11, $0x3;
	[tilespmem:s10+$0x140] =	vst v10  }
0xc5: {  	v11 =	vand.u32 $0x7F, v11;
	v10 =	vshll.u32 v12, $0x3;
	v17 =	vld [tilespmem:s19+$0x20];
	v3 =	vand.u32 $0xFFFFFC00, v3  }
0xc6: {  	v18 =	vld [tilespmem:s19+$0xFFFFFFC0];
	v10 =	vand.u32 $0xFFFFFC00, v10;
	v19 =	vshll.u32 v14, $0x3;
	v3 =	vor.u32 v11, v3  }
0xc7: {  	v11 =	vand.u32 $0x7F, v12;
	v12 =	vand.u32 $0xFFFFFC00, v19;
	v19 =	vshll.u32 v13, $0x3;
	v8 =	vld.idx.msk [tilespmem:v8+s9+$0x0], $0xffff  }
0xc8: {  	v14 =	vand.u32 $0x7F, v14;
	v19 =	vand.u32 $0xFFFFFC00, v19;
	v20 =	vshll.u32 v15, $0x3;
	v9 =	vld.idx.msk [tilespmem:v9+s9+$0x0], $0xffff  }
0xc9: {  	v13 =	vand.u32 $0x7F, v13;
	v20 =	vand.u32 $0xFFFFFC00, v20;
	v21 =	vshll.u32 v16, $0x3;
	v7 =	vld.idx.msk [tilespmem:v7+s9+$0x0], $0xffff  }
0xca: {  	v15 =	vand.u32 $0x7F, v15;
	v21 =	vand.u32 $0xFFFFFC00, v21;
	v22 =	vshll.u32 v17, $0x3;
	v6 =	vld.idx.msk [tilespmem:v6+s9+$0x0], $0xffff  }
0xcb: {  	v23 =	vand.u32 $0x7F, v18;
	v18 =	vshll.u32 v18, $0x3;
	v22 =	vand.u32 $0xFFFFFC00, v22;
	v24 =	vld.idx.msk [tilespmem:v3+s9+$0x0], $0xffff  }
0xcc: {  	v16 =	vand.u32 $0x7F, v16;
	v17 =	vand.u32 $0x7F, v17;
	v18 =	vand.u32 $0xFFFFFC00, v18;
	v5 =	vld.idx.msk [tilespmem:v5+s9+$0x0], $0xffff  }
0xcd: {  	v25 =	vor.u32 v11, v10;
	v10 =	vor.u32 $0x80, v3;
	v23 =	vor.u32 v23, v18;
	v4 =	vld.idx.msk [tilespmem:v4+s9+$0x0], $0xffff;
	[tilespmem:s10+$0x150] =	vst v8  }
0xce: {  	v26 =	vor.u32 v14, v12;
	v27 =	vor.u32 v13, v19;
	v28 =	vor.u32 v15, v20;
	[tilespmem:s10+$0x160] =	vst v9  }
0xcf: {  	v21 =	vor.u32 v16, v21;
	v22 =	vor.u32 v17, v22;
	v8 =	vor.u32 $0x80, v23;
	[tilespmem:s10+$0x180] =	vst v7;
	v2 =	vld.idx.msk [tilespmem:v2+s9+$0x0], $0xffff  }
0xd0: {  	v29 =	vor.u32 $0x80, v27;
	v9 =	vor.u32 $0x80, v26;
	v7 =	vor.u32 $0x80, v25;
	s10 =	sadd.s32 $0x400, s10;
	[tilespmem:s12+$0x190] =	vst v6;
	v1 =	vld.idx.msk [tilespmem:v1+s9+$0x0], $0xffff  }
0xd1: {  	v30 =	vor.u32 $0x80, v28;
	v31 =	vor.u32 $0x80, v21;
	v32 =	vor.u32 $0x80, v22;
	[tilespmem:s10+$0xFFFFFE70] =	vst v24;
	v0 =	vld.idx.msk [tilespmem:v0+s9+$0x0], $0xffff  }
0xd2: {  	v33 =	vor.u32 $0x100, v25;
	v34 =	vor.u32 $0x100, v26;
	v24 =	vor.u32 $0x100, v23;
	v6 =	vld.idx.msk [tilespmem:v10+s9+$0x0], $0xffff;
	[tilespmem:s12+$0x1A0] =	vst v5  }
0xd3: {  	v35 =	vor.u32 $0x100, v27;
	v36 =	vor.u32 $0x100, v28;
	v37 =	vor.u32 $0x100, v21;
	v5 =	vld.idx.msk [tilespmem:v23+s9+$0x0], $0xffff;
	[tilespmem:s12+$0x1B0] =	vst v4  }
0xd4: {  	v39 =	vor.u32 $0x100, v22;
	v38 =	vor.u32 $0x180, v23;
	v10 =	vor.u32 $0x100, v3;
	v4 =	vld.idx.msk [tilespmem:v25+s9+$0x0], $0xffff  }
0xd5: {  	v40 =	vor.u32 $0x180, v25;
	v41 =	vor.u32 $0x180, v26;
	v42 =	vor.u32 $0x180, v27;
	v11 =	vld.idx.msk [tilespmem:v26+s9+$0x0], $0xffff;
	[tilespmem:s12+$0x1C0] =	vst v2  }
0xd6: {  	v43 =	vor.u32 $0x180, v28;
	v44 =	vor.u32 $0x180, v21;
	v45 =	vor.u32 $0x180, v22;
	v2 =	vld.idx.msk [tilespmem:v27+s9+$0x0], $0xffff;
	[tilespmem:s12+$0x1D0] =	vst v1  }
0xd7: {  	v47 =	vor.u32 $0x200, v25;
	v48 =	vor.u32 $0x200, v26;
	v46 =	vor.u32 $0x200, v23;
	v1 =	vld.idx.msk [tilespmem:v28+s9+$0x0], $0xffff;
	[tilespmem:s12+$0x1E0] =	vst v0;
	s12 =	smov.u32 s10  }
0xd8: {  	v49 =	vor.u32 $0x200, v27;
	v50 =	vor.u32 $0x200, v28;
	v51 =	vor.u32 $0x200, v21;
	v0 =	vld.idx.msk [tilespmem:v21+s9+$0x0], $0xffff;
	[tilespmem:s10+$0xFFFFFEF0] =	vst v6  }
0xd9: {  	v18 =	vor.u32 $0x280, v25;
	v53 =	vor.u32 $0x200, v22;
	v52 =	vor.u32 $0x280, v23;
	[tilespmem:s10+$0xFFFFFE00] =	vst v5;
	v54 =	vld.idx.msk [tilespmem:v10+s9+$0x0], $0xffff  }
0xda: {  	v20 =	vor.u32 $0x280, v26;
	v19 =	vor.u32 $0x280, v27;
	v15 =	vor.u32 $0x280, v28;
	[tilespmem:s10+$0xFFFFFE10] =	vst v4;
	v55 =	vld.idx.msk [tilespmem:v22+s9+$0x0], $0xffff  }
0xdb: {  	v57 =	vor.u32 $0x180, v3;
	v17 =	vor.u32 $0x280, v21;
	v16 =	vor.u32 $0x280, v22;
	v56 =	vld.idx.msk [tilespmem:v8+s9+$0x0], $0xffff;
	[tilespmem:s10+$0xFFFFFE20] =	vst v11  }
0xdc: {  	v13 =	vor.u32 $0x300, v25;
	v14 =	vor.u32 $0x300, v23;
	v10 =	vor.u32 $0x300, v26;
	v58 =	vld.idx.msk [tilespmem:v7+s9+$0x0], $0xffff;
	[tilespmem:s10+$0xFFFFFE30] =	vst v2  }
0xdd: {  	v12 =	vor.u32 $0x300, v27;
	v11 =	vor.u32 $0x300, v28;
	v8 =	vor.u32 $0x300, v21;
	v59 =	vld.idx.msk [tilespmem:v9+s9+$0x0], $0xffff;
	[tilespmem:s10+$0xFFFFFE40] =	vst v1  }
0xde: {  	v6 =	vor.u32 $0x380, v25;
	v7 =	vor.u32 $0x380, v23;
	v9 =	vor.u32 $0x300, v22;
	v23 =	vld.idx.msk [tilespmem:v29+s9+$0x0], $0xffff;
	[tilespmem:s10+$0xFFFFFE50] =	vst v0  }
0xdf: {  	v5 =	vor.u32 $0x380, v26;
	v4 =	vor.u32 $0x380, v27;
	v2 =	vor.u32 $0x380, v28;
	v25 =	vld.idx.msk [tilespmem:v30+s9+$0x0], $0xffff;
	[tilespmem:s10+$0xFFFFFF70] =	vst v54  }
0xe0: {  	v1 =	vor.u32 $0x380, v21;
	v0 =	vor.u32 $0x380, v22;
	[tilespmem:s10+$0xFFFFFE60] =	vst v55;
	v21 =	vld.idx.msk [tilespmem:v57+s9+$0x0], $0xffff  }
0xe1: {  	[tilespmem:s10+$0xFFFFFE80] =	vst v56;
	v22 =	vld.idx.msk [tilespmem:v31+s9+$0x0], $0xffff  }
0xe2: {  	v27 =	vor.u32 $0x200, v3;
	[tilespmem:s10+$0xFFFFFE90] =	vst v58;
	v26 =	vld.idx.msk [tilespmem:v32+s9+$0x0], $0xffff  }
0xe3: {  	v24 =	vld.idx.msk [tilespmem:v24+s9+$0x0], $0xffff;
	[tilespmem:s10+$0xFFFFFEA0] =	vst v59  }
0xe4: {  	v28 =	vld.idx.msk [tilespmem:v33+s9+$0x0], $0xffff;
	[tilespmem:s10+$0xFFFFFEB0] =	vst v23  }
0xe5: {  	v23 =	vld.idx.msk [tilespmem:v34+s9+$0x0], $0xffff;
	[tilespmem:s10+$0xFFFFFEC0] =	vst v25  }
0xe6: {  	v25 =	vld.idx.msk [tilespmem:v35+s9+$0x0], $0xffff;
	[tilespmem:s10+$0xFFFFFFF0] =	vst v21  }
0xe7: {  	[tilespmem:s10+$0xFFFFFED0] =	vst v22;
	v21 =	vld.idx.msk [tilespmem:v27+s9+$0x0], $0xffff  }
0xe8: {  	v22 =	vld.idx.msk [tilespmem:v36+s9+$0x0], $0xffff;
	[tilespmem:s10+$0xFFFFFEE0] =	vst v26  }
0xe9: {  	v26 =	vor.u32 $0x280, v3;
	[tilespmem:s10+$0xFFFFFF00] =	vst v24;
	v24 =	vld.idx.msk [tilespmem:v37+s9+$0x0], $0xffff  }
0xea: {  	[tilespmem:s10+$0xFFFFFF10] =	vst v28;
	v27 =	vld.idx.msk [tilespmem:v39+s9+$0x0], $0xffff  }
0xeb: {  	v28 =	vld.idx.msk [tilespmem:v38+s9+$0x0], $0xffff;
	[tilespmem:s10+$0xFFFFFF20] =	vst v23  }
0xec: {  	v23 =	vld.idx.msk [tilespmem:v40+s9+$0x0], $0xffff;
	[tilespmem:s10+$0xFFFFFF30] =	vst v25  }
0xed: {  	v25 =	vld.idx.msk [tilespmem:v41+s9+$0x0], $0xffff;
	[tilespmem:s10+$0x70] =	vst v21  }
0xee: {  	[tilespmem:s10+$0xFFFFFF40] =	vst v22;
	v21 =	vld.idx.msk [tilespmem:v26+s9+$0x0], $0xffff  }
0xef: {  	v22 =	vld.idx.msk [tilespmem:v42+s9+$0x0], $0xffff;
	[tilespmem:s10+$0xFFFFFF50] =	vst v24  }
0xf0: {  	v26 =	vor.u32 $0x300, v3;
	v24 =	vld.idx.msk [tilespmem:v43+s9+$0x0], $0xffff;
	[tilespmem:s10+$0xFFFFFF60] =	vst v27  }
0xf1: {  	[tilespmem:s10+$0xFFFFFF80] =	vst v28;
	v27 =	vld.idx.msk [tilespmem:v44+s9+$0x0], $0xffff  }
0xf2: {  	[tilespmem:s10+$0xFFFFFF90] =	vst v23;
	v23 =	vld.idx.msk [tilespmem:v45+s9+$0x0], $0xffff  }
0xf3: {  	v28 =	vld.idx.msk [tilespmem:v46+s9+$0x0], $0xffff;
	[tilespmem:s10+$0xFFFFFFA0] =	vst v25  }
0xf4: {  	v25 =	vld.idx.msk [tilespmem:v47+s9+$0x0], $0xffff;
	[tilespmem:s10+$0xF0] =	vst v21  }
0xf5: {  	[tilespmem:s10+$0xFFFFFFB0] =	vst v22;
	v21 =	vld.idx.msk [tilespmem:v26+s9+$0x0], $0xffff  }
0xf6: {  	v22 =	vld.idx.msk [tilespmem:v48+s9+$0x0], $0xffff;
	[tilespmem:s10+$0xFFFFFFC0] =	vst v24  }
0xf7: {  	v3 =	vor.u32 $0x380, v3;
	v24 =	vld.idx.msk [tilespmem:v49+s9+$0x0], $0xffff;
	[tilespmem:s10+$0xFFFFFFD0] =	vst v27  }
0xf8: {  	v26 =	vld.idx.msk [tilespmem:v50+s9+$0x0], $0xffff;
	[tilespmem:s10+$0xFFFFFFE0] =	vst v23  }
0xf9: {  	[tilespmem:s10+$0x0] =	vst v28;
	v23 =	vld.idx.msk [tilespmem:v51+s9+$0x0], $0xffff  }
0xfa: {  	[tilespmem:s10+$0x10] =	vst v25;
	v25 =	vld.idx.msk [tilespmem:v53+s9+$0x0], $0xffff  }
0xfb: {  	v27 =	vld.idx.msk [tilespmem:v52+s9+$0x0], $0xffff;
	[tilespmem:s10+$0x170] =	vst v21  }
0xfc: {  	[tilespmem:s10+$0x20] =	vst v22;
	v3 =	vld.idx.msk [tilespmem:v3+s9+$0x0], $0xffff  }
0xfd: {  	v18 =	vld.idx.msk [tilespmem:v18+s9+$0x0], $0xffff;
	[tilespmem:s10+$0x30] =	vst v24  }
0xfe: {  	v20 =	vld.idx.msk [tilespmem:v20+s9+$0x0], $0xffff;
	[tilespmem:s10+$0x40] =	vst v26  }
0xff: {  	v19 =	vld.idx.msk [tilespmem:v19+s9+$0x0], $0xffff;
	[tilespmem:s10+$0x50] =	vst v23  }
0x100: {  	v21 =	vld.idx.msk [tilespmem:v15+s9+$0x0], $0xffff;
	[tilespmem:s10+$0x60] =	vst v25  }
0x101: {  	[tilespmem:s10+$0x80] =	vst v27;
	v17 =	vld.idx.msk [tilespmem:v17+s9+$0x0], $0xffff  }
0x102: {  	v15 =	vld.idx.msk [tilespmem:v16+s9+$0x0], $0xffff;
	[tilespmem:s10+$0x1F0] =	vst v3  }
.Ltmp5:
0x103: {  	v14 =	vld.idx.msk [tilespmem:v14+s9+$0x0], $0xffff;
	[tilespmem:s10+$0x90] =	vst v18;
	(pc) =	sbr.rel @p0 .LBB2_5-.Ltmp5, $4  }
0x104: {  	v13 =	vld.idx.msk [tilespmem:v13+s9+$0x0], $0xffff;
	[tilespmem:s10+$0xA0] =	vst v20  }
0x105: {  	v16 =	vld.idx.msk [tilespmem:v10+s9+$0x0], $0xffff;
	[tilespmem:s10+$0xB0] =	vst v19  }
0x106: {  	v3 =	vld.idx.msk [tilespmem:v12+s9+$0x0], $0xffff;
	[tilespmem:s10+$0xC0] =	vst v21  }
0x107: {  	s19 =	sadd.s32 $0x100, s19;
	v10 =	vld.idx.msk [tilespmem:v11+s9+$0x0], $0xffff;
	[tilespmem:s10+$0xD0] =	vst v17  }
0x108: {  	_ =	sdelay $0x2  }
0x109: {  	[tilespmem:s10+$0xE0] =	vst v15  }
0x10a: {  	[tilespmem:s10+$0x100] =	vst v14;
	v8 =	vld.idx.msk [tilespmem:v8+s9+$0x0], $0xffff  }
0x10b: {  	[tilespmem:s10+$0x110] =	vst v13;
	v9 =	vld.idx.msk [tilespmem:v9+s9+$0x0], $0xffff  }
0x10c: {  	v7 =	vld.idx.msk [tilespmem:v7+s9+$0x0], $0xffff;
	[tilespmem:s10+$0x120] =	vst v16  }
0x10d: {  	[tilespmem:s10+$0x130] =	vst v3;
	v3 =	vld.idx.msk [tilespmem:v6+s9+$0x0], $0xffff  }
0x10e: {  	v5 =	vld.idx.msk [tilespmem:v5+s9+$0x0], $0xffff;
	[tilespmem:s10+$0x140] =	vst v10  }
0x10f: {  	v4 =	vld.idx.msk [tilespmem:v4+s9+$0x0], $0xffff;
	[tilespmem:s10+$0x150] =	vst v8  }
0x110: {  	v2 =	vld.idx.msk [tilespmem:v2+s9+$0x0], $0xffff;
	[tilespmem:s10+$0x160] =	vst v9  }
0x111: {  	[tilespmem:s10+$0x180] =	vst v7;
	v1 =	vld.idx.msk [tilespmem:v1+s9+$0x0], $0xffff  }
0x112: {  	v0 =	vld.idx.msk [tilespmem:v0+s9+$0x0], $0xffff;
	[tilespmem:s12+$0x190] =	vst v3  }
0x113: {  	[tilespmem:s12+$0x1A0] =	vst v5  }
0x114: {  	s14 =	sshll.u32 s28, $0xF;
	[tilespmem:s12+$0x1B0] =	vst v4  }
0x115: {  	s10 =	sadd.s32 s30, s14;
	[tilespmem:s12+$0x1C0] =	vst v2  }
0x116: {  	s10 =	sshrl.u32 s10, $0x3;
	[tilespmem:s12+$0x1D0] =	vst v1  }
0x117: {  	p0 =	seq.s32 s28, $0x3;
	s10 =	sadd.s32 s8, s10;
	[tilespmem:s12+$0x1E0] =	vst v0  }
0x118: {  	[hbm4b:s10+s9] =	stream.linear.scatter [tilespmem:s0], [sflag:$0x1], $0x4000, $0x38;
	[tilespmem:$0x1DD00] =	vst v63  }
0x119: {  	s10 =	sshll.u32 @!p0 s28, $0xC  }
0x11a: {  	_ =	swait.ge [sflag:s18], $0x800;
	s10 =	sadd.s32 @!p0 s10, s31  }
0x11b: {  	s14 =	simm.s32 @!p0 $0x13C00;
	[sflag:s18] =	ssyncset.done $0x0;
	s10 =	sshrl.u32 @!p0 s10, $0x3  }
0x11c: {  	s12 =	simm.s32 @!p0 $0x0;
	[sflag:s18] =	ssyncadd.s32 $0xFFFFF800;
	s10 =	sadd.s32 @!p0 s2, s10  }
0x11d: {  	[tilespmem:s14], [sflag:$0x3] =	stream.linear.gather @!p0 [hbm4b:s10+s12], $0x80, $0x38;
	[tilespmem:$0x1DD00] =	vst v63  }
0x11e: {  	s19 =	simm.s32 @!p0 $0x13D00;
	s14 =	sadd.s32 @!p0 $0x10, s10  }
0x11f: {  	[tilespmem:s19], [sflag:$0x3] =	stream.linear.gather @!p0 [hbm4b:s14+s12], $0x80, $0x38;
	[tilespmem:$0x1DD00] =	vst v63  }
0x120: {  	s14 =	sadd.s32 @!p0 $0x20, s10;
	s19 =	simm.s32 @!p0 $0x13E00  }
0x121: {  	[tilespmem:s19], [sflag:$0x3] =	stream.linear.gather @!p0 [hbm4b:s14+s12], $0x80, $0x38;
	[tilespmem:$0x1DD00] =	vst v63  }
0x122: {  	s14 =	sadd.s32 @!p0 $0x30, s10;
	s19 =	simm.s32 @!p0 $0x13F00  }
0x123: {  	[tilespmem:s19], [sflag:$0x3] =	stream.linear.gather @!p0 [hbm4b:s14+s12], $0x80, $0x38;
	[tilespmem:$0x1DD00] =	vst v63  }
0x124: {  	s14 =	sadd.s32 @!p0 $0x40, s10;
	s19 =	simm.s32 @!p0 $0x14000  }
0x125: {  	[tilespmem:s19], [sflag:$0x3] =	stream.linear.gather @!p0 [hbm4b:s14+s12], $0x80, $0x38;
	[tilespmem:$0x1DD00] =	vst v63  }
0x126: {  	s14 =	sadd.s32 @!p0 $0x50, s10;
	s19 =	simm.s32 @!p0 $0x14100  }
0x127: {  	[tilespmem:s19], [sflag:$0x3] =	stream.linear.gather @!p0 [hbm4b:s14+s12], $0x80, $0x38;
	[tilespmem:$0x1DD00] =	vst v63  }
0x128: {  	s14 =	sadd.s32 @!p0 $0x60, s10;
	s19 =	simm.s32 @!p0 $0x14200  }
0x129: {  	[tilespmem:s19], [sflag:$0x3] =	stream.linear.gather @!p0 [hbm4b:s14+s12], $0x80, $0x38;
	[tilespmem:$0x1DD00] =	vst v63  }
0x12a: {  	s14 =	sadd.s32 @!p0 $0x70, s10;
	s19 =	simm.s32 @!p0 $0x14300  }
0x12b: {  	[tilespmem:s19], [sflag:$0x3] =	stream.linear.gather @!p0 [hbm4b:s14+s12], $0x80, $0x38;
	[tilespmem:$0x1DD00] =	vst v63  }
0x12c: {  	s14 =	sadd.s32 @!p0 $0x80, s10;
	s19 =	simm.s32 @!p0 $0x14400  }
0x12d: {  	[tilespmem:s19], [sflag:$0x3] =	stream.linear.gather @!p0 [hbm4b:s14+s12], $0x80, $0x38;
	[tilespmem:$0x1DD00] =	vst v63  }
0x12e: {  	s14 =	sadd.s32 @!p0 $0x90, s10;
	s19 =	simm.s32 @!p0 $0x14500  }
0x12f: {  	[tilespmem:s19], [sflag:$0x3] =	stream.linear.gather @!p0 [hbm4b:s14+s12], $0x80, $0x38;
	[tilespmem:$0x1DD00] =	vst v63  }
0x130: {  	s14 =	sadd.s32 @!p0 $0xA0, s10;
	s19 =	simm.s32 @!p0 $0x14600  }
0x131: {  	[tilespmem:s19], [sflag:$0x3] =	stream.linear.gather @!p0 [hbm4b:s14+s12], $0x80, $0x38;
	[tilespmem:$0x1DD00] =	vst v63  }
0x132: {  	s14 =	sadd.s32 @!p0 $0xB0, s10;
	s19 =	simm.s32 @!p0 $0x14700  }
0x133: {  	[tilespmem:s19], [sflag:$0x3] =	stream.linear.gather @!p0 [hbm4b:s14+s12], $0x80, $0x38;
	[tilespmem:$0x1DD00] =	vst v63  }
0x134: {  	s14 =	sadd.s32 @!p0 $0xC0, s10;
	s19 =	simm.s32 @!p0 $0x14800  }
0x135: {  	[tilespmem:s19], [sflag:$0x3] =	stream.linear.gather @!p0 [hbm4b:s14+s12], $0x80, $0x38;
	[tilespmem:$0x1DD00] =	vst v63  }
0x136: {  	s14 =	sadd.s32 @!p0 $0xD0, s10;
	s19 =	simm.s32 @!p0 $0x14900  }
0x137: {  	[tilespmem:s19], [sflag:$0x3] =	stream.linear.gather @!p0 [hbm4b:s14+s12], $0x80, $0x38;
	[tilespmem:$0x1DD00] =	vst v63  }
0x138: {  	s14 =	sadd.s32 @!p0 $0xE0, s10;
	s19 =	simm.s32 @!p0 $0x14A00  }
0x139: {  	[tilespmem:s19], [sflag:$0x3] =	stream.linear.gather @!p0 [hbm4b:s14+s12], $0x80, $0x38;
	[tilespmem:$0x1DD00] =	vst v63  }
0x13a: {  	p1 =	seq.s32 @!p0 s28, $0x0;
	s10 =	sadd.s32 @!p0 $0xF0, s10;
	s14 =	simm.s32 @!p0 $0x14B00  }
0x13b: {  	[tilespmem:s14], [sflag:$0x3] =	stream.linear.gather @!p0 [hbm4b:s10+s12], $0x80, $0x38;
	[tilespmem:$0x1DD00] =	vst v63  }
0x13c: {  	p0 =	por p0, !p1  }
0x13d: {  	_ =	swait.ge @p0 [sflag:s16], $0x4000  }
0x13e: {  	[sflag:s16] =	ssyncset.done @p0 $0x0  }
0x13f: {  	s19 =	simm.s32 $0x13CF0;
	[sflag:s16] =	ssyncadd.s32 @p0 $0xFFFFC000  }
0x140: {  	v0 =	vld [tilespmem:s19+$0x0];
	_ =	sdelay $0x3  }
0x141: {  	v1 =	vld [tilespmem:s19+$0xFFFFFFA0]  }
0x142: {  	v2 =	vshll.u32 v0, $0x3  }
0x143: {  	v3 =	vld [tilespmem:s19+$0xFFFFFFB0];
	v0 =	vand.u32 $0x7F, v0;
	v2 =	vand.u32 $0xFFFFFC00, v2  }
0x144: {  	v5 =	vld [tilespmem:s19+$0xFFFFFF90];
	v4 =	vor.u32 v0, v2;
	_ =	sdelay $0x1  }
0x145: {  	v2 =	vld [tilespmem:s19+$0xFFFFFFC0];
	v0 =	vshll.u32 v1, $0x3  }
0x146: {  	v7 =	vld [tilespmem:s19+$0xFFFFFFE0];
	v1 =	vand.u32 $0x7F, v1;
	v8 =	vand.u32 $0xFFFFFC00, v0  }
0x147: {  	v6 =	vld [tilespmem:s19+$0xFFFFFFD0];
	v0 =	vshll.u32 v3, $0x3;
	v1 =	vor.u32 v1, v8  }
0x148: {  	v11 =	vor.u32 $0x80, v4;
	v9 =	vand.u32 $0xFFFFFC00, v0;
	v0 =	vshll.u32 v5, $0x3;
	v10 =	vld.idx.msk [tilespmem:v4+s9+$0x0], $0xffff  }
0x149: {  	v12 =	vld [tilespmem:s19+$0xFFFFFFF0];
	v3 =	vand.u32 $0x7F, v3;
	v5 =	vand.u32 $0x7F, v5;
	v0 =	vand.u32 $0xFFFFFC00, v0  }
0x14a: {  	v0 =	vor.u32 v5, v0;
	v13 =	vshll.u32 v2, $0x3;
	v8 =	vand.u32 $0x7F, v2  }
0x14b: {  	v2 =	vor.u32 v3, v9;
	v9 =	vshll.u32 v7, $0x3;
	v5 =	vand.u32 $0xFFFFFC00, v13  }
0x14c: {  	s10 =	simm.s32 $0x19F00;
	v13 =	vshll.u32 v6, $0x3;
	v3 =	vor.u32 v8, v5;
	v5 =	vand.u32 $0xFFFFFC00, v9;
	v9 =	vld.idx.msk [tilespmem:v1+s9+$0x0], $0xffff  }
0x14d: {  	v15 =	vor.u32 $0x80, v1;
	v6 =	vand.u32 $0x7F, v6;
	v13 =	vand.u32 $0xFFFFFC00, v13;
	[tilespmem:s10+$0xFFFFFE70] =	vst v10  }
0x14e: {  	v7 =	vand.u32 $0x7F, v7;
	v8 =	vshll.u32 v12, $0x3;
	v10 =	vor.u32 v6, v13;
	v6 =	vld.idx.msk [tilespmem:v11+s9+$0x0], $0xffff  }
0x14f: {  	v11 =	vor.u32 v7, v5;
	v5 =	vld.idx.msk [tilespmem:v0+s9+$0x0], $0xffff;
	v7 =	vand.u32 $0xFFFFFC00, v8;
	v8 =	vand.u32 $0x7F, v12  }
0x150: {  	v13 =	vor.u32 $0x100, v4;
	v12 =	vor.u32 v8, v7;
	v7 =	vld.idx.msk [tilespmem:v2+s9+$0x0], $0xffff  }
0x151: {  	v8 =	vor.u32 $0x80, v0;
	v14 =	vld.idx.msk [tilespmem:v3+s9+$0x0], $0xffff;
	[tilespmem:s10+$0xFFFFFE10] =	vst v9  }
0x152: {  	v15 =	vld.idx.msk [tilespmem:v15+s9+$0x0], $0xffff  }
0x153: {  	v17 =	vor.u32 $0x80, v2;
	v16 =	vld.idx.msk [tilespmem:v10+s9+$0x0], $0xffff  }
0x154: {  	v18 =	vld.idx.msk [tilespmem:v11+s9+$0x0], $0xffff;
	[tilespmem:s10+$0xFFFFFEF0] =	vst v6;
	v6 =	vor.u32 $0x80, v3  }
0x155: {  	[tilespmem:s10+$0xFFFFFE00] =	vst v5;
	v5 =	vld.idx.msk [tilespmem:v13+s9+$0x0], $0xffff;
	v13 =	vor.u32 $0x80, v10  }
0x156: {  	v19 =	vor.u32 $0x80, v11;
	v8 =	vld.idx.msk [tilespmem:v8+s9+$0x0], $0xffff;
	[tilespmem:s10+$0xFFFFFE20] =	vst v7  }
0x157: {  	v9 =	vld.idx.msk [tilespmem:v12+s9+$0x0], $0xffff;
	v7 =	vor.u32 $0x180, v4;
	[tilespmem:s10+$0xFFFFFE30] =	vst v14  }
0x158: {  	v14 =	vor.u32 $0x80, v12;
	v17 =	vld.idx.msk [tilespmem:v17+s9+$0x0], $0xffff;
	[tilespmem:s10+$0xFFFFFE40] =	vst v16  }
0x159: {  	v16 =	vor.u32 $0x100, v0;
	v6 =	vld.idx.msk [tilespmem:v6+s9+$0x0], $0xffff;
	[tilespmem:s10+$0xFFFFFE50] =	vst v18  }
0x15a: {  	v18 =	vor.u32 $0x100, v1;
	v13 =	vld.idx.msk [tilespmem:v13+s9+$0x0], $0xffff;
	[tilespmem:s10+$0xFFFFFF70] =	vst v5  }
0x15b: {  	v5 =	vor.u32 $0x100, v2;
	[tilespmem:s10+$0xFFFFFE80] =	vst v8;
	v8 =	vld.idx.msk [tilespmem:v19+s9+$0x0], $0xffff  }
0x15c: {  	[tilespmem:s10+$0xFFFFFE60] =	vst v9;
	v9 =	vor.u32 $0x100, v3;
	v7 =	vld.idx.msk [tilespmem:v7+s9+$0x0], $0xffff  }
0x15d: {  	[tilespmem:s10+$0xFFFFFE90] =	vst v15;
	v19 =	vor.u32 $0x100, v10;
	v14 =	vld.idx.msk [tilespmem:v14+s9+$0x0], $0xffff  }
0x15e: {  	[tilespmem:s10+$0xFFFFFEA0] =	vst v17;
	v17 =	vor.u32 $0x100, v11;
	v16 =	vld.idx.msk [tilespmem:v16+s9+$0x0], $0xffff  }
0x15f: {  	v15 =	vor.u32 $0x200, v4;
	v18 =	vld.idx.msk [tilespmem:v18+s9+$0x0], $0xffff;
	[tilespmem:s10+$0xFFFFFEB0] =	vst v6  }
0x160: {  	v6 =	vor.u32 $0x100, v12;
	v5 =	vld.idx.msk [tilespmem:v5+s9+$0x0], $0xffff;
	[tilespmem:s10+$0xFFFFFEC0] =	vst v13  }
0x161: {  	v13 =	vor.u32 $0x180, v0;
	v9 =	vld.idx.msk [tilespmem:v9+s9+$0x0], $0xffff;
	[tilespmem:s10+$0xFFFFFED0] =	vst v8  }
0x162: {  	[tilespmem:s10+$0xFFFFFFF0] =	vst v7;
	v7 =	vor.u32 $0x180, v1;
	v19 =	vld.idx.msk [tilespmem:v19+s9+$0x0], $0xffff  }
0x163: {  	[tilespmem:s10+$0xFFFFFEE0] =	vst v14;
	v14 =	vld.idx.msk [tilespmem:v17+s9+$0x0], $0xffff;
	v17 =	vor.u32 $0x180, v3  }
0x164: {  	v8 =	vld.idx.msk [tilespmem:v15+s9+$0x0], $0xffff;
	v15 =	vor.u32 $0x180, v2;
	[tilespmem:s10+$0xFFFFFF00] =	vst v16  }
0x165: {  	v16 =	vor.u32 $0x280, v4;
	[tilespmem:s10+$0xFFFFFF10] =	vst v18;
	v6 =	vld.idx.msk [tilespmem:v6+s9+$0x0], $0xffff  }
0x166: {  	v18 =	vor.u32 $0x180, v10;
	v13 =	vld.idx.msk [tilespmem:v13+s9+$0x0], $0xffff;
	[tilespmem:s10+$0xFFFFFF20] =	vst v5  }
0x167: {  	v5 =	vor.u32 $0x180, v11;
	[tilespmem:s10+$0xFFFFFF30] =	vst v9;
	v7 =	vld.idx.msk [tilespmem:v7+s9+$0x0], $0xffff  }
0x168: {  	v9 =	vor.u32 $0x180, v12;
	[tilespmem:s10+$0xFFFFFF40] =	vst v19;
	v17 =	vld.idx.msk [tilespmem:v17+s9+$0x0], $0xffff  }
0x169: {  	v15 =	vld.idx.msk [tilespmem:v15+s9+$0x0], $0xffff;
	[tilespmem:s10+$0x70] =	vst v8;
	v8 =	vor.u32 $0x200, v0  }
0x16a: {  	v19 =	vor.u32 $0x200, v1;
	[tilespmem:s10+$0xFFFFFF50] =	vst v14;
	v16 =	vld.idx.msk [tilespmem:v16+s9+$0x0], $0xffff  }
0x16b: {  	v14 =	vld.idx.msk [tilespmem:v18+s9+$0x0], $0xffff;
	[tilespmem:s10+$0xFFFFFF60] =	vst v6;
	v6 =	vor.u32 $0x300, v4  }
0x16c: {  	v18 =	vor.u32 $0x200, v2;
	[tilespmem:s10+$0xFFFFFF80] =	vst v13;
	v5 =	vld.idx.msk [tilespmem:v5+s9+$0x0], $0xffff  }
0x16d: {  	v13 =	vor.u32 $0x200, v3;
	[tilespmem:s10+$0xFFFFFF90] =	vst v7;
	v7 =	vld.idx.msk [tilespmem:v9+s9+$0x0], $0xffff  }
0x16e: {  	v9 =	vor.u32 $0x200, v10;
	v8 =	vld.idx.msk [tilespmem:v8+s9+$0x0], $0xffff;
	[tilespmem:s10+$0xFFFFFFA0] =	vst v15  }
0x16f: {  	v15 =	vor.u32 $0x200, v11;
	v19 =	vld.idx.msk [tilespmem:v19+s9+$0x0], $0xffff;
	[tilespmem:s10+$0xF0] =	vst v16  }
0x170: {  	[tilespmem:s10+$0xFFFFFFB0] =	vst v17;
	v16 =	vor.u32 $0x200, v12;
	v6 =	vld.idx.msk [tilespmem:v6+s9+$0x0], $0xffff  }
0x171: {  	v17 =	vor.u32 $0x280, v0;
	v18 =	vld.idx.msk [tilespmem:v18+s9+$0x0], $0xffff;
	[tilespmem:s10+$0xFFFFFFC0] =	vst v14  }
0x172: {  	v4 =	vor.u32 $0x380, v4;
	v13 =	vld.idx.msk [tilespmem:v13+s9+$0x0], $0xffff;
	[tilespmem:s10+$0xFFFFFFD0] =	vst v5  }
0x173: {  	v5 =	vor.u32 $0x280, v1;
	v9 =	vld.idx.msk [tilespmem:v9+s9+$0x0], $0xffff;
	[tilespmem:s10+$0xFFFFFFE0] =	vst v7  }
0x174: {  	v7 =	vor.u32 $0x280, v2;
	[tilespmem:s10+$0x0] =	vst v8;
	v8 =	vld.idx.msk [tilespmem:v15+s9+$0x0], $0xffff  }
0x175: {  	v14 =	vor.u32 $0x280, v3;
	[tilespmem:s10+$0x10] =	vst v19;
	v15 =	vld.idx.msk [tilespmem:v16+s9+$0x0], $0xffff  }
0x176: {  	v16 =	vor.u32 $0x280, v10;
	v17 =	vld.idx.msk [tilespmem:v17+s9+$0x0], $0xffff;
	[tilespmem:s10+$0x170] =	vst v6  }
0x177: {  	v6 =	vor.u32 $0x280, v11;
	[tilespmem:s10+$0x20] =	vst v18;
	v4 =	vld.idx.msk [tilespmem:v4+s9+$0x0], $0xffff  }
0x178: {  	v18 =	vor.u32 $0x280, v12;
	v5 =	vld.idx.msk [tilespmem:v5+s9+$0x0], $0xffff;
	[tilespmem:s10+$0x30] =	vst v13  }
0x179: {  	v13 =	vor.u32 $0x300, v0;
	v7 =	vld.idx.msk [tilespmem:v7+s9+$0x0], $0xffff;
	[tilespmem:s10+$0x40] =	vst v9  }
0x17a: {  	v9 =	vor.u32 $0x300, v1;
	v19 =	vld.idx.msk [tilespmem:v14+s9+$0x0], $0xffff;
	[tilespmem:s10+$0x50] =	vst v8  }
0x17b: {  	v20 =	vor.u32 $0x300, v2;
	v21 =	vld.idx.msk [tilespmem:v16+s9+$0x0], $0xffff;
	[tilespmem:s10+$0x60] =	vst v15  }
0x17c: {  	v22 =	vor.u32 $0x300, v3;
	[tilespmem:s10+$0x80] =	vst v17;
	v17 =	vld.idx.msk [tilespmem:v6+s9+$0x0], $0xffff  }
0x17d: {  	v23 =	vor.u32 $0x300, v10;
	v15 =	vld.idx.msk [tilespmem:v18+s9+$0x0], $0xffff;
	[tilespmem:s10+$0x1F0] =	vst v4  }
0x17e: {  	v14 =	vld.idx.msk [tilespmem:v13+s9+$0x0], $0xffff;
	[tilespmem:s10+$0x90] =	vst v5  }
0x17f: {  	v13 =	vld.idx.msk [tilespmem:v9+s9+$0x0], $0xffff;
	[tilespmem:s10+$0xA0] =	vst v7  }
0x180: {  	v8 =	vor.u32 $0x300, v11;
	v6 =	vor.u32 $0x380, v1;
	v1 =	vor.u32 $0x380, v11;
	[tilespmem:s10+$0xB0] =	vst v19;
	v16 =	vld.idx.msk [tilespmem:v20+s9+$0x0], $0xffff  }
0x181: {  	v5 =	vor.u32 $0x380, v2;
	v4 =	vor.u32 $0x380, v3;
	v2 =	vor.u32 $0x380, v10;
	v3 =	vld.idx.msk [tilespmem:v22+s9+$0x0], $0xffff;
	[tilespmem:s10+$0xC0] =	vst v21  }
0x182: {  	s14 =	simm.s32 $0x0;
	s12 =	simm.s32 $0x19F00;
	s19 =	simm.s32 $0x13DF0;
	v7 =	vor.u32 $0x380, v0;
	v9 =	vor.u32 $0x300, v12;
	v0 =	vor.u32 $0x380, v12;
	v10 =	vld.idx.msk [tilespmem:v23+s9+$0x0], $0xffff;
	[tilespmem:s10+$0xD0] =	vst v17  }
.LBB2_7:
0x183: {  	v11 =	vld [tilespmem:s19+$0x0];
	s14 =	sadd.s32 $0x8, s14;
	[tilespmem:s10+$0xE0] =	vst v15  }
0x184: {  	v12 =	vld [tilespmem:s19+$0xFFFFFFA0];
	p0 =	slt.u32 s14, $0x78;
	[tilespmem:s10+$0x100] =	vst v14  }
0x185: {  	v14 =	vld [tilespmem:s19+$0xFFFFFFB0];
	[tilespmem:s10+$0x110] =	vst v13  }
0x186: {  	v13 =	vld [tilespmem:s19+$0xFFFFFFC0];
	[tilespmem:s10+$0x120] =	vst v16  }
0x187: {  	v15 =	vld [tilespmem:s19+$0xFFFFFFD0];
	[tilespmem:s10+$0x130] =	vst v3  }
0x188: {  	v16 =	vld [tilespmem:s19+$0xFFFFFFE0];
	v3 =	vshll.u32 v11, $0x3;
	[tilespmem:s10+$0x140] =	vst v10  }
0x189: {  	v11 =	vand.u32 $0x7F, v11;
	v10 =	vshll.u32 v12, $0x3;
	v17 =	vld [tilespmem:s19+$0xFFFFFFF0];
	v3 =	vand.u32 $0xFFFFFC00, v3  }
0x18a: {  	v18 =	vld [tilespmem:s19+$0xFFFFFF90];
	v10 =	vand.u32 $0xFFFFFC00, v10;
	v19 =	vshll.u32 v14, $0x3;
	v3 =	vor.u32 v11, v3  }
0x18b: {  	v11 =	vand.u32 $0x7F, v12;
	v12 =	vand.u32 $0xFFFFFC00, v19;
	v19 =	vshll.u32 v13, $0x3;
	v8 =	vld.idx.msk [tilespmem:v8+s9+$0x0], $0xffff  }
0x18c: {  	v14 =	vand.u32 $0x7F, v14;
	v19 =	vand.u32 $0xFFFFFC00, v19;
	v20 =	vshll.u32 v15, $0x3;
	v9 =	vld.idx.msk [tilespmem:v9+s9+$0x0], $0xffff  }
0x18d: {  	v13 =	vand.u32 $0x7F, v13;
	v20 =	vand.u32 $0xFFFFFC00, v20;
	v21 =	vshll.u32 v16, $0x3;
	v7 =	vld.idx.msk [tilespmem:v7+s9+$0x0], $0xffff  }
0x18e: {  	v15 =	vand.u32 $0x7F, v15;
	v21 =	vand.u32 $0xFFFFFC00, v21;
	v22 =	vshll.u32 v17, $0x3;
	v6 =	vld.idx.msk [tilespmem:v6+s9+$0x0], $0xffff  }
0x18f: {  	v23 =	vand.u32 $0x7F, v18;
	v18 =	vshll.u32 v18, $0x3;
	v22 =	vand.u32 $0xFFFFFC00, v22;
	v24 =	vld.idx.msk [tilespmem:v3+s9+$0x0], $0xffff  }
0x190: {  	v16 =	vand.u32 $0x7F, v16;
	v17 =	vand.u32 $0x7F, v17;
	v18 =	vand.u32 $0xFFFFFC00, v18;
	v5 =	vld.idx.msk [tilespmem:v5+s9+$0x0], $0xffff  }
0x191: {  	v25 =	vor.u32 v11, v10;
	v10 =	vor.u32 $0x80, v3;
	v23 =	vor.u32 v23, v18;
	v4 =	vld.idx.msk [tilespmem:v4+s9+$0x0], $0xffff;
	[tilespmem:s10+$0x150] =	vst v8  }
0x192: {  	v26 =	vor.u32 v14, v12;
	v27 =	vor.u32 v13, v19;
	v28 =	vor.u32 v15, v20;
	[tilespmem:s10+$0x160] =	vst v9  }
0x193: {  	v21 =	vor.u32 v16, v21;
	v22 =	vor.u32 v17, v22;
	v8 =	vor.u32 $0x80, v23;
	[tilespmem:s10+$0x180] =	vst v7;
	v2 =	vld.idx.msk [tilespmem:v2+s9+$0x0], $0xffff  }
0x194: {  	v29 =	vor.u32 $0x80, v27;
	v9 =	vor.u32 $0x80, v26;
	v7 =	vor.u32 $0x80, v25;
	s10 =	sadd.s32 $0x400, s10;
	[tilespmem:s12+$0x190] =	vst v6;
	v1 =	vld.idx.msk [tilespmem:v1+s9+$0x0], $0xffff  }
0x195: {  	v30 =	vor.u32 $0x80, v28;
	v31 =	vor.u32 $0x80, v21;
	v32 =	vor.u32 $0x80, v22;
	[tilespmem:s10+$0xFFFFFE70] =	vst v24;
	v0 =	vld.idx.msk [tilespmem:v0+s9+$0x0], $0xffff  }
0x196: {  	v33 =	vor.u32 $0x100, v25;
	v34 =	vor.u32 $0x100, v26;
	v24 =	vor.u32 $0x100, v23;
	v6 =	vld.idx.msk [tilespmem:v10+s9+$0x0], $0xffff;
	[tilespmem:s12+$0x1A0] =	vst v5  }
0x197: {  	v35 =	vor.u32 $0x100, v27;
	v36 =	vor.u32 $0x100, v28;
	v37 =	vor.u32 $0x100, v21;
	v5 =	vld.idx.msk [tilespmem:v23+s9+$0x0], $0xffff;
	[tilespmem:s12+$0x1B0] =	vst v4  }
0x198: {  	v39 =	vor.u32 $0x100, v22;
	v38 =	vor.u32 $0x180, v23;
	v10 =	vor.u32 $0x100, v3;
	v4 =	vld.idx.msk [tilespmem:v25+s9+$0x0], $0xffff  }
0x199: {  	v40 =	vor.u32 $0x180, v25;
	v41 =	vor.u32 $0x180, v26;
	v42 =	vor.u32 $0x180, v27;
	v11 =	vld.idx.msk [tilespmem:v26+s9+$0x0], $0xffff;
	[tilespmem:s12+$0x1C0] =	vst v2  }
0x19a: {  	v43 =	vor.u32 $0x180, v28;
	v44 =	vor.u32 $0x180, v21;
	v45 =	vor.u32 $0x180, v22;
	v2 =	vld.idx.msk [tilespmem:v27+s9+$0x0], $0xffff;
	[tilespmem:s12+$0x1D0] =	vst v1  }
0x19b: {  	v47 =	vor.u32 $0x200, v25;
	v48 =	vor.u32 $0x200, v26;
	v46 =	vor.u32 $0x200, v23;
	v1 =	vld.idx.msk [tilespmem:v28+s9+$0x0], $0xffff;
	[tilespmem:s12+$0x1E0] =	vst v0;
	s12 =	smov.u32 s10  }
0x19c: {  	v49 =	vor.u32 $0x200, v27;
	v50 =	vor.u32 $0x200, v28;
	v51 =	vor.u32 $0x200, v21;
	v0 =	vld.idx.msk [tilespmem:v21+s9+$0x0], $0xffff;
	[tilespmem:s10+$0xFFFFFEF0] =	vst v6  }
0x19d: {  	v18 =	vor.u32 $0x280, v25;
	v53 =	vor.u32 $0x200, v22;
	v52 =	vor.u32 $0x280, v23;
	[tilespmem:s10+$0xFFFFFE00] =	vst v5;
	v54 =	vld.idx.msk [tilespmem:v10+s9+$0x0], $0xffff  }
0x19e: {  	v20 =	vor.u32 $0x280, v26;
	v19 =	vor.u32 $0x280, v27;
	v15 =	vor.u32 $0x280, v28;
	[tilespmem:s10+$0xFFFFFE10] =	vst v4;
	v55 =	vld.idx.msk [tilespmem:v22+s9+$0x0], $0xffff  }
0x19f: {  	v57 =	vor.u32 $0x180, v3;
	v17 =	vor.u32 $0x280, v21;
	v16 =	vor.u32 $0x280, v22;
	v56 =	vld.idx.msk [tilespmem:v8+s9+$0x0], $0xffff;
	[tilespmem:s10+$0xFFFFFE20] =	vst v11  }
0x1a0: {  	v13 =	vor.u32 $0x300, v25;
	v14 =	vor.u32 $0x300, v23;
	v10 =	vor.u32 $0x300, v26;
	v58 =	vld.idx.msk [tilespmem:v7+s9+$0x0], $0xffff;
	[tilespmem:s10+$0xFFFFFE30] =	vst v2  }
0x1a1: {  	v12 =	vor.u32 $0x300, v27;
	v11 =	vor.u32 $0x300, v28;
	v8 =	vor.u32 $0x300, v21;
	v59 =	vld.idx.msk [tilespmem:v9+s9+$0x0], $0xffff;
	[tilespmem:s10+$0xFFFFFE40] =	vst v1  }
0x1a2: {  	v6 =	vor.u32 $0x380, v25;
	v7 =	vor.u32 $0x380, v23;
	v9 =	vor.u32 $0x300, v22;
	v23 =	vld.idx.msk [tilespmem:v29+s9+$0x0], $0xffff;
	[tilespmem:s10+$0xFFFFFE50] =	vst v0  }
0x1a3: {  	v5 =	vor.u32 $0x380, v26;
	v4 =	vor.u32 $0x380, v27;
	v2 =	vor.u32 $0x380, v28;
	v25 =	vld.idx.msk [tilespmem:v30+s9+$0x0], $0xffff;
	[tilespmem:s10+$0xFFFFFF70] =	vst v54  }
0x1a4: {  	v1 =	vor.u32 $0x380, v21;
	v0 =	vor.u32 $0x380, v22;
	[tilespmem:s10+$0xFFFFFE60] =	vst v55;
	v21 =	vld.idx.msk [tilespmem:v57+s9+$0x0], $0xffff  }
0x1a5: {  	[tilespmem:s10+$0xFFFFFE80] =	vst v56;
	v22 =	vld.idx.msk [tilespmem:v31+s9+$0x0], $0xffff  }
0x1a6: {  	v27 =	vor.u32 $0x200, v3;
	[tilespmem:s10+$0xFFFFFE90] =	vst v58;
	v26 =	vld.idx.msk [tilespmem:v32+s9+$0x0], $0xffff  }
0x1a7: {  	v24 =	vld.idx.msk [tilespmem:v24+s9+$0x0], $0xffff;
	[tilespmem:s10+$0xFFFFFEA0] =	vst v59  }
0x1a8: {  	v28 =	vld.idx.msk [tilespmem:v33+s9+$0x0], $0xffff;
	[tilespmem:s10+$0xFFFFFEB0] =	vst v23  }
0x1a9: {  	v23 =	vld.idx.msk [tilespmem:v34+s9+$0x0], $0xffff;
	[tilespmem:s10+$0xFFFFFEC0] =	vst v25  }
0x1aa: {  	v25 =	vld.idx.msk [tilespmem:v35+s9+$0x0], $0xffff;
	[tilespmem:s10+$0xFFFFFFF0] =	vst v21  }
0x1ab: {  	[tilespmem:s10+$0xFFFFFED0] =	vst v22;
	v21 =	vld.idx.msk [tilespmem:v27+s9+$0x0], $0xffff  }
0x1ac: {  	v22 =	vld.idx.msk [tilespmem:v36+s9+$0x0], $0xffff;
	[tilespmem:s10+$0xFFFFFEE0] =	vst v26  }
0x1ad: {  	v26 =	vor.u32 $0x280, v3;
	[tilespmem:s10+$0xFFFFFF00] =	vst v24;
	v24 =	vld.idx.msk [tilespmem:v37+s9+$0x0], $0xffff  }
0x1ae: {  	[tilespmem:s10+$0xFFFFFF10] =	vst v28;
	v27 =	vld.idx.msk [tilespmem:v39+s9+$0x0], $0xffff  }
0x1af: {  	v28 =	vld.idx.msk [tilespmem:v38+s9+$0x0], $0xffff;
	[tilespmem:s10+$0xFFFFFF20] =	vst v23  }
0x1b0: {  	v23 =	vld.idx.msk [tilespmem:v40+s9+$0x0], $0xffff;
	[tilespmem:s10+$0xFFFFFF30] =	vst v25  }
0x1b1: {  	v25 =	vld.idx.msk [tilespmem:v41+s9+$0x0], $0xffff;
	[tilespmem:s10+$0x70] =	vst v21  }
0x1b2: {  	[tilespmem:s10+$0xFFFFFF40] =	vst v22;
	v21 =	vld.idx.msk [tilespmem:v26+s9+$0x0], $0xffff  }
0x1b3: {  	v22 =	vld.idx.msk [tilespmem:v42+s9+$0x0], $0xffff;
	[tilespmem:s10+$0xFFFFFF50] =	vst v24  }
0x1b4: {  	v26 =	vor.u32 $0x300, v3;
	v24 =	vld.idx.msk [tilespmem:v43+s9+$0x0], $0xffff;
	[tilespmem:s10+$0xFFFFFF60] =	vst v27  }
0x1b5: {  	[tilespmem:s10+$0xFFFFFF80] =	vst v28;
	v27 =	vld.idx.msk [tilespmem:v44+s9+$0x0], $0xffff  }
0x1b6: {  	[tilespmem:s10+$0xFFFFFF90] =	vst v23;
	v23 =	vld.idx.msk [tilespmem:v45+s9+$0x0], $0xffff  }
0x1b7: {  	v28 =	vld.idx.msk [tilespmem:v46+s9+$0x0], $0xffff;
	[tilespmem:s10+$0xFFFFFFA0] =	vst v25  }
0x1b8: {  	v25 =	vld.idx.msk [tilespmem:v47+s9+$0x0], $0xffff;
	[tilespmem:s10+$0xF0] =	vst v21  }
0x1b9: {  	[tilespmem:s10+$0xFFFFFFB0] =	vst v22;
	v21 =	vld.idx.msk [tilespmem:v26+s9+$0x0], $0xffff  }
0x1ba: {  	v22 =	vld.idx.msk [tilespmem:v48+s9+$0x0], $0xffff;
	[tilespmem:s10+$0xFFFFFFC0] =	vst v24  }
0x1bb: {  	v3 =	vor.u32 $0x380, v3;
	v24 =	vld.idx.msk [tilespmem:v49+s9+$0x0], $0xffff;
	[tilespmem:s10+$0xFFFFFFD0] =	vst v27  }
0x1bc: {  	v26 =	vld.idx.msk [tilespmem:v50+s9+$0x0], $0xffff;
	[tilespmem:s10+$0xFFFFFFE0] =	vst v23  }
0x1bd: {  	[tilespmem:s10+$0x0] =	vst v28;
	v23 =	vld.idx.msk [tilespmem:v51+s9+$0x0], $0xffff  }
0x1be: {  	[tilespmem:s10+$0x10] =	vst v25;
	v25 =	vld.idx.msk [tilespmem:v53+s9+$0x0], $0xffff  }
0x1bf: {  	v27 =	vld.idx.msk [tilespmem:v52+s9+$0x0], $0xffff;
	[tilespmem:s10+$0x170] =	vst v21  }
0x1c0: {  	[tilespmem:s10+$0x20] =	vst v22;
	v3 =	vld.idx.msk [tilespmem:v3+s9+$0x0], $0xffff  }
0x1c1: {  	v18 =	vld.idx.msk [tilespmem:v18+s9+$0x0], $0xffff;
	[tilespmem:s10+$0x30] =	vst v24  }
0x1c2: {  	v20 =	vld.idx.msk [tilespmem:v20+s9+$0x0], $0xffff;
	[tilespmem:s10+$0x40] =	vst v26  }
0x1c3: {  	v19 =	vld.idx.msk [tilespmem:v19+s9+$0x0], $0xffff;
	[tilespmem:s10+$0x50] =	vst v23  }
0x1c4: {  	v21 =	vld.idx.msk [tilespmem:v15+s9+$0x0], $0xffff;
	[tilespmem:s10+$0x60] =	vst v25  }
0x1c5: {  	[tilespmem:s10+$0x80] =	vst v27;
	v17 =	vld.idx.msk [tilespmem:v17+s9+$0x0], $0xffff  }
0x1c6: {  	v15 =	vld.idx.msk [tilespmem:v16+s9+$0x0], $0xffff;
	[tilespmem:s10+$0x1F0] =	vst v3  }
.Ltmp6:
0x1c7: {  	v14 =	vld.idx.msk [tilespmem:v14+s9+$0x0], $0xffff;
	[tilespmem:s10+$0x90] =	vst v18;
	(pc) =	sbr.rel @p0 .LBB2_7-.Ltmp6, $4  }
0x1c8: {  	v13 =	vld.idx.msk [tilespmem:v13+s9+$0x0], $0xffff;
	[tilespmem:s10+$0xA0] =	vst v20  }
0x1c9: {  	v16 =	vld.idx.msk [tilespmem:v10+s9+$0x0], $0xffff;
	[tilespmem:s10+$0xB0] =	vst v19  }
0x1ca: {  	v3 =	vld.idx.msk [tilespmem:v12+s9+$0x0], $0xffff;
	[tilespmem:s10+$0xC0] =	vst v21  }
0x1cb: {  	s19 =	sadd.s32 $0x100, s19;
	v10 =	vld.idx.msk [tilespmem:v11+s9+$0x0], $0xffff;
	[tilespmem:s10+$0xD0] =	vst v17  }
0x1cc: {  	_ =	sdelay $0x2  }
0x1cd: {  	[tilespmem:s10+$0xE0] =	vst v15  }
0x1ce: {  	[tilespmem:s10+$0x100] =	vst v14;
	v8 =	vld.idx.msk [tilespmem:v8+s9+$0x0], $0xffff  }
0x1cf: {  	[tilespmem:s10+$0x110] =	vst v13;
	v9 =	vld.idx.msk [tilespmem:v9+s9+$0x0], $0xffff  }
0x1d0: {  	v7 =	vld.idx.msk [tilespmem:v7+s9+$0x0], $0xffff;
	[tilespmem:s10+$0x120] =	vst v16  }
0x1d1: {  	v63 =	vld.idx.msk [tilespmem:v6+s9+$0x0], $0xffff;
	[tilespmem:s10+$0x130] =	vst v3  }
0x1d2: {  	v5 =	vld.idx.msk [tilespmem:v5+s9+$0x0], $0xffff;
	[tilespmem:s10+$0x140] =	vst v10  }
0x1d3: {  	v4 =	vld.idx.msk [tilespmem:v4+s9+$0x0], $0xffff;
	[tilespmem:s10+$0x150] =	vst v8  }
0x1d4: {  	v2 =	vld.idx.msk [tilespmem:v2+s9+$0x0], $0xffff;
	[tilespmem:s10+$0x160] =	vst v9  }
0x1d5: {  	[tilespmem:s10+$0x180] =	vst v7;
	v1 =	vld.idx.msk [tilespmem:v1+s9+$0x0], $0xffff  }
0x1d6: {  	s28 =	sadd.s32 $0x1, s28;
	[tilespmem:s12+$0x190] =	vst v63;
	v0 =	vld.idx.msk [tilespmem:v0+s9+$0x0], $0xffff  }
0x1d7: {  	p0 =	sne.s32 s28, $0x4;
	[tilespmem:s12+$0x1A0] =	vst v5  }
.Ltmp7:
0x1d8: {  	s5 =	sshll.u32 s5, $0xE;
	[tilespmem:s12+$0x1B0] =	vst v4;
	(pc) =	sbr.rel @p0 .LBB2_4-.Ltmp7, $4  }
0x1d9: {  	s5 =	sadd.s32 s30, s5;
	[tilespmem:s12+$0x1C0] =	vst v2  }
0x1da: {  	s5 =	sshrl.u32 s5, $0x3;
	[tilespmem:s12+$0x1D0] =	vst v1  }
0x1db: {  	s5 =	sadd.s32 s8, s5;
	[tilespmem:s12+$0x1E0] =	vst v0  }
0x1dc: {  	[hbm4b:s5+s9] =	stream.linear.scatter [tilespmem:s4], [sflag:$0x2], $0x4000, $0x38;
	[tilespmem:$0x1DD00] =	vst v63  }
0x1dd: {  	s10 =	simm.s32 $0x1  }
0x1de: {  	p0 =	sgt.u32 s26, $0xAF;
	_ =	swait.ge [sflag:s10], $0x4000  }
0x1df: {  	s5 =	sshrl.u32 @!p0 s26, $0x3;
	[sflag:s10] =	ssyncset.done $0x0  }
0x1e0: {  	s5 =	smul.u32 @!p0 $0x9E000, s5;
	[sflag:s10] =	ssyncadd.s32 $0xFFFFC000  }
0x1e1: {  	s10 =	rddreg [dreg:$0x8];
	_ =	swait.ge [sflag:s16], $0x4000  }
0x1e2: {  	s5 =	sadd.s32 @!p0 s10, s5;
	[sflag:s16] =	ssyncset.done $0x0  }
0x1e3: {  	s5 =	sadd.s32 @!p0 $0x278000, s5;
	[sflag:s16] =	ssyncadd.s32 $0xFFFFC000  }
0x1e4: {  	s5 =	sshrl.u32 @!p0 s5, $0x3;
	s10 =	rddreg [dreg:$0x0]  }
0x1e5: {  	s31 =	rddreg [dreg:$0x7];
	s5 =	sadd.s32 @!p0 s10, s5;
	s10 =	simm.s32 @!p0 $0x0  }
0x1e6: {  	[tilespmem:s10], [sflag:$0x4] =	stream.linear.gather @!p0 [hbm4b:s5+s10], $0x13C00, $0x38;
	[tilespmem:$0x1DD00] =	vst v63  }
.LBB2_10:
0x1e7: {  	s5 =	sxor.u32 $0x10, s26  }
0x1e8: {  	p0 =	sgt.u32 s5, $0x67  }
.Ltmp8:
0x1e9: {  	_ = 	snop;
	(pc) =	sbr.rel @p0 .LBB2_18-.Ltmp8, $1  }
0x1ea: {  	_ =	sdelay $0x3  }
0x1eb: {  	s10 =	sshrl.u32 s5, $0x3;
	s12 =	rddreg [dreg:$0xb]  }
0x1ec: {  	v14 =	vld [tilespmem:s12+$0x15C00];
	s5 =	sshll.u32 s10, $0xB  }
0x1ed: {  	s14 =	simm.s32 $0x14C00;
	v15 =	vld [tilespmem:s12+$0x15C80];
	s12 =	sadd.s32 s3, s5;
	s5 =	simm.s32 $0x0  }
0x1ee: {  	[tilespmem:s14], [sflag:$0x3] =	stream.linear.gather [hbm4b:s12+s5], $0x80, $0x38;
	[tilespmem:$0x1DD00] =	vst v63  }
0x1ef: {  	s19 =	simm.s32 $0x14D00;
	s30 =	sadd.s32 $0x10, s12  }
0x1f0: {  	[tilespmem:s19], [sflag:$0x3] =	stream.linear.gather [hbm4b:s30+s5], $0x80, $0x38;
	[tilespmem:$0x1DD00] =	vst v63  }
0x1f1: {  	s26 =	sadd.s32 $0x20, s12;
	s30 =	simm.s32 $0x14E00  }
0x1f2: {  	[tilespmem:s30], [sflag:$0x3] =	stream.linear.gather [hbm4b:s26+s5], $0x80, $0x38;
	[tilespmem:$0x1DD00] =	vst v63  }
0x1f3: {  	s26 =	sadd.s32 $0x30, s12;
	s30 =	simm.s32 $0x14F00  }
0x1f4: {  	[tilespmem:s30], [sflag:$0x3] =	stream.linear.gather [hbm4b:s26+s5], $0x80, $0x38;
	[tilespmem:$0x1DD00] =	vst v63  }
0x1f5: {  	s26 =	sadd.s32 $0x40, s12;
	s30 =	simm.s32 $0x15000  }
0x1f6: {  	[tilespmem:s30], [sflag:$0x3] =	stream.linear.gather [hbm4b:s26+s5], $0x80, $0x38;
	[tilespmem:$0x1DD00] =	vst v63  }
0x1f7: {  	s26 =	sadd.s32 $0x50, s12;
	s30 =	simm.s32 $0x15100  }
0x1f8: {  	[tilespmem:s30], [sflag:$0x3] =	stream.linear.gather [hbm4b:s26+s5], $0x80, $0x38;
	[tilespmem:$0x1DD00] =	vst v63  }
0x1f9: {  	s26 =	sadd.s32 $0x60, s12;
	s30 =	simm.s32 $0x15200  }
0x1fa: {  	[tilespmem:s30], [sflag:$0x3] =	stream.linear.gather [hbm4b:s26+s5], $0x80, $0x38;
	[tilespmem:$0x1DD00] =	vst v63  }
0x1fb: {  	s26 =	sadd.s32 $0x70, s12;
	s30 =	simm.s32 $0x15300  }
0x1fc: {  	[tilespmem:s30], [sflag:$0x3] =	stream.linear.gather [hbm4b:s26+s5], $0x80, $0x38;
	[tilespmem:$0x1DD00] =	vst v63  }
0x1fd: {  	s26 =	sadd.s32 $0x80, s12;
	s30 =	simm.s32 $0x15400  }
0x1fe: {  	[tilespmem:s30], [sflag:$0x3] =	stream.linear.gather [hbm4b:s26+s5], $0x80, $0x38;
	[tilespmem:$0x1DD00] =	vst v63  }
0x1ff: {  	s26 =	sadd.s32 $0x90, s12;
	s30 =	simm.s32 $0x15500  }
0x200: {  	[tilespmem:s30], [sflag:$0x3] =	stream.linear.gather [hbm4b:s26+s5], $0x80, $0x38;
	[tilespmem:$0x1DD00] =	vst v63  }
0x201: {  	s26 =	sadd.s32 $0xA0, s12;
	s30 =	simm.s32 $0x15600  }
0x202: {  	[tilespmem:s30], [sflag:$0x3] =	stream.linear.gather [hbm4b:s26+s5], $0x80, $0x38;
	[tilespmem:$0x1DD00] =	vst v63  }
0x203: {  	s26 =	sadd.s32 $0xB0, s12;
	s30 =	simm.s32 $0x15700  }
0x204: {  	[tilespmem:s30], [sflag:$0x3] =	stream.linear.gather [hbm4b:s26+s5], $0x80, $0x38;
	[tilespmem:$0x1DD00] =	vst v63  }
0x205: {  	s26 =	sadd.s32 $0xC0, s12;
	s30 =	simm.s32 $0x15800  }
0x206: {  	[tilespmem:s30], [sflag:$0x3] =	stream.linear.gather [hbm4b:s26+s5], $0x80, $0x38;
	[tilespmem:$0x1DD00] =	vst v63  }
0x207: {  	v0 =	vbroadcast v14, $0x0;
	v1 =	vbroadcast v15, $0x0;
	s26 =	sadd.s32 $0xD0, s12;
	s30 =	simm.s32 $0x15900  }
0x208: {  	v2 =	vbroadcast v14, $0x1;
	v3 =	vbroadcast v15, $0x1;
	[tilespmem:s30], [sflag:$0x3] =	stream.linear.gather [hbm4b:s26+s5], $0x80, $0x38;
	[tilespmem:$0x1DD00] =	vst v63  }
0x209: {  	v4 =	vbroadcast v14, $0x2;
	v5 =	vbroadcast v15, $0x2;
	s26 =	sadd.s32 $0xE0, s12;
	s30 =	simm.s32 $0x15A00  }
0x20a: {  	v6 =	vbroadcast v14, $0x3;
	v7 =	vbroadcast v15, $0x3;
	[tilespmem:s30], [sflag:$0x3] =	stream.linear.gather [hbm4b:s26+s5], $0x80, $0x38;
	[tilespmem:$0x1DD00] =	vst v63  }
0x20b: {  	v8 =	vbroadcast v14, $0x4;
	v9 =	vbroadcast v15, $0x4;
	s12 =	sadd.s32 $0xF0, s12;
	s26 =	simm.s32 $0x15B00  }
0x20c: {  	v10 =	vbroadcast v14, $0x5;
	v11 =	vbroadcast v15, $0x5;
	[tilespmem:s26], [sflag:$0x3] =	stream.linear.gather [hbm4b:s12+s5], $0x80, $0x38;
	[tilespmem:$0x1DD00] =	vst v63  }
0x20d: {  	v12 =	vbroadcast v14, $0x6;
	v13 =	vbroadcast v15, $0x6;
	s30 =	rddreg [dreg:$0xc];
	s26 =	sshll.u32 s10, $0xE;
	s10 =	sshll.u32 s10, $0x14  }
0x20e: {  	v14 =	vbroadcast v14, $0x7;
	v15 =	vbroadcast v15, $0x7;
	s28 =	sor.u32 s30, s10;
	s29 =	sor.u32 $0x1000, s26  }
.LBB2_12:
0x20f: {  	s30 =	sshllo.u32 s5, $0x1  }
0x210: {  	s10 =	sshll.u32 s30, $0xB  }
0x211: {  	_ =	swait.ge [sflag:s18], $0x800;
	s10 =	sadd.s32 s26, s10  }
0x212: {  	[sflag:s18] =	ssyncset.done $0x0;
	s10 =	sshrl.u32 s10, $0x3  }
0x213: {  	s12 =	simm.s32 $0x14C80;
	[sflag:s18] =	ssyncadd.s32 $0xFFFFF800;
	s10 =	sadd.s32 s3, s10  }
0x214: {  	[tilespmem:s12], [sflag:$0x3] =	stream.linear.gather [hbm4b:s10+s9], $0x80, $0x38;
	[tilespmem:$0x1DD00] =	vst v63  }
0x215: {  	s14 =	simm.s32 $0x14D80;
	s19 =	sadd.s32 $0x10, s10  }
0x216: {  	[tilespmem:s14], [sflag:$0x3] =	stream.linear.gather [hbm4b:s19+s9], $0x80, $0x38;
	[tilespmem:$0x1DD00] =	vst v63  }
0x217: {  	s14 =	sadd.s32 $0x20, s10;
	s19 =	simm.s32 $0x14E80  }
0x218: {  	[tilespmem:s19], [sflag:$0x3] =	stream.linear.gather [hbm4b:s14+s9], $0x80, $0x38;
	[tilespmem:$0x1DD00] =	vst v63  }
0x219: {  	s14 =	sadd.s32 $0x30, s10;
	s19 =	simm.s32 $0x14F80  }
0x21a: {  	[tilespmem:s19], [sflag:$0x3] =	stream.linear.gather [hbm4b:s14+s9], $0x80, $0x38;
	[tilespmem:$0x1DD00] =	vst v63  }
0x21b: {  	s14 =	sadd.s32 $0x40, s10  }
0x21c: {  	[tilespmem:s7], [sflag:$0x3] =	stream.linear.gather [hbm4b:s14+s9], $0x80, $0x38;
	[tilespmem:$0x1DD00] =	vst v63  }
0x21d: {  	s19 =	sadd.s32 $0x50, s10  }
0x21e: {  	[tilespmem:s13], [sflag:$0x3] =	stream.linear.gather [hbm4b:s19+s9], $0x80, $0x38;
	[tilespmem:$0x1DD00] =	vst v63  }
0x21f: {  	s14 =	sadd.s32 $0x60, s10  }
0x220: {  	[tilespmem:s6], [sflag:$0x3] =	stream.linear.gather [hbm4b:s14+s9], $0x80, $0x38;
	[tilespmem:$0x1DD00] =	vst v63  }
0x221: {  	s19 =	sadd.s32 $0x70, s10  }
0x222: {  	[tilespmem:s11], [sflag:$0x3] =	stream.linear.gather [hbm4b:s19+s9], $0x80, $0x38;
	[tilespmem:$0x1DD00] =	vst v63  }
0x223: {  	s14 =	sadd.s32 $0x80, s10  }
0x224: {  	[tilespmem:s15], [sflag:$0x3] =	stream.linear.gather [hbm4b:s14+s9], $0x80, $0x38;
	[tilespmem:$0x1DD00] =	vst v63  }
0x225: {  	s19 =	sadd.s32 $0x90, s10  }
0x226: {  	[tilespmem:s17], [sflag:$0x3] =	stream.linear.gather [hbm4b:s19+s9], $0x80, $0x38;
	[tilespmem:$0x1DD00] =	vst v63  }
0x227: {  	s14 =	sadd.s32 $0xA0, s10  }
0x228: {  	[tilespmem:s1], [sflag:$0x3] =	stream.linear.gather [hbm4b:s14+s9], $0x80, $0x38;
	[tilespmem:$0x1DD00] =	vst v63  }
0x229: {  	s19 =	sadd.s32 $0xB0, s10  }
0x22a: {  	[tilespmem:s20], [sflag:$0x3] =	stream.linear.gather [hbm4b:s19+s9], $0x80, $0x38;
	[tilespmem:$0x1DD00] =	vst v63  }
0x22b: {  	s14 =	sadd.s32 $0xC0, s10  }
0x22c: {  	[tilespmem:s21], [sflag:$0x3] =	stream.linear.gather [hbm4b:s14+s9], $0x80, $0x38;
	[tilespmem:$0x1DD00] =	vst v63  }
0x22d: {  	s19 =	sadd.s32 $0xD0, s10  }
0x22e: {  	[tilespmem:s22], [sflag:$0x3] =	stream.linear.gather [hbm4b:s19+s9], $0x80, $0x38;
	[tilespmem:$0x1DD00] =	vst v63  }
0x22f: {  	s14 =	sadd.s32 $0xE0, s10  }
0x230: {  	[tilespmem:s23], [sflag:$0x3] =	stream.linear.gather [hbm4b:s14+s9], $0x80, $0x38;
	[tilespmem:$0x1DD00] =	vst v63  }
0x231: {  	p0 =	seq.s32 s5, $0x0;
	s10 =	sadd.s32 $0xF0, s10  }
0x232: {  	[tilespmem:s24], [sflag:$0x3] =	stream.linear.gather [hbm4b:s10+s9], $0x80, $0x38;
	[tilespmem:$0x1DD00] =	vst v63  }
0x233: {  	s10 =	simm.s32 @!p0 $0x1  }
0x234: {  	_ =	swait.ge @!p0 [sflag:s10], $0x4000  }
0x235: {  	[sflag:s10] =	ssyncset.done @!p0 $0x0  }
0x236: {  	s19 =	simm.s32 $0x14C40;
	[sflag:s10] =	ssyncadd.s32 @!p0 $0xFFFFC000  }
0x237: {  	v16 =	vld [tilespmem:s19+$0x30]  }
0x238: {  	v17 =	vld [tilespmem:s19+$0xFFFFFFD0];
	_ =	sdelay $0x3  }
0x239: {  	v18 =	vmul.f32 v16, v14  }
0x23a: {  	v19 =	vmul.f32 v17, v0  }
0x23b: {  	v21 =	vld [tilespmem:s19+$0xFFFFFFC0];
	v20 =	vmul.f32 v17, v2;
	v18 =	vadd.f32 v18, v15  }
0x23c: {  	s10 =	simm.s32 $0x15F00;
	v22 =	vmul.f32 v17, v4;
	v19 =	vadd.f32 v19, v1  }
0x23d: {  	v23 =	vmul.f32 v17, v6;
	v20 =	vadd.f32 v20, v3;
	[tilespmem:s10+$0x1F0] =	vst v18  }
0x23e: {  	v18 =	vmul.f32 v17, v8;
	[tilespmem:s10+$0xFFFFFE10] =	vst v19;
	v19 =	vadd.f32 v22, v5  }
0x23f: {  	v22 =	vmul.f32 v17, v10;
	[tilespmem:s10+$0xFFFFFE90] =	vst v20;
	v20 =	vadd.f32 v23, v7  }
0x240: {  	v23 =	vmul.f32 v21, v0;
	[tilespmem:s10+$0xFFFFFF10] =	vst v19;
	v18 =	vadd.f32 v18, v9  }
0x241: {  	v19 =	vmul.f32 v21, v2;
	[tilespmem:s10+$0xFFFFFF90] =	vst v20;
	v20 =	vadd.f32 v22, v11  }
0x242: {  	v22 =	vmul.f32 v21, v4;
	v23 =	vadd.f32 v23, v1;
	[tilespmem:s10+$0x10] =	vst v18  }
0x243: {  	v18 =	vmul.f32 v21, v6;
	v19 =	vadd.f32 v19, v3;
	[tilespmem:s10+$0x90] =	vst v20  }
0x244: {  	v20 =	vmul.f32 v21, v8;
	[tilespmem:s10+$0xFFFFFE00] =	vst v23;
	v22 =	vadd.f32 v22, v5  }
0x245: {  	v24 =	vmul.f32 v21, v10;
	v23 =	vld [tilespmem:s19+$0xFFFFFFE0];
	[tilespmem:s10+$0xFFFFFE80] =	vst v19;
	v18 =	vadd.f32 v18, v7  }
0x246: {  	v19 =	vmul.f32 v21, v12;
	[tilespmem:s10+$0xFFFFFF00] =	vst v22;
	v20 =	vadd.f32 v20, v9  }
0x247: {  	v21 =	vmul.f32 v21, v14;
	[tilespmem:s10+$0xFFFFFF80] =	vst v18;
	v18 =	vadd.f32 v24, v11  }
0x248: {  	v22 =	vmul.f32 v17, v12;
	[tilespmem:s10+$0x0] =	vst v20;
	v19 =	vadd.f32 v19, v13  }
0x249: {  	v17 =	vmul.f32 v17, v14;
	[tilespmem:s10+$0x80] =	vst v18;
	v18 =	vadd.f32 v21, v15  }
0x24a: {  	v20 =	vmul.f32 v23, v0;
	[tilespmem:s10+$0x100] =	vst v19;
	v19 =	vadd.f32 v22, v13  }
0x24b: {  	v17 =	vadd.f32 v17, v15;
	v21 =	vmul.f32 v23, v2;
	[tilespmem:s10+$0x180] =	vst v18  }
0x24c: {  	v18 =	vmul.f32 v23, v4;
	[tilespmem:s10+$0x110] =	vst v19;
	v19 =	vadd.f32 v20, v1  }
0x24d: {  	v22 =	vmul.f32 v23, v6;
	[tilespmem:s10+$0x190] =	vst v17;
	v20 =	vld [tilespmem:s19+$0xFFFFFFF0];
	v17 =	vadd.f32 v21, v3  }
0x24e: {  	v21 =	vmul.f32 v23, v8;
	[tilespmem:s10+$0xFFFFFE20] =	vst v19;
	v18 =	vadd.f32 v18, v5  }
0x24f: {  	v19 =	vmul.f32 v23, v10;
	[tilespmem:s10+$0xFFFFFEA0] =	vst v17;
	v17 =	vadd.f32 v22, v7  }
0x250: {  	v22 =	vmul.f32 v23, v12;
	[tilespmem:s10+$0xFFFFFF20] =	vst v18;
	v18 =	vadd.f32 v21, v9  }
0x251: {  	v21 =	vmul.f32 v23, v14;
	[tilespmem:s10+$0xFFFFFFA0] =	vst v17;
	v17 =	vadd.f32 v19, v11  }
0x252: {  	v19 =	vmul.f32 v20, v0;
	[tilespmem:s10+$0x20] =	vst v18;
	v18 =	vadd.f32 v22, v13  }
0x253: {  	v22 =	vmul.f32 v20, v2;
	[tilespmem:s10+$0xA0] =	vst v17;
	v17 =	vadd.f32 v21, v15  }
0x254: {  	v21 =	vmul.f32 v20, v4;
	[tilespmem:s10+$0x120] =	vst v18;
	v18 =	vadd.f32 v19, v1  }
0x255: {  	v23 =	vmul.f32 v20, v6;
	v19 =	vld [tilespmem:s19+$0x0];
	[tilespmem:s10+$0x1A0] =	vst v17;
	v17 =	vadd.f32 v22, v3  }
0x256: {  	v22 =	vmul.f32 v20, v8;
	[tilespmem:s10+$0xFFFFFE30] =	vst v18;
	v18 =	vadd.f32 v21, v5  }
0x257: {  	v21 =	vmul.f32 v20, v10;
	[tilespmem:s10+$0xFFFFFEB0] =	vst v17;
	v17 =	vadd.f32 v23, v7  }
0x258: {  	v23 =	vmul.f32 v20, v12;
	[tilespmem:s10+$0xFFFFFF30] =	vst v18;
	v18 =	vadd.f32 v22, v9  }
0x259: {  	v20 =	vmul.f32 v20, v14;
	[tilespmem:s10+$0xFFFFFFB0] =	vst v17;
	v17 =	vadd.f32 v21, v11  }
0x25a: {  	v22 =	vadd.f32 v23, v13;
	v21 =	vmul.f32 v19, v0;
	[tilespmem:s10+$0x30] =	vst v18  }
0x25b: {  	v20 =	vadd.f32 v20, v15;
	v23 =	vmul.f32 v19, v6;
	[tilespmem:s10+$0xB0] =	vst v17  }
0x25c: {  	v18 =	vmul.f32 v19, v2;
	[tilespmem:s10+$0x130] =	vst v22;
	v21 =	vadd.f32 v21, v1  }
0x25d: {  	v17 =	vmul.f32 v19, v4;
	v22 =	vld [tilespmem:s19+$0x10];
	[tilespmem:s10+$0x1B0] =	vst v20;
	v23 =	vadd.f32 v23, v7  }
0x25e: {  	v20 =	vmul.f32 v19, v8;
	v18 =	vadd.f32 v18, v3;
	[tilespmem:s10+$0xFFFFFE40] =	vst v21  }
0x25f: {  	v17 =	vadd.f32 v17, v5;
	v21 =	vmul.f32 v19, v10;
	[tilespmem:s10+$0xFFFFFFC0] =	vst v23  }
0x260: {  	v20 =	vadd.f32 v20, v9;
	[tilespmem:s10+$0xFFFFFEC0] =	vst v18;
	v18 =	vmul.f32 v19, v12  }
0x261: {  	[tilespmem:s10+$0xFFFFFF40] =	vst v17;
	v17 =	vmul.f32 v19, v14;
	v19 =	vadd.f32 v21, v11  }
0x262: {  	[tilespmem:s10+$0x40] =	vst v20;
	v21 =	vmul.f32 v22, v0;
	v18 =	vadd.f32 v18, v13  }
0x263: {  	v23 =	vmul.f32 v22, v2;
	v17 =	vadd.f32 v17, v15;
	[tilespmem:s10+$0xC0] =	vst v19  }
0x264: {  	v20 =	vld [tilespmem:s19+$0x20];
	v24 =	vmul.f32 v22, v8;
	v21 =	vadd.f32 v21, v1;
	[tilespmem:s10+$0x140] =	vst v18  }
0x265: {  	v25 =	vmul.f32 v22, v12;
	v23 =	vadd.f32 v23, v3;
	[tilespmem:s10+$0x1C0] =	vst v17  }
0x266: {  	v29 =	vmul.f32 v16, v4;
	v19 =	vmul.f32 v22, v4;
	v24 =	vadd.f32 v24, v9;
	[tilespmem:s10+$0xFFFFFE50] =	vst v21  }
0x267: {  	v30 =	vmul.f32 v16, v8;
	v25 =	vadd.f32 v25, v13;
	v18 =	vmul.f32 v22, v6;
	[tilespmem:s10+$0xFFFFFED0] =	vst v23  }
0x268: {  	v17 =	vmul.f32 v16, v0;
	v19 =	vadd.f32 v19, v5;
	v21 =	vmul.f32 v22, v10;
	[tilespmem:s10+$0x50] =	vst v24  }
0x269: {  	v22 =	vmul.f32 v22, v14;
	v23 =	vmul.f32 v20, v0;
	[tilespmem:s10+$0x150] =	vst v25;
	v18 =	vadd.f32 v18, v7  }
0x26a: {  	v26 =	vmul.f32 v20, v4;
	v27 =	vmul.f32 v20, v8;
	[tilespmem:s10+$0xFFFFFF50] =	vst v19;
	v21 =	vadd.f32 v21, v11  }
0x26b: {  	v24 =	vmul.f32 v20, v10;
	v28 =	vmul.f32 v20, v12;
	v22 =	vadd.f32 v22, v15;
	[tilespmem:s10+$0xFFFFFFD0] =	vst v18  }
0x26c: {  	v19 =	vmul.f32 v20, v2;
	v23 =	vadd.f32 v23, v1;
	v25 =	vadd.f32 v26, v5;
	[tilespmem:s10+$0xD0] =	vst v21  }
0x26d: {  	v26 =	vmul.f32 v16, v6;
	v27 =	vadd.f32 v27, v9;
	v31 =	vadd.f32 v24, v11;
	[tilespmem:s10+$0x1D0] =	vst v22  }
0x26e: {  	v18 =	vmul.f32 v20, v6;
	v20 =	vmul.f32 v20, v14;
	v19 =	vadd.f32 v19, v3;
	[tilespmem:s10+$0xFFFFFE60] =	vst v23  }
0x26f: {  	v21 =	vmul.f32 v16, v2;
	v23 =	vadd.f32 v28, v13;
	v22 =	vadd.f32 v17, v1;
	[tilespmem:s10+$0xFFFFFF60] =	vst v25  }
0x270: {  	v17 =	vmul.f32 v16, v12;
	[tilespmem:s10+$0x60] =	vst v27;
	v18 =	vadd.f32 v18, v7;
	v24 =	vadd.f32 v20, v15  }
0x271: {  	[tilespmem:s10+$0xFFFFFEE0] =	vst v19;
	v19 =	vmul.f32 v16, v10;
	v25 =	vadd.f32 v21, v3;
	v16 =	vadd.f32 v29, v5  }
0x272: {  	v21 =	vadd.f32 v30, v9;
	[tilespmem:s10+$0xFFFFFFE0] =	vst v18;
	v18 =	vadd.f32 v26, v7  }
0x273: {  	s12 =	simm.s32 $0x0;
	s14 =	simm.s32 $0x14D40;
	[tilespmem:s10+$0xE0] =	vst v31;
	v20 =	vadd.f32 v19, v11;
	v19 =	vadd.f32 v17, v13  }
.LBB2_13:
0x274: {  	v17 =	vld [tilespmem:s14+$0x30];
	s12 =	sadd.s32 $0x8, s12;
	[tilespmem:s10+$0x160] =	vst v23  }
0x275: {  	v23 =	vld [tilespmem:s14+$0xFFFFFFD0];
	p0 =	slt.u32 s12, $0x78;
	[tilespmem:s10+$0x1E0] =	vst v24  }
0x276: {  	v24 =	vld [tilespmem:s14+$0xFFFFFFE0];
	[tilespmem:s10+$0xFFFFFE70] =	vst v22  }
0x277: {  	v22 =	vld [tilespmem:s14+$0xFFFFFFF0];
	[tilespmem:s10+$0xFFFFFEF0] =	vst v25  }
0x278: {  	v25 =	vld [tilespmem:s14+$0x0];
	[tilespmem:s10+$0xFFFFFF70] =	vst v16  }
0x279: {  	v26 =	vld [tilespmem:s14+$0x10];
	v16 =	vmul.f32 v17, v0;
	v27 =	vmul.f32 v17, v14;
	[tilespmem:s10+$0xFFFFFFF0] =	vst v18  }
0x27a: {  	v28 =	vmul.f32 v23, v0;
	v29 =	vmul.f32 v23, v2;
	v18 =	vld [tilespmem:s14+$0x20];
	[tilespmem:s10+$0x70] =	vst v21  }
0x27b: {  	v30 =	vmul.f32 v23, v4;
	v31 =	vmul.f32 v23, v6;
	v21 =	vld [tilespmem:s14+$0xFFFFFFC0];
	v27 =	vadd.f32 v27, v15;
	[tilespmem:s10+$0xF0] =	vst v20  }
0x27c: {  	v32 =	vmul.f32 v23, v10;
	v20 =	vadd.f32 v28, v1;
	v28 =	vmul.f32 v23, v8;
	[tilespmem:s10+$0x170] =	vst v19;
	s10 =	sadd.s32 $0x400, s10  }
0x27d: {  	v19 =	vadd.f32 v29, v3;
	v29 =	vmul.f32 v23, v12;
	v23 =	vmul.f32 v23, v14;
	[tilespmem:s10+$0x1F0] =	vst v27  }
0x27e: {  	v27 =	vmul.f32 v24, v0;
	[tilespmem:s10+$0xFFFFFE10] =	vst v20;
	v20 =	vadd.f32 v30, v5;
	v30 =	vmul.f32 v24, v2  }
0x27f: {  	v33 =	vmul.f32 v24, v6;
	[tilespmem:s10+$0xFFFFFE90] =	vst v19;
	v19 =	vadd.f32 v31, v7;
	v31 =	vmul.f32 v24, v4  }
0x280: {  	v34 =	vmul.f32 v21, v0;
	v35 =	vmul.f32 v21, v2;
	[tilespmem:s10+$0xFFFFFF10] =	vst v20;
	v20 =	vadd.f32 v28, v9  }
0x281: {  	v28 =	vmul.f32 v21, v4;
	v36 =	vmul.f32 v21, v6;
	[tilespmem:s10+$0xFFFFFF90] =	vst v19;
	v19 =	vadd.f32 v32, v11  }
0x282: {  	v37 =	vmul.f32 v21, v10;
	v32 =	vadd.f32 v34, v1;
	v34 =	vmul.f32 v21, v8;
	[tilespmem:s10+$0x10] =	vst v20  }
0x283: {  	v20 =	vadd.f32 v35, v3;
	v35 =	vmul.f32 v21, v12;
	v21 =	vmul.f32 v21, v14;
	[tilespmem:s10+$0x90] =	vst v19  }
0x284: {  	v19 =	vadd.f32 v28, v5;
	v28 =	vmul.f32 v24, v8;
	[tilespmem:s10+$0xFFFFFE00] =	vst v32;
	v32 =	vmul.f32 v24, v10  }
0x285: {  	[tilespmem:s10+$0xFFFFFE80] =	vst v20;
	v20 =	vadd.f32 v36, v7;
	v36 =	vmul.f32 v24, v12;
	v24 =	vmul.f32 v24, v14  }
0x286: {  	v38 =	vmul.f32 v22, v2;
	[tilespmem:s10+$0xFFFFFF00] =	vst v19;
	v19 =	vadd.f32 v34, v9;
	v34 =	vmul.f32 v22, v0  }
0x287: {  	v39 =	vmul.f32 v22, v6;
	[tilespmem:s10+$0xFFFFFF80] =	vst v20;
	v20 =	vadd.f32 v37, v11;
	v37 =	vmul.f32 v22, v4  }
0x288: {  	v40 =	vmul.f32 v22, v10;
	[tilespmem:s10+$0x0] =	vst v19;
	v19 =	vadd.f32 v35, v13;
	v35 =	vmul.f32 v22, v8  }
0x289: {  	[tilespmem:s10+$0x80] =	vst v20;
	v20 =	vadd.f32 v21, v15;
	v21 =	vmul.f32 v22, v12;
	v22 =	vmul.f32 v22, v14  }
0x28a: {  	v41 =	vmul.f32 v25, v2;
	[tilespmem:s10+$0x100] =	vst v19;
	v19 =	vadd.f32 v29, v13;
	v29 =	vmul.f32 v25, v0  }
0x28b: {  	v42 =	vmul.f32 v25, v6;
	[tilespmem:s10+$0x180] =	vst v20;
	v20 =	vadd.f32 v23, v15;
	v23 =	vmul.f32 v25, v4  }
0x28c: {  	v43 =	vmul.f32 v25, v10;
	[tilespmem:s10+$0x110] =	vst v19;
	v19 =	vadd.f32 v27, v1;
	v27 =	vmul.f32 v25, v8  }
0x28d: {  	[tilespmem:s10+$0x190] =	vst v20;
	v20 =	vadd.f32 v30, v3;
	v30 =	vmul.f32 v25, v12;
	v25 =	vmul.f32 v25, v14  }
0x28e: {  	v44 =	vmul.f32 v26, v2;
	[tilespmem:s10+$0xFFFFFE20] =	vst v19;
	v19 =	vadd.f32 v31, v5;
	v31 =	vmul.f32 v26, v0  }
0x28f: {  	v45 =	vmul.f32 v26, v6;
	[tilespmem:s10+$0xFFFFFEA0] =	vst v20;
	v20 =	vadd.f32 v33, v7;
	v33 =	vmul.f32 v26, v4  }
0x290: {  	v46 =	vmul.f32 v26, v10;
	[tilespmem:s10+$0xFFFFFF20] =	vst v19;
	v19 =	vadd.f32 v28, v9;
	v28 =	vmul.f32 v26, v8  }
0x291: {  	[tilespmem:s10+$0xFFFFFFA0] =	vst v20;
	v20 =	vadd.f32 v32, v11;
	v32 =	vmul.f32 v26, v12;
	v26 =	vmul.f32 v26, v14  }
0x292: {  	v47 =	vmul.f32 v18, v2;
	[tilespmem:s10+$0x20] =	vst v19;
	v19 =	vadd.f32 v36, v13;
	v36 =	vmul.f32 v18, v0  }
0x293: {  	v48 =	vmul.f32 v18, v6;
	[tilespmem:s10+$0xA0] =	vst v20;
	v20 =	vadd.f32 v24, v15;
	v24 =	vmul.f32 v18, v4  }
0x294: {  	v49 =	vmul.f32 v18, v10;
	[tilespmem:s10+$0x120] =	vst v19;
	v19 =	vadd.f32 v34, v1;
	v34 =	vmul.f32 v18, v8  }
0x295: {  	[tilespmem:s10+$0x1A0] =	vst v20;
	v20 =	vadd.f32 v38, v3;
	v38 =	vmul.f32 v18, v12;
	v18 =	vmul.f32 v18, v14  }
0x296: {  	v50 =	vmul.f32 v17, v4;
	[tilespmem:s10+$0xFFFFFE30] =	vst v19;
	v19 =	vadd.f32 v37, v5;
	v37 =	vmul.f32 v17, v2  }
0x297: {  	v51 =	vmul.f32 v17, v8;
	[tilespmem:s10+$0xFFFFFEB0] =	vst v20;
	v20 =	vadd.f32 v39, v7;
	v39 =	vmul.f32 v17, v6  }
0x298: {  	[tilespmem:s10+$0xFFFFFF30] =	vst v19;
	v19 =	vadd.f32 v35, v9;
	v35 =	vmul.f32 v17, v10;
	v17 =	vmul.f32 v17, v12  }
0x299: {  	v21 =	vadd.f32 v21, v13;
	[tilespmem:s10+$0xFFFFFFB0] =	vst v20;
	v20 =	vadd.f32 v40, v11  }
0x29a: {  	[tilespmem:s10+$0x30] =	vst v19;
	v19 =	vadd.f32 v22, v15;
	v22 =	vadd.f32 v29, v1  }
0x29b: {  	v23 =	vadd.f32 v23, v5;
	[tilespmem:s10+$0xB0] =	vst v20;
	v20 =	vadd.f32 v41, v3  }
0x29c: {  	v27 =	vadd.f32 v27, v9;
	[tilespmem:s10+$0x130] =	vst v21;
	v21 =	vadd.f32 v42, v7  }
0x29d: {  	v29 =	vadd.f32 v30, v13;
	[tilespmem:s10+$0x1B0] =	vst v19;
	v19 =	vadd.f32 v43, v11  }
0x29e: {  	[tilespmem:s10+$0xFFFFFE40] =	vst v22;
	v22 =	vadd.f32 v25, v15;
	v25 =	vadd.f32 v31, v1  }
0x29f: {  	v30 =	vadd.f32 v33, v5;
	[tilespmem:s10+$0xFFFFFEC0] =	vst v20;
	v20 =	vadd.f32 v44, v3  }
0x2a0: {  	v28 =	vadd.f32 v28, v9;
	v31 =	vadd.f32 v45, v7;
	[tilespmem:s10+$0xFFFFFF40] =	vst v23  }
0x2a1: {  	v32 =	vadd.f32 v32, v13;
	v33 =	vadd.f32 v46, v11;
	[tilespmem:s10+$0xFFFFFFC0] =	vst v21  }
0x2a2: {  	v26 =	vadd.f32 v26, v15;
	[tilespmem:s10+$0x40] =	vst v27;
	v27 =	vadd.f32 v36, v1  }
0x2a3: {  	v40 =	vadd.f32 v24, v5;
	v36 =	vadd.f32 v47, v3;
	[tilespmem:s10+$0xC0] =	vst v19  }
0x2a4: {  	v34 =	vadd.f32 v34, v9;
	[tilespmem:s10+$0x140] =	vst v29;
	v29 =	vadd.f32 v48, v7  }
0x2a5: {  	v41 =	vadd.f32 v49, v11;
	v23 =	vadd.f32 v38, v13;
	[tilespmem:s10+$0x1C0] =	vst v22  }
0x2a6: {  	v24 =	vadd.f32 v18, v15;
	v22 =	vadd.f32 v16, v1;
	[tilespmem:s10+$0xFFFFFE50] =	vst v25  }
0x2a7: {  	v16 =	vadd.f32 v50, v5;
	v25 =	vadd.f32 v37, v3;
	[tilespmem:s10+$0xFFFFFED0] =	vst v20  }
0x2a8: {  	v18 =	vadd.f32 v39, v7;
	v21 =	vadd.f32 v51, v9;
	[tilespmem:s10+$0xFFFFFF50] =	vst v30  }
0x2a9: {  	v19 =	vadd.f32 v17, v13;
	v20 =	vadd.f32 v35, v11;
	[tilespmem:s10+$0xFFFFFFD0] =	vst v31  }
0x2aa: {  	[tilespmem:s10+$0x50] =	vst v28  }
0x2ab: {  	[tilespmem:s10+$0xD0] =	vst v33  }
0x2ac: {  	[tilespmem:s10+$0x150] =	vst v32  }
0x2ad: {  	[tilespmem:s10+$0x1D0] =	vst v26  }
0x2ae: {  	[tilespmem:s10+$0xFFFFFE60] =	vst v27  }
.Ltmp9:
0x2af: {  	[tilespmem:s10+$0xFFFFFEE0] =	vst v36;
	(pc) =	sbr.rel @p0 .LBB2_13-.Ltmp9, $4  }
0x2b0: {  	[tilespmem:s10+$0xFFFFFF60] =	vst v40  }
0x2b1: {  	[tilespmem:s10+$0xFFFFFFE0] =	vst v29  }
0x2b2: {  	[tilespmem:s10+$0x60] =	vst v34  }
0x2b3: {  	s14 =	sadd.s32 $0x100, s14;
	[tilespmem:s10+$0xE0] =	vst v41  }
0x2b4: {  	[tilespmem:s10+$0x160] =	vst v23  }
0x2b5: {  	[tilespmem:s10+$0x1E0] =	vst v24  }
0x2b6: {  	[tilespmem:s10+$0xFFFFFE70] =	vst v22  }
0x2b7: {  	[tilespmem:s10+$0xFFFFFEF0] =	vst v25  }
0x2b8: {  	[tilespmem:s10+$0xFFFFFF70] =	vst v16  }
0x2b9: {  	[tilespmem:s10+$0xFFFFFFF0] =	vst v18;
	s12 =	sshll.u32 s5, $0xF  }
0x2ba: {  	[tilespmem:s10+$0x70] =	vst v21;
	s12 =	sadd.s32 s28, s12  }
0x2bb: {  	[tilespmem:s10+$0xF0] =	vst v20;
	p0 =	seq.s32 s5, $0x3;
	s12 =	sshrl.u32 s12, $0x3  }
0x2bc: {  	[tilespmem:s10+$0x170] =	vst v19;
	s10 =	sshll.u32 @!p0 s5, $0xC;
	s14 =	sadd.s32 s8, s12  }
0x2bd: {  	[hbm4b:s14+s9] =	stream.linear.scatter [tilespmem:s0], [sflag:$0x1], $0x4000, $0x38;
	[tilespmem:$0x1DD00] =	vst v63  }
0x2be: {  	s10 =	sadd.s32 @!p0 s10, s29;
	_ =	swait.ge [sflag:s18], $0x800  }
0x2bf: {  	s10 =	sshrl.u32 @!p0 s10, $0x3;
	s12 =	simm.s32 @!p0 $0x0;
	[sflag:s18] =	ssyncset.done $0x0  }
0x2c0: {  	s10 =	sadd.s32 @!p0 s3, s10;
	s14 =	simm.s32 @!p0 $0x14C00;
	[sflag:s18] =	ssyncadd.s32 $0xFFFFF800  }
0x2c1: {  	[tilespmem:s14], [sflag:$0x3] =	stream.linear.gather @!p0 [hbm4b:s10+s12], $0x80, $0x38;
	[tilespmem:$0x1DD00] =	vst v63  }
0x2c2: {  	s19 =	simm.s32 @!p0 $0x14D00;
	s14 =	sadd.s32 @!p0 $0x10, s10  }
0x2c3: {  	[tilespmem:s19], [sflag:$0x3] =	stream.linear.gather @!p0 [hbm4b:s14+s12], $0x80, $0x38;
	[tilespmem:$0x1DD00] =	vst v63  }
0x2c4: {  	s14 =	sadd.s32 @!p0 $0x20, s10;
	s19 =	simm.s32 @!p0 $0x14E00  }
0x2c5: {  	[tilespmem:s19], [sflag:$0x3] =	stream.linear.gather @!p0 [hbm4b:s14+s12], $0x80, $0x38;
	[tilespmem:$0x1DD00] =	vst v63  }
0x2c6: {  	s14 =	sadd.s32 @!p0 $0x30, s10;
	s19 =	simm.s32 @!p0 $0x14F00  }
0x2c7: {  	[tilespmem:s19], [sflag:$0x3] =	stream.linear.gather @!p0 [hbm4b:s14+s12], $0x80, $0x38;
	[tilespmem:$0x1DD00] =	vst v63  }
0x2c8: {  	s14 =	sadd.s32 @!p0 $0x40, s10;
	s19 =	simm.s32 @!p0 $0x15000  }
0x2c9: {  	[tilespmem:s19], [sflag:$0x3] =	stream.linear.gather @!p0 [hbm4b:s14+s12], $0x80, $0x38;
	[tilespmem:$0x1DD00] =	vst v63  }
0x2ca: {  	s14 =	sadd.s32 @!p0 $0x50, s10;
	s19 =	simm.s32 @!p0 $0x15100  }
0x2cb: {  	[tilespmem:s19], [sflag:$0x3] =	stream.linear.gather @!p0 [hbm4b:s14+s12], $0x80, $0x38;
	[tilespmem:$0x1DD00] =	vst v63  }
0x2cc: {  	s14 =	sadd.s32 @!p0 $0x60, s10;
	s19 =	simm.s32 @!p0 $0x15200  }
0x2cd: {  	[tilespmem:s19], [sflag:$0x3] =	stream.linear.gather @!p0 [hbm4b:s14+s12], $0x80, $0x38;
	[tilespmem:$0x1DD00] =	vst v63  }
0x2ce: {  	s14 =	sadd.s32 @!p0 $0x70, s10;
	s19 =	simm.s32 @!p0 $0x15300  }
0x2cf: {  	[tilespmem:s19], [sflag:$0x3] =	stream.linear.gather @!p0 [hbm4b:s14+s12], $0x80, $0x38;
	[tilespmem:$0x1DD00] =	vst v63  }
0x2d0: {  	s14 =	sadd.s32 @!p0 $0x80, s10;
	s19 =	simm.s32 @!p0 $0x15400  }
0x2d1: {  	[tilespmem:s19], [sflag:$0x3] =	stream.linear.gather @!p0 [hbm4b:s14+s12], $0x80, $0x38;
	[tilespmem:$0x1DD00] =	vst v63  }
0x2d2: {  	s14 =	sadd.s32 @!p0 $0x90, s10;
	s19 =	simm.s32 @!p0 $0x15500  }
0x2d3: {  	[tilespmem:s19], [sflag:$0x3] =	stream.linear.gather @!p0 [hbm4b:s14+s12], $0x80, $0x38;
	[tilespmem:$0x1DD00] =	vst v63  }
0x2d4: {  	s14 =	sadd.s32 @!p0 $0xA0, s10;
	s19 =	simm.s32 @!p0 $0x15600  }
0x2d5: {  	[tilespmem:s19], [sflag:$0x3] =	stream.linear.gather @!p0 [hbm4b:s14+s12], $0x80, $0x38;
	[tilespmem:$0x1DD00] =	vst v63  }
0x2d6: {  	s14 =	sadd.s32 @!p0 $0xB0, s10;
	s19 =	simm.s32 @!p0 $0x15700  }
0x2d7: {  	[tilespmem:s19], [sflag:$0x3] =	stream.linear.gather @!p0 [hbm4b:s14+s12], $0x80, $0x38;
	[tilespmem:$0x1DD00] =	vst v63  }
0x2d8: {  	s14 =	sadd.s32 @!p0 $0xC0, s10;
	s19 =	simm.s32 @!p0 $0x15800  }
0x2d9: {  	[tilespmem:s19], [sflag:$0x3] =	stream.linear.gather @!p0 [hbm4b:s14+s12], $0x80, $0x38;
	[tilespmem:$0x1DD00] =	vst v63  }
0x2da: {  	s14 =	sadd.s32 @!p0 $0xD0, s10;
	s19 =	simm.s32 @!p0 $0x15900  }
0x2db: {  	[tilespmem:s19], [sflag:$0x3] =	stream.linear.gather @!p0 [hbm4b:s14+s12], $0x80, $0x38;
	[tilespmem:$0x1DD00] =	vst v63  }
0x2dc: {  	s14 =	sadd.s32 @!p0 $0xE0, s10;
	s19 =	simm.s32 @!p0 $0x15A00  }
0x2dd: {  	[tilespmem:s19], [sflag:$0x3] =	stream.linear.gather @!p0 [hbm4b:s14+s12], $0x80, $0x38;
	[tilespmem:$0x1DD00] =	vst v63  }
0x2de: {  	p1 =	seq.s32 @!p0 s5, $0x0;
	s10 =	sadd.s32 @!p0 $0xF0, s10;
	s14 =	simm.s32 @!p0 $0x15B00  }
0x2df: {  	[tilespmem:s14], [sflag:$0x3] =	stream.linear.gather @!p0 [hbm4b:s10+s12], $0x80, $0x38;
	[tilespmem:$0x1DD00] =	vst v63  }
0x2e0: {  	p0 =	por p0, !p1  }
0x2e1: {  	_ =	swait.ge @p0 [sflag:s16], $0x4000  }
0x2e2: {  	[sflag:s16] =	ssyncset.done @p0 $0x0  }
0x2e3: {  	s19 =	simm.s32 $0x14CF0;
	[sflag:s16] =	ssyncadd.s32 @p0 $0xFFFFC000  }
0x2e4: {  	v16 =	vld [tilespmem:s19+$0x0]  }
0x2e5: {  	v17 =	vld [tilespmem:s19+$0xFFFFFFA0];
	_ =	sdelay $0x3  }
0x2e6: {  	v18 =	vmul.f32 v16, v14  }
0x2e7: {  	v19 =	vmul.f32 v17, v0  }
0x2e8: {  	v21 =	vld [tilespmem:s19+$0xFFFFFF90];
	v20 =	vmul.f32 v17, v2;
	v18 =	vadd.f32 v18, v15  }
0x2e9: {  	s10 =	simm.s32 $0x19F00;
	v22 =	vmul.f32 v17, v4;
	v19 =	vadd.f32 v19, v1  }
0x2ea: {  	v23 =	vmul.f32 v17, v6;
	v20 =	vadd.f32 v20, v3;
	[tilespmem:s10+$0x1F0] =	vst v18  }
0x2eb: {  	v18 =	vmul.f32 v17, v8;
	[tilespmem:s10+$0xFFFFFE10] =	vst v19;
	v19 =	vadd.f32 v22, v5  }
0x2ec: {  	v22 =	vmul.f32 v17, v10;
	[tilespmem:s10+$0xFFFFFE90] =	vst v20;
	v20 =	vadd.f32 v23, v7  }
0x2ed: {  	v23 =	vmul.f32 v21, v0;
	[tilespmem:s10+$0xFFFFFF10] =	vst v19;
	v18 =	vadd.f32 v18, v9  }
0x2ee: {  	v19 =	vmul.f32 v21, v2;
	[tilespmem:s10+$0xFFFFFF90] =	vst v20;
	v20 =	vadd.f32 v22, v11  }
0x2ef: {  	v22 =	vmul.f32 v21, v4;
	v23 =	vadd.f32 v23, v1;
	[tilespmem:s10+$0x10] =	vst v18  }
0x2f0: {  	v18 =	vmul.f32 v21, v6;
	v19 =	vadd.f32 v19, v3;
	[tilespmem:s10+$0x90] =	vst v20  }
0x2f1: {  	v20 =	vmul.f32 v21, v8;
	[tilespmem:s10+$0xFFFFFE00] =	vst v23;
	v22 =	vadd.f32 v22, v5  }
0x2f2: {  	v24 =	vmul.f32 v21, v10;
	v23 =	vld [tilespmem:s19+$0xFFFFFFB0];
	[tilespmem:s10+$0xFFFFFE80] =	vst v19;
	v18 =	vadd.f32 v18, v7  }
0x2f3: {  	v19 =	vmul.f32 v21, v12;
	[tilespmem:s10+$0xFFFFFF00] =	vst v22;
	v20 =	vadd.f32 v20, v9  }
0x2f4: {  	v21 =	vmul.f32 v21, v14;
	[tilespmem:s10+$0xFFFFFF80] =	vst v18;
	v18 =	vadd.f32 v24, v11  }
0x2f5: {  	v22 =	vmul.f32 v17, v12;
	[tilespmem:s10+$0x0] =	vst v20;
	v19 =	vadd.f32 v19, v13  }
0x2f6: {  	v17 =	vmul.f32 v17, v14;
	[tilespmem:s10+$0x80] =	vst v18;
	v18 =	vadd.f32 v21, v15  }
0x2f7: {  	v20 =	vmul.f32 v23, v0;
	[tilespmem:s10+$0x100] =	vst v19;
	v19 =	vadd.f32 v22, v13  }
0x2f8: {  	v17 =	vadd.f32 v17, v15;
	v21 =	vmul.f32 v23, v2;
	[tilespmem:s10+$0x180] =	vst v18  }
0x2f9: {  	v18 =	vmul.f32 v23, v4;
	[tilespmem:s10+$0x110] =	vst v19;
	v19 =	vadd.f32 v20, v1  }
0x2fa: {  	v22 =	vmul.f32 v23, v6;
	[tilespmem:s10+$0x190] =	vst v17;
	v20 =	vld [tilespmem:s19+$0xFFFFFFC0];
	v17 =	vadd.f32 v21, v3  }
0x2fb: {  	v21 =	vmul.f32 v23, v8;
	[tilespmem:s10+$0xFFFFFE20] =	vst v19;
	v18 =	vadd.f32 v18, v5  }
0x2fc: {  	v19 =	vmul.f32 v23, v10;
	[tilespmem:s10+$0xFFFFFEA0] =	vst v17;
	v17 =	vadd.f32 v22, v7  }
0x2fd: {  	v22 =	vmul.f32 v23, v12;
	[tilespmem:s10+$0xFFFFFF20] =	vst v18;
	v18 =	vadd.f32 v21, v9  }
0x2fe: {  	v21 =	vmul.f32 v23, v14;
	[tilespmem:s10+$0xFFFFFFA0] =	vst v17;
	v17 =	vadd.f32 v19, v11  }
0x2ff: {  	v19 =	vmul.f32 v20, v0;
	[tilespmem:s10+$0x20] =	vst v18;
	v18 =	vadd.f32 v22, v13  }
0x300: {  	v22 =	vmul.f32 v20, v2;
	[tilespmem:s10+$0xA0] =	vst v17;
	v17 =	vadd.f32 v21, v15  }
0x301: {  	v21 =	vmul.f32 v20, v4;
	[tilespmem:s10+$0x120] =	vst v18;
	v18 =	vadd.f32 v19, v1  }
0x302: {  	v23 =	vmul.f32 v20, v6;
	v19 =	vld [tilespmem:s19+$0xFFFFFFD0];
	[tilespmem:s10+$0x1A0] =	vst v17;
	v17 =	vadd.f32 v22, v3  }
0x303: {  	v22 =	vmul.f32 v20, v8;
	[tilespmem:s10+$0xFFFFFE30] =	vst v18;
	v18 =	vadd.f32 v21, v5  }
0x304: {  	v21 =	vmul.f32 v20, v10;
	[tilespmem:s10+$0xFFFFFEB0] =	vst v17;
	v17 =	vadd.f32 v23, v7  }
0x305: {  	v23 =	vmul.f32 v20, v12;
	[tilespmem:s10+$0xFFFFFF30] =	vst v18;
	v18 =	vadd.f32 v22, v9  }
0x306: {  	v20 =	vmul.f32 v20, v14;
	[tilespmem:s10+$0xFFFFFFB0] =	vst v17;
	v17 =	vadd.f32 v21, v11  }
0x307: {  	v22 =	vadd.f32 v23, v13;
	v21 =	vmul.f32 v19, v0;
	[tilespmem:s10+$0x30] =	vst v18  }
0x308: {  	v20 =	vadd.f32 v20, v15;
	v23 =	vmul.f32 v19, v6;
	[tilespmem:s10+$0xB0] =	vst v17  }
0x309: {  	v18 =	vmul.f32 v19, v2;
	[tilespmem:s10+$0x130] =	vst v22;
	v21 =	vadd.f32 v21, v1  }
0x30a: {  	v17 =	vmul.f32 v19, v4;
	v22 =	vld [tilespmem:s19+$0xFFFFFFE0];
	[tilespmem:s10+$0x1B0] =	vst v20;
	v23 =	vadd.f32 v23, v7  }
0x30b: {  	v20 =	vmul.f32 v19, v8;
	v18 =	vadd.f32 v18, v3;
	[tilespmem:s10+$0xFFFFFE40] =	vst v21  }
0x30c: {  	v17 =	vadd.f32 v17, v5;
	v21 =	vmul.f32 v19, v10;
	[tilespmem:s10+$0xFFFFFFC0] =	vst v23  }
0x30d: {  	v20 =	vadd.f32 v20, v9;
	[tilespmem:s10+$0xFFFFFEC0] =	vst v18;
	v18 =	vmul.f32 v19, v12  }
0x30e: {  	[tilespmem:s10+$0xFFFFFF40] =	vst v17;
	v17 =	vmul.f32 v19, v14;
	v19 =	vadd.f32 v21, v11  }
0x30f: {  	[tilespmem:s10+$0x40] =	vst v20;
	v21 =	vmul.f32 v22, v0;
	v18 =	vadd.f32 v18, v13  }
0x310: {  	v23 =	vmul.f32 v22, v2;
	v17 =	vadd.f32 v17, v15;
	[tilespmem:s10+$0xC0] =	vst v19  }
0x311: {  	v20 =	vld [tilespmem:s19+$0xFFFFFFF0];
	v24 =	vmul.f32 v22, v8;
	v21 =	vadd.f32 v21, v1;
	[tilespmem:s10+$0x140] =	vst v18  }
0x312: {  	v25 =	vmul.f32 v22, v12;
	v23 =	vadd.f32 v23, v3;
	[tilespmem:s10+$0x1C0] =	vst v17  }
0x313: {  	v29 =	vmul.f32 v16, v4;
	v19 =	vmul.f32 v22, v4;
	v24 =	vadd.f32 v24, v9;
	[tilespmem:s10+$0xFFFFFE50] =	vst v21  }
0x314: {  	v30 =	vmul.f32 v16, v8;
	v25 =	vadd.f32 v25, v13;
	v18 =	vmul.f32 v22, v6;
	[tilespmem:s10+$0xFFFFFED0] =	vst v23  }
0x315: {  	v17 =	vmul.f32 v16, v0;
	v19 =	vadd.f32 v19, v5;
	v21 =	vmul.f32 v22, v10;
	[tilespmem:s10+$0x50] =	vst v24  }
0x316: {  	v22 =	vmul.f32 v22, v14;
	v23 =	vmul.f32 v20, v0;
	[tilespmem:s10+$0x150] =	vst v25;
	v18 =	vadd.f32 v18, v7  }
0x317: {  	v26 =	vmul.f32 v20, v4;
	v27 =	vmul.f32 v20, v8;
	[tilespmem:s10+$0xFFFFFF50] =	vst v19;
	v21 =	vadd.f32 v21, v11  }
0x318: {  	v24 =	vmul.f32 v20, v10;
	v28 =	vmul.f32 v20, v12;
	v22 =	vadd.f32 v22, v15;
	[tilespmem:s10+$0xFFFFFFD0] =	vst v18  }
0x319: {  	v19 =	vmul.f32 v20, v2;
	v23 =	vadd.f32 v23, v1;
	v25 =	vadd.f32 v26, v5;
	[tilespmem:s10+$0xD0] =	vst v21  }
0x31a: {  	v26 =	vmul.f32 v16, v6;
	v27 =	vadd.f32 v27, v9;
	v31 =	vadd.f32 v24, v11;
	[tilespmem:s10+$0x1D0] =	vst v22  }
0x31b: {  	v18 =	vmul.f32 v20, v6;
	v20 =	vmul.f32 v20, v14;
	v19 =	vadd.f32 v19, v3;
	[tilespmem:s10+$0xFFFFFE60] =	vst v23  }
0x31c: {  	v21 =	vmul.f32 v16, v2;
	v23 =	vadd.f32 v28, v13;
	v22 =	vadd.f32 v17, v1;
	[tilespmem:s10+$0xFFFFFF60] =	vst v25  }
0x31d: {  	v17 =	vmul.f32 v16, v12;
	[tilespmem:s10+$0x60] =	vst v27;
	v18 =	vadd.f32 v18, v7;
	v24 =	vadd.f32 v20, v15  }
0x31e: {  	[tilespmem:s10+$0xFFFFFEE0] =	vst v19;
	v19 =	vmul.f32 v16, v10;
	v25 =	vadd.f32 v21, v3;
	v16 =	vadd.f32 v29, v5  }
0x31f: {  	v21 =	vadd.f32 v30, v9;
	[tilespmem:s10+$0xFFFFFFE0] =	vst v18;
	v18 =	vadd.f32 v26, v7  }
0x320: {  	s12 =	simm.s32 $0x0;
	s14 =	simm.s32 $0x14DF0;
	[tilespmem:s10+$0xE0] =	vst v31;
	v20 =	vadd.f32 v19, v11;
	v19 =	vadd.f32 v17, v13  }
.LBB2_15:
0x321: {  	v17 =	vld [tilespmem:s14+$0x0];
	s12 =	sadd.s32 $0x8, s12;
	[tilespmem:s10+$0x160] =	vst v23  }
0x322: {  	v23 =	vld [tilespmem:s14+$0xFFFFFFA0];
	p0 =	slt.u32 s12, $0x78;
	[tilespmem:s10+$0x1E0] =	vst v24  }
0x323: {  	v24 =	vld [tilespmem:s14+$0xFFFFFFB0];
	[tilespmem:s10+$0xFFFFFE70] =	vst v22  }
0x324: {  	v22 =	vld [tilespmem:s14+$0xFFFFFFC0];
	[tilespmem:s10+$0xFFFFFEF0] =	vst v25  }
0x325: {  	v25 =	vld [tilespmem:s14+$0xFFFFFFD0];
	[tilespmem:s10+$0xFFFFFF70] =	vst v16  }
0x326: {  	v26 =	vld [tilespmem:s14+$0xFFFFFFE0];
	v16 =	vmul.f32 v17, v0;
	v27 =	vmul.f32 v17, v14;
	[tilespmem:s10+$0xFFFFFFF0] =	vst v18  }
0x327: {  	v28 =	vmul.f32 v23, v0;
	v29 =	vmul.f32 v23, v2;
	v18 =	vld [tilespmem:s14+$0xFFFFFFF0];
	[tilespmem:s10+$0x70] =	vst v21  }
0x328: {  	v30 =	vmul.f32 v23, v4;
	v31 =	vmul.f32 v23, v6;
	v21 =	vld [tilespmem:s14+$0xFFFFFF90];
	v27 =	vadd.f32 v27, v15;
	[tilespmem:s10+$0xF0] =	vst v20  }
0x329: {  	v32 =	vmul.f32 v23, v10;
	v20 =	vadd.f32 v28, v1;
	v28 =	vmul.f32 v23, v8;
	[tilespmem:s10+$0x170] =	vst v19;
	s10 =	sadd.s32 $0x400, s10  }
0x32a: {  	v19 =	vadd.f32 v29, v3;
	v29 =	vmul.f32 v23, v12;
	v23 =	vmul.f32 v23, v14;
	[tilespmem:s10+$0x1F0] =	vst v27  }
0x32b: {  	v27 =	vmul.f32 v24, v0;
	[tilespmem:s10+$0xFFFFFE10] =	vst v20;
	v20 =	vadd.f32 v30, v5;
	v30 =	vmul.f32 v24, v2  }
0x32c: {  	v33 =	vmul.f32 v24, v6;
	[tilespmem:s10+$0xFFFFFE90] =	vst v19;
	v19 =	vadd.f32 v31, v7;
	v31 =	vmul.f32 v24, v4  }
0x32d: {  	v34 =	vmul.f32 v21, v0;
	v35 =	vmul.f32 v21, v2;
	[tilespmem:s10+$0xFFFFFF10] =	vst v20;
	v20 =	vadd.f32 v28, v9  }
0x32e: {  	v28 =	vmul.f32 v21, v4;
	v36 =	vmul.f32 v21, v6;
	[tilespmem:s10+$0xFFFFFF90] =	vst v19;
	v19 =	vadd.f32 v32, v11  }
0x32f: {  	v37 =	vmul.f32 v21, v10;
	v32 =	vadd.f32 v34, v1;
	v34 =	vmul.f32 v21, v8;
	[tilespmem:s10+$0x10] =	vst v20  }
0x330: {  	v20 =	vadd.f32 v35, v3;
	v35 =	vmul.f32 v21, v12;
	v21 =	vmul.f32 v21, v14;
	[tilespmem:s10+$0x90] =	vst v19  }
0x331: {  	v19 =	vadd.f32 v28, v5;
	v28 =	vmul.f32 v24, v8;
	[tilespmem:s10+$0xFFFFFE00] =	vst v32;
	v32 =	vmul.f32 v24, v10  }
0x332: {  	[tilespmem:s10+$0xFFFFFE80] =	vst v20;
	v20 =	vadd.f32 v36, v7;
	v36 =	vmul.f32 v24, v12;
	v24 =	vmul.f32 v24, v14  }
0x333: {  	v38 =	vmul.f32 v22, v2;
	[tilespmem:s10+$0xFFFFFF00] =	vst v19;
	v19 =	vadd.f32 v34, v9;
	v34 =	vmul.f32 v22, v0  }
0x334: {  	v39 =	vmul.f32 v22, v6;
	[tilespmem:s10+$0xFFFFFF80] =	vst v20;
	v20 =	vadd.f32 v37, v11;
	v37 =	vmul.f32 v22, v4  }
0x335: {  	v40 =	vmul.f32 v22, v10;
	[tilespmem:s10+$0x0] =	vst v19;
	v19 =	vadd.f32 v35, v13;
	v35 =	vmul.f32 v22, v8  }
0x336: {  	[tilespmem:s10+$0x80] =	vst v20;
	v20 =	vadd.f32 v21, v15;
	v21 =	vmul.f32 v22, v12;
	v22 =	vmul.f32 v22, v14  }
0x337: {  	v41 =	vmul.f32 v25, v2;
	[tilespmem:s10+$0x100] =	vst v19;
	v19 =	vadd.f32 v29, v13;
	v29 =	vmul.f32 v25, v0  }
0x338: {  	v42 =	vmul.f32 v25, v6;
	[tilespmem:s10+$0x180] =	vst v20;
	v20 =	vadd.f32 v23, v15;
	v23 =	vmul.f32 v25, v4  }
0x339: {  	v43 =	vmul.f32 v25, v10;
	[tilespmem:s10+$0x110] =	vst v19;
	v19 =	vadd.f32 v27, v1;
	v27 =	vmul.f32 v25, v8  }
0x33a: {  	[tilespmem:s10+$0x190] =	vst v20;
	v20 =	vadd.f32 v30, v3;
	v30 =	vmul.f32 v25, v12;
	v25 =	vmul.f32 v25, v14  }
0x33b: {  	v44 =	vmul.f32 v26, v2;
	[tilespmem:s10+$0xFFFFFE20] =	vst v19;
	v19 =	vadd.f32 v31, v5;
	v31 =	vmul.f32 v26, v0  }
0x33c: {  	v45 =	vmul.f32 v26, v6;
	[tilespmem:s10+$0xFFFFFEA0] =	vst v20;
	v20 =	vadd.f32 v33, v7;
	v33 =	vmul.f32 v26, v4  }
0x33d: {  	v46 =	vmul.f32 v26, v10;
	[tilespmem:s10+$0xFFFFFF20] =	vst v19;
	v19 =	vadd.f32 v28, v9;
	v28 =	vmul.f32 v26, v8  }
0x33e: {  	[tilespmem:s10+$0xFFFFFFA0] =	vst v20;
	v20 =	vadd.f32 v32, v11;
	v32 =	vmul.f32 v26, v12;
	v26 =	vmul.f32 v26, v14  }
0x33f: {  	v47 =	vmul.f32 v18, v2;
	[tilespmem:s10+$0x20] =	vst v19;
	v19 =	vadd.f32 v36, v13;
	v36 =	vmul.f32 v18, v0  }
0x340: {  	v48 =	vmul.f32 v18, v6;
	[tilespmem:s10+$0xA0] =	vst v20;
	v20 =	vadd.f32 v24, v15;
	v24 =	vmul.f32 v18, v4  }
0x341: {  	v49 =	vmul.f32 v18, v10;
	[tilespmem:s10+$0x120] =	vst v19;
	v19 =	vadd.f32 v34, v1;
	v34 =	vmul.f32 v18, v8  }
0x342: {  	[tilespmem:s10+$0x1A0] =	vst v20;
	v20 =	vadd.f32 v38, v3;
	v38 =	vmul.f32 v18, v12;
	v18 =	vmul.f32 v18, v14  }
0x343: {  	v50 =	vmul.f32 v17, v4;
	[tilespmem:s10+$0xFFFFFE30] =	vst v19;
	v19 =	vadd.f32 v37, v5;
	v37 =	vmul.f32 v17, v2  }
0x344: {  	v51 =	vmul.f32 v17, v8;
	[tilespmem:s10+$0xFFFFFEB0] =	vst v20;
	v20 =	vadd.f32 v39, v7;
	v39 =	vmul.f32 v17, v6  }
0x345: {  	[tilespmem:s10+$0xFFFFFF30] =	vst v19;
	v19 =	vadd.f32 v35, v9;
	v35 =	vmul.f32 v17, v10;
	v17 =	vmul.f32 v17, v12  }
0x346: {  	v21 =	vadd.f32 v21, v13;
	[tilespmem:s10+$0xFFFFFFB0] =	vst v20;
	v20 =	vadd.f32 v40, v11  }
0x347: {  	[tilespmem:s10+$0x30] =	vst v19;
	v19 =	vadd.f32 v22, v15;
	v22 =	vadd.f32 v29, v1  }
0x348: {  	v23 =	vadd.f32 v23, v5;
	[tilespmem:s10+$0xB0] =	vst v20;
	v20 =	vadd.f32 v41, v3  }
0x349: {  	v27 =	vadd.f32 v27, v9;
	[tilespmem:s10+$0x130] =	vst v21;
	v21 =	vadd.f32 v42, v7  }
0x34a: {  	v29 =	vadd.f32 v30, v13;
	[tilespmem:s10+$0x1B0] =	vst v19;
	v19 =	vadd.f32 v43, v11  }
0x34b: {  	[tilespmem:s10+$0xFFFFFE40] =	vst v22;
	v22 =	vadd.f32 v25, v15;
	v25 =	vadd.f32 v31, v1  }
0x34c: {  	v30 =	vadd.f32 v33, v5;
	[tilespmem:s10+$0xFFFFFEC0] =	vst v20;
	v20 =	vadd.f32 v44, v3  }
0x34d: {  	v28 =	vadd.f32 v28, v9;
	v31 =	vadd.f32 v45, v7;
	[tilespmem:s10+$0xFFFFFF40] =	vst v23  }
0x34e: {  	v32 =	vadd.f32 v32, v13;
	v33 =	vadd.f32 v46, v11;
	[tilespmem:s10+$0xFFFFFFC0] =	vst v21  }
0x34f: {  	v26 =	vadd.f32 v26, v15;
	[tilespmem:s10+$0x40] =	vst v27;
	v27 =	vadd.f32 v36, v1  }
0x350: {  	v40 =	vadd.f32 v24, v5;
	v36 =	vadd.f32 v47, v3;
	[tilespmem:s10+$0xC0] =	vst v19  }
0x351: {  	v34 =	vadd.f32 v34, v9;
	[tilespmem:s10+$0x140] =	vst v29;
	v29 =	vadd.f32 v48, v7  }
0x352: {  	v41 =	vadd.f32 v49, v11;
	v23 =	vadd.f32 v38, v13;
	[tilespmem:s10+$0x1C0] =	vst v22  }
0x353: {  	v24 =	vadd.f32 v18, v15;
	v22 =	vadd.f32 v16, v1;
	[tilespmem:s10+$0xFFFFFE50] =	vst v25  }
0x354: {  	v16 =	vadd.f32 v50, v5;
	v25 =	vadd.f32 v37, v3;
	[tilespmem:s10+$0xFFFFFED0] =	vst v20  }
0x355: {  	v18 =	vadd.f32 v39, v7;
	v21 =	vadd.f32 v51, v9;
	[tilespmem:s10+$0xFFFFFF50] =	vst v30  }
0x356: {  	v19 =	vadd.f32 v17, v13;
	v20 =	vadd.f32 v35, v11;
	[tilespmem:s10+$0xFFFFFFD0] =	vst v31  }
0x357: {  	[tilespmem:s10+$0x50] =	vst v28  }
0x358: {  	[tilespmem:s10+$0xD0] =	vst v33  }
0x359: {  	[tilespmem:s10+$0x150] =	vst v32  }
0x35a: {  	[tilespmem:s10+$0x1D0] =	vst v26  }
0x35b: {  	[tilespmem:s10+$0xFFFFFE60] =	vst v27  }
.Ltmp10:
0x35c: {  	[tilespmem:s10+$0xFFFFFEE0] =	vst v36;
	(pc) =	sbr.rel @p0 .LBB2_15-.Ltmp10, $4  }
0x35d: {  	[tilespmem:s10+$0xFFFFFF60] =	vst v40  }
0x35e: {  	[tilespmem:s10+$0xFFFFFFE0] =	vst v29  }
0x35f: {  	[tilespmem:s10+$0x60] =	vst v34  }
0x360: {  	s14 =	sadd.s32 $0x100, s14;
	[tilespmem:s10+$0xE0] =	vst v41  }
0x361: {  	[tilespmem:s10+$0x160] =	vst v23  }
0x362: {  	[tilespmem:s10+$0x1E0] =	vst v24  }
0x363: {  	[tilespmem:s10+$0xFFFFFE70] =	vst v22  }
0x364: {  	[tilespmem:s10+$0xFFFFFEF0] =	vst v25;
	s5 =	sadd.s32 $0x1, s5  }
0x365: {  	[tilespmem:s10+$0xFFFFFF70] =	vst v16;
	p0 =	sne.s32 s5, $0x4  }
.Ltmp11:
0x366: {  	[tilespmem:s10+$0xFFFFFFF0] =	vst v18;
	s12 =	sshll.u32 s30, $0xE;
	(pc) =	sbr.rel @p0 .LBB2_12-.Ltmp11, $4  }
0x367: {  	[tilespmem:s10+$0x70] =	vst v21;
	s12 =	sadd.s32 s28, s12  }
0x368: {  	[tilespmem:s10+$0xF0] =	vst v20;
	s12 =	sshrl.u32 s12, $0x3  }
0x369: {  	[tilespmem:s10+$0x170] =	vst v19;
	s30 =	sadd.s32 s8, s12  }
0x36a: {  	[hbm4b:s30+s9] =	stream.linear.scatter [tilespmem:s4], [sflag:$0x2], $0x4000, $0x38;
	[tilespmem:$0x1DD00] =	vst v63  }
0x36b: {  	s5 =	simm.s32 $0x1  }
0x36c: {  	_ =	swait.ge [sflag:s5], $0x4000  }
.Ltmp12:
0x36d: {  	[sflag:s5] =	ssyncset.done $0x0;
	(pc) =	sbr.rel .LBB2_18-.Ltmp12, $4  }
0x36e: {  	[sflag:s5] =	ssyncadd.s32 $0xFFFFC000  }
0x36f: {  	_ =	swait.ge [sflag:s16], $0x4000  }
0x370: {  	[sflag:s16] =	ssyncset.done $0x0  }
0x371: {  	[sflag:s16] =	ssyncadd.s32 $0xFFFFC000  }
.LBB2_20:
0x372: {  	_ =	sfence.sel $0x180000  }
0x373: {  	[bflag:$0x0] =	sbarrier.arrive $0xFFFF  }
0x374: {  	_ =	strace $0x90000047  }
0x375: {  	s0 =	stileid.u32;
	[bflag:$0x2] =	sbarrier.arrive $0xFFFF  }
0x376: {  	p0 =	sne.s32 s0, $0x0;
	s0 =	rddreg [dreg:$0x6]  }
0x377: {  	s0 =	sadd.s32 @!p0 $0x100000, s0  }
0x378: {  	[sflag:s0] =	ssyncadd.tile.s32 @!p0 $0x1;
	_ =	shalt  }
.Lfunc_end2:
_tile_overlayer_lowered:
.L_overlay_start_2:
0x379: {  	(tag) =	ssettag $0x2  }
0x37a: {  	s0 =	rddreg [dreg:$0x0];
	s2 =	stileid.u32  }
0x37b: {  	s1 =	rddreg [dreg:$0x1];
	p0 =	sne.s32 s2, $0x0  }
0x37c: {  	s3 =	rddreg [dreg:$0x2];
	[bflag:$0x3] =	sbarrier.arrive $0xFFFF;
	s2 =	simm.s32 @!p0 $0x1C05  }
0x37d: {  	[timem:s3], [sflag:s2] =	dma.local @!p0 [hbm:s0], s1  }
0x37e: {  	s0 =	simm.s32 @!p0 $0x5  }
0x37f: {  	_ =	swait.ge @!p0 [sflag:s0], s1  }
0x380: {  	s1 =	ssub.s32 @!p0 $0x0, s1;
	[sflag:s0] =	ssyncset.done @!p0 $0x0  }
0x381: {  	[sflag:s0] =	ssyncadd.s32 @!p0 s1  }
0x382: {  	[bflag:$0x3] =	sbarrier.arrive $0xFFFF  }
0x383: {  	_ =	shalt  }

</sc_bundles>
